<compile_context>
chip_gen: v7x
topology: tpu7x:2x2x1
jax: 0.10.2.dev20260603
libtpu: 0.0.44.dev20260713+nightly
codegen_flags: <defaults>
</compile_context>

<pallas_src>
import functools

import jax
import jax.numpy as jnp
from jax import lax
from jax.experimental import pallas as pl
from jax.experimental.pallas import tpu as pltpu
from jax.experimental.pallas import tpu_sc as plsc

NC = 2
NS = 16
NW = NC * NS
LANES = 16
CHUNK = 128
NBUF = 2
BLK = 512


def _mesh():
    return plsc.VectorSubcoreMesh(
        core_axis_name="c", subcore_axis_name="s",
        num_cores=NC, num_subcores=NS)


def _fill_1d(ref, n, value):
    def body(i, _):
        ref[pl.ds(i * LANES, LANES)] = jnp.full((LANES,), value, jnp.float32)
        return 0
    lax.fori_loop(0, n // LANES, body, 0)


def _fill_2d(ref, rows, cols, value):
    per_row = cols // LANES
    def body(i, _):
        r = i // per_row
        c = i % per_row
        ref[r, pl.ds(c * LANES, LANES)] = jnp.full((LANES,), value, jnp.float32)
        return 0
    lax.fori_loop(0, rows * per_row, body, 0)



def _make_deg_kernel(EP, NP):
    n_chunks = EP // (NW * CHUNK)
    RPT = NP // NS

    @functools.partial(
        pl.kernel,
        out_type=jax.ShapeDtypeStruct((NC, NP), jnp.float32),
        mesh=_mesh(),
        scratch_types=[
            pltpu.VMEM((n_chunks, CHUNK), jnp.int32),
            pltpu.VMEM((CHUNK,), jnp.float32),
            pltpu.VMEM((RPT,), jnp.float32),
            pltpu.VMEM_SHARED((NP,), jnp.float32),
            pltpu.SemaphoreType.DMA,
            pltpu.SemaphoreType.DMA,
        ],
    )
    def deg_kernel(dstm_hbm, out_hbm, idx_v, ones_v, zbuf, acc_sh,
                   sem_i, sem_s):
        cid = lax.axis_index("c")
        sid = lax.axis_index("s")
        wid = sid * NC + cid
        gbase = wid * n_chunks
        pltpu.async_copy(dstm_hbm.at[pl.ds(gbase, n_chunks)], idx_v, sem_i)
        _fill_1d(ones_v, CHUNK, 1.0)
        _fill_1d(zbuf, RPT, 0.0)
        pltpu.sync_copy(zbuf, acc_sh.at[pl.ds(sid * RPT, RPT)])
        pltpu.make_async_copy(
            dstm_hbm.at[pl.ds(0, n_chunks)], idx_v, sem_i).wait()
        plsc.subcore_barrier()

        def chunk(j, _):
            pltpu.async_copy(ones_v, acc_sh.at[idx_v.at[j]], sem_s, add=True)

            @pl.when(j >= 8)
            def _():
                pltpu.make_async_copy(
                    ones_v, acc_sh.at[pl.ds(0, CHUNK)], sem_s).wait()
            return 0
        lax.fori_loop(0, n_chunks, chunk, 0)

        def drain(j, _):
            pltpu.make_async_copy(
                ones_v, acc_sh.at[pl.ds(0, CHUNK)], sem_s).wait()
            return 0
        lax.fori_loop(0, min(8, n_chunks), drain, 0)
        plsc.subcore_barrier()
        pltpu.sync_copy(acc_sh.at[pl.ds(sid * RPT, RPT)],
                        out_hbm.at[cid, pl.ds(sid * RPT, RPT)])

    return deg_kernel



def _make_scatter_kernel(EP, NP, D, chunk, nbuf, DO=None):
    DO = D if DO is None else DO
    n_chunks = EP // (NW * chunk)
    n_outer = n_chunks // nbuf
    EPW = EP // NW
    RPT = NP // NS
    ZR = chunk if DO != D else 16

    @functools.partial(
        pl.kernel,
        out_type=jax.ShapeDtypeStruct((NC, NP, DO), jnp.float32),
        mesh=_mesh(),
        scratch_types=[
            pltpu.VMEM((2, nbuf, 2, chunk), jnp.int32),
            pltpu.VMEM((nbuf, chunk, D), jnp.float32),
            pltpu.VMEM((ZR, DO), jnp.float32),
            pltpu.VMEM_SHARED((NP, DO), jnp.float32),
            pltpu.SemaphoreType.DMA((nbuf,)),
            pltpu.SemaphoreType.DMA((nbuf,)),
            pltpu.SemaphoreType.DMA((nbuf,)),
        ],
    )
    def scat_kernel(hs_hbm, src_hbm, dst_hbm, out_hbm,
                    idxb, rows, zbuf, acc_sh, sem_i, sem_g, sem_s):
        cid = lax.axis_index("c")
        sid = lax.axis_index("s")
        wid = sid * NC + cid
        base = wid * EPW

        def _wait_scatter(b):
            src = rows.at[b] if DO == D else zbuf
            pltpu.make_async_copy(
                src, acc_sh.at[pl.ds(0, chunk)], sem_s.at[b]).wait()

        for b in range(nbuf):
            pltpu.async_copy(src_hbm.at[pl.ds(base + b * chunk, chunk)],
                             idxb.at[0, b, 0], sem_i.at[b])
            pltpu.async_copy(dst_hbm.at[pl.ds(base + b * chunk, chunk)],
                             idxb.at[1, b, 0], sem_i.at[b])
        _fill_2d(zbuf, ZR, DO, 0.0)

        def zero_acc(k, _):
            pltpu.sync_copy(zbuf, acc_sh.at[pl.ds(sid * RPT + k * ZR, ZR)])
            return 0
        lax.fori_loop(0, RPT // ZR, zero_acc, 0)
        plsc.subcore_barrier()

        def outer(g, _):
            p = g % 2
            q = 1 - p
            for b in range(nbuf):
                j = g * nbuf + b
                pltpu.make_async_copy(
                    src_hbm.at[pl.ds(0, chunk)], idxb.at[0, b, p],
                    sem_i.at[b]).wait()
                pltpu.make_async_copy(
                    src_hbm.at[pl.ds(0, chunk)], idxb.at[1, b, p],
                    sem_i.at[b]).wait()

                @pl.when(g > 0)
                def _wait_prev_scatter():
                    _wait_scatter(b)

                @pl.when(g < n_outer - 1)
                def _prefetch_idx():
                    nxt = base + (j + nbuf) * chunk
                    pltpu.async_copy(src_hbm.at[pl.ds(nxt, chunk)],
                                     idxb.at[0, b, q], sem_i.at[b])
                    pltpu.async_copy(dst_hbm.at[pl.ds(nxt, chunk)],
                                     idxb.at[1, b, q], sem_i.at[b])

                pltpu.async_copy(
                    hs_hbm.at[idxb.at[0, b, p]], rows.at[b],
                    sem_g.at[b]).wait()
                pltpu.async_copy(
                    rows.at[b, :, pl.ds(0, DO)],
                    acc_sh.at[idxb.at[1, b, p]], sem_s.at[b], add=True)
            return 0
        lax.fori_loop(0, n_outer, outer, 0)

        for b in range(nbuf):
            _wait_scatter(b)
        plsc.subcore_barrier()
        pltpu.sync_copy(acc_sh.at[pl.ds(sid * RPT, RPT)],
                        out_hbm.at[cid, pl.ds(sid * RPT, RPT)])

    return scat_kernel



def _tc1_body(x_ref, w1_ref, degp_ref, hs1_ref, disb_ref):
    deg = degp_ref[0, :] + degp_ref[1, :] + 1.0
    dis = lax.rsqrt(deg)
    h = jnp.dot(x_ref[...], w1_ref[...], preferred_element_type=jnp.float32)
    hs1_ref[...] = h * dis[:, None]
    disb_ref[...] = jnp.broadcast_to(dis[:, None], hs1_ref.shape)


def _make_tc1(NP, Df, H):
    return pl.pallas_call(
        _tc1_body,
        grid=(NP // BLK,),
        in_specs=[
            pl.BlockSpec((BLK, Df), lambda i: (i, 0)),
            pl.BlockSpec((Df, H), lambda i: (0, 0)),
            pl.BlockSpec((NC, BLK), lambda i: (0, i)),
        ],
        out_specs=[
            pl.BlockSpec((BLK, H), lambda i: (i, 0)),
            pl.BlockSpec((BLK, H), lambda i: (i, 0)),
        ],
        out_shape=[
            jax.ShapeDtypeStruct((NP, H), jnp.float32),
            jax.ShapeDtypeStruct((NP, H), jnp.float32),
        ],
    )


def _tc2_body(p0_ref, p1_ref, hs1_ref, disb_ref, b1_ref, w2_ref, hs2_ref):
    t = (p0_ref[...] + p1_ref[...] + hs1_ref[...]) * disb_ref[...] + b1_ref[...]
    t = jnp.maximum(t, 0.0)
    h2 = jnp.dot(t, w2_ref[...], preferred_element_type=jnp.float32)
    hs2_ref[...] = h2 * disb_ref[:, : h2.shape[1]]


def _make_tc2(NP, H, C):
    return pl.pallas_call(
        _tc2_body,
        grid=(NP // BLK,),
        in_specs=[
            pl.BlockSpec((BLK, H), lambda i: (i, 0)),
            pl.BlockSpec((BLK, H), lambda i: (i, 0)),
            pl.BlockSpec((BLK, H), lambda i: (i, 0)),
            pl.BlockSpec((BLK, H), lambda i: (i, 0)),
            pl.BlockSpec((1, H), lambda i: (0, 0)),
            pl.BlockSpec((H, C), lambda i: (0, 0)),
        ],
        out_specs=pl.BlockSpec((BLK, C), lambda i: (i, 0)),
        out_shape=jax.ShapeDtypeStruct((NP, C), jnp.float32),
    )


def _tc3_body(q0_ref, q1_ref, hs2_ref, disb_ref, b2_ref, out_ref):
    c = out_ref.shape[1]
    agg = q0_ref[...] + q1_ref[...] + hs2_ref[:, :c]
    out_ref[...] = agg * disb_ref[:, :c] + b2_ref[...]


def _make_tc3(NP, H, C, CP):
    return pl.pallas_call(
        _tc3_body,
        grid=(NP // BLK,),
        in_specs=[
            pl.BlockSpec((BLK, C), lambda i: (i, 0)),
            pl.BlockSpec((BLK, C), lambda i: (i, 0)),
            pl.BlockSpec((BLK, CP), lambda i: (i, 0)),
            pl.BlockSpec((BLK, H), lambda i: (i, 0)),
            pl.BlockSpec((1, C), lambda i: (0, 0)),
        ],
        out_specs=pl.BlockSpec((BLK, C), lambda i: (i, 0)),
        out_shape=jax.ShapeDtypeStruct((NP, C), jnp.float32),
    )



def kernel(x, edge_index, W1, b1, W2, b2):
    N, Df = x.shape
    H = W1.shape[1]
    C = W2.shape[1]
    E = edge_index.shape[1]

    NP = -(-(N + LANES) // BLK) * BLK
    EPQ = NW * CHUNK * 2
    EP = -(-E // EPQ) * EPQ

    src = edge_index[0].astype(jnp.int32)
    dst = edge_index[1].astype(jnp.int32)
    n_pad = EP - E
    if n_pad:
        pad_idx = (N + (jnp.arange(n_pad, dtype=jnp.int32) % (NP - N)))
        src = jnp.concatenate([src, pad_idx])
        dst = jnp.concatenate([dst, pad_idx])
    dstm = dst.reshape(-1, CHUNK)
    x_p = jnp.concatenate(
        [x.astype(jnp.float32), jnp.zeros((NP - N, Df), jnp.float32)])

    CP = max(C, 128)
    W2p = jnp.concatenate(
        [W2, jnp.zeros((H, CP - C), jnp.float32)], axis=1) if CP != C else W2
    b2p = jnp.concatenate(
        [b2, jnp.zeros((CP - C,), jnp.float32)]) if CP != C else b2

    degp = _make_deg_kernel(EP, NP)(dstm)
    hs1, disb = _make_tc1(NP, Df, H)(x_p, W1, degp)
    P = _make_scatter_kernel(EP, NP, H, CHUNK, 2)(hs1, src, dst)
    hs2 = _make_tc2(NP, H, CP)(P[0], P[1], hs1, disb,
                               b1.reshape(1, H), W2p)
    Q = _make_scatter_kernel(EP, NP, CP, CHUNK, 2)(hs2, src, dst)
    out_p = _make_tc3(NP, H, CP, CP)(Q[0], Q[1], hs2, disb,
                                     b2p.reshape(1, CP))
    return out_p[:N, :C]

# --- scband reference (transcript-rebuilt; emitter-appended) ---
"""Pipeline reference for scband-gcnbase-9448928051675 (READ-ONLY COPY).

The authoritative reference and input builder live on the scoring server;
editing this copy changes nothing except your own understanding.
"""

import jax, jax.numpy as jnp
import numpy as np

N_NODES = 10000
N_EDGES = 320000
D_FEAT = 128
HIDDEN = 128
N_CLASSES = 64


def setup_inputs(seed: int = 0) -> dict:
    key = jax.random.key(seed)
    k1, k2, k3, k4, k5, k6 = jax.random.split(key, 6)
    x = jax.random.normal(k1, (N_NODES, D_FEAT), dtype=jnp.float32)
    edge_index = jax.random.randint(k2, (2, N_EDGES), 0, N_NODES, dtype=jnp.int64)
    # GCNConv weights: lin is bias-free Linear [in, out]; separate bias added after aggregation
    W1 = jax.random.normal(k3, (D_FEAT, HIDDEN), dtype=jnp.float32) * (1.0 / np.sqrt(D_FEAT))
    b1 = jnp.zeros((HIDDEN,), dtype=jnp.float32)
    W2 = jax.random.normal(k4, (HIDDEN, N_CLASSES), dtype=jnp.float32) * (1.0 / np.sqrt(HIDDEN))
    b2 = jnp.zeros((N_CLASSES,), dtype=jnp.float32)
    return {"x": x, "edge_index": edge_index, "W1": W1, "b1": b1, "W2": W2, "b2": b2}


def _gcn_conv(x, src, dst, W, b, num_nodes):
    # x' = D^{-1/2} (A + I) D^{-1/2} X W + b  (PyG GCNConv default: add_self_loops=True, normalize=True)
    h = x @ W
    ones = jnp.ones_like(dst, dtype=h.dtype)
    deg = jax.ops.segment_sum(ones, dst, num_segments=num_nodes)
    deg_inv_sqrt = jnp.where(deg > 0, 1.0 / jnp.sqrt(deg), 0.0)
    norm = deg_inv_sqrt[src] * deg_inv_sqrt[dst]
    msgs = h[src] * norm[:, None]
    out = jax.ops.segment_sum(msgs, dst, num_segments=num_nodes)
    return out + b


def reference(x, edge_index, W1, b1, W2, b2):
    num_nodes = x.shape[0]
    loop = jnp.arange(num_nodes, dtype=edge_index.dtype)
    src = jnp.concatenate([edge_index[0], loop])
    dst = jnp.concatenate([edge_index[1], loop])
    h = _gcn_conv(x, src, dst, W1, b1, num_nodes)
    h = jax.nn.relu(h)
    # F.dropout(training=self.training): identity in eval mode
    out = _gcn_conv(h, src, dst, W2, b2, num_nodes)
    return out

if __name__ == "__main__":
    import jax
    _d = setup_inputs()
    print(jax.jit(kernel)(*tuple(_d.values())))

</pallas_src>

<mosaic_0001>
#map = affine_map<(d0, d1) -> (0, 0)>
module attributes {stable_mosaic.version = 14 : i64} {
  func.func @deg_kernel(%arg0: i32, %arg1: i32, %arg2: memref<2560x128xi32, #tpu.memory_space<hbm>>, %arg3: memref<2x10240xf32, #tpu.memory_space<hbm>>, %arg4: memref<80x128xi32, #tpu.memory_space<vmem>>, %arg5: memref<128xf32, #tpu.memory_space<vmem>>, %arg6: memref<640xf32, #tpu.memory_space<vmem>>, %arg7: memref<10240xf32, #tpu.memory_space<vmem_shared>>, %arg8: memref<!tpu.dma_semaphore, #tpu.memory_space<semaphore_mem>>, %arg9: memref<!tpu.dma_semaphore, #tpu.memory_space<semaphore_mem>>) attributes {dimension_semantics = [#tpu.dimension_semantics<core_parallel>, #tpu.dimension_semantics<subcore_parallel>], iteration_bounds = array<i64: 2, 16>, scalar_prefetch = 0 : i64, scratch_operands = 6 : i64, tpu.core_type = #tpu.core_type<sc_vector_subcore>, window_params = [{transform_indices = #map}, {transform_indices = #map}]} {
    %mul3A = arith.constant 2 : i32
    %mul3A_0 = arith.muli %arg1, %mul3A : i32
    %add3A = arith.addi %mul3A_0, %arg0 : i32
    %mul3A_1 = arith.constant 80 : i32
    %mul3A_2 = arith.muli %add3A, %mul3A_1 : i32
    %dma_start3A = arith.constant 0 : i32
    %dma_start3A_3 = tpu.memref_slice %arg2[%mul3A_2, %dma_start3A] : memref<2560x128xi32, #tpu.memory_space<hbm>> -> memref<80x128xi32, #tpu.memory_space<hbm>>
    %dma_start3A_4 = arith.constant 0 : i32
    %dma_start3A_5 = tpu.memref_slice %arg2[%mul3A_2, %dma_start3A_4] : memref<2560x128xi32, #tpu.memory_space<hbm>> -> memref<80x128xi32, #tpu.memory_space<hbm>>
    tpu.enqueue_dma source(%dma_start3A_5 : memref<80x128xi32, #tpu.memory_space<hbm>>) target(%arg4 : memref<80x128xi32, #tpu.memory_space<vmem>>) target_semaphore(%arg8 : memref<!tpu.dma_semaphore, #tpu.memory_space<semaphore_mem>>)
    %scan3A = arith.constant 0 : i32
    %scan3A_6 = arith.constant 0 : i32
    %scan3A_7 = arith.constant 8 : i32
    %scan3A_8 = arith.addi %scan3A_6, %scan3A_7 : i32
    %scan3A_9 = arith.constant 1 : i32
    %scan3A_10 = scf.for %scan3A_45 = %scan3A_6 to %scan3A_8 step %scan3A_9 iter_args(%scan3A_46 = %scan3A) -> (i32)  : i32 {
      %broadcast_in_dim3A = arith.constant 1.000000e+00 : f32
      %broadcast_in_dim3A_47 = vector.broadcast %broadcast_in_dim3A : f32 to vector<16xf32>
      %mul3A_48 = arith.constant 16 : i32
      %mul3A_49 = arith.muli %scan3A_45, %mul3A_48 : i32
      %swap3A = arith.index_cast %mul3A_49 : i32 to index
      %swap3A_50 = tpu.vector_load %arg5[%swap3A] {strides = array<i32>} : memref<128xf32, #tpu.memory_space<vmem>>, vector<16xf32>,
      %swap3A_51 = vector.shape_cast %swap3A_50 : vector<16xf32> to vector<16xf32>
      %swap3A_52 = vector.shape_cast %broadcast_in_dim3A_47 : vector<16xf32> to vector<16xf32>
      tpu.vector_store %arg5[%swap3A], %swap3A_52 {strides = array<i32>} : memref<128xf32, #tpu.memory_space<vmem>>, vector<16xf32>,
      %scan3A_53 = arith.constant 0 : i32
      scf.yield %scan3A_53 : i32
    }
    %scan3A_11 = arith.constant 8 : i32
    %scan3A_12 = arith.constant 0 : i32
    %scan3A_13 = arith.constant 0 : i32
    %scan3A_14 = arith.constant 40 : i32
    %scan3A_15 = arith.addi %scan3A_13, %scan3A_14 : i32
    %scan3A_16 = arith.constant 1 : i32
    %scan3A_17 = scf.for %scan3A_45 = %scan3A_13 to %scan3A_15 step %scan3A_16 iter_args(%scan3A_46 = %scan3A_12) -> (i32)  : i32 {
      %broadcast_in_dim3A = arith.constant 0.000000e+00 : f32
      %broadcast_in_dim3A_47 = vector.broadcast %broadcast_in_dim3A : f32 to vector<16xf32>
      %mul3A_48 = arith.constant 16 : i32
      %mul3A_49 = arith.muli %scan3A_45, %mul3A_48 : i32
      %swap3A = arith.index_cast %mul3A_49 : i32 to index
      %swap3A_50 = tpu.vector_load %arg6[%swap3A] {strides = array<i32>} : memref<640xf32, #tpu.memory_space<vmem>>, vector<16xf32>,
      %swap3A_51 = vector.shape_cast %swap3A_50 : vector<16xf32> to vector<16xf32>
      %swap3A_52 = vector.shape_cast %broadcast_in_dim3A_47 : vector<16xf32> to vector<16xf32>
      tpu.vector_store %arg6[%swap3A], %swap3A_52 {strides = array<i32>} : memref<640xf32, #tpu.memory_space<vmem>>, vector<16xf32>,
      %scan3A_53 = arith.constant 0 : i32
      scf.yield %scan3A_53 : i32
    }
    %scan3A_18 = arith.constant 40 : i32
    %mul3A_19 = arith.constant 640 : i32
    %mul3A_20 = arith.muli %arg1, %mul3A_19 : i32
    "tpu.region"() ({
      %run_scoped3A = tpu.sem_alloc : memref<!tpu.dma_semaphore, #tpu.memory_space<semaphore_mem>>
      %dma_start3A_45 = tpu.memref_slice %arg7[%mul3A_20] : memref<10240xf32, #tpu.memory_space<vmem_shared>> -> memref<640xf32, #tpu.memory_space<vmem_shared>>
      %dma_start3A_46 = tpu.memref_slice %arg7[%mul3A_20] : memref<10240xf32, #tpu.memory_space<vmem_shared>> -> memref<640xf32, #tpu.memory_space<vmem_shared>>
      tpu.enqueue_dma source(%arg6 : memref<640xf32, #tpu.memory_space<vmem>>) target(%dma_start3A_46 : memref<640xf32, #tpu.memory_space<vmem_shared>>) target_semaphore(%run_scoped3A : memref<!tpu.dma_semaphore, #tpu.memory_space<semaphore_mem>>)
      %dma_wait3A_47 = tpu.memref_slice %arg7[%mul3A_20] : memref<10240xf32, #tpu.memory_space<vmem_shared>> -> memref<640xf32, #tpu.memory_space<vmem_shared>>
      %dma_wait3A_48 = tpu.memref_slice %arg7[%mul3A_20] : memref<10240xf32, #tpu.memory_space<vmem_shared>> -> memref<640xf32, #tpu.memory_space<vmem_shared>>
      tpu.wait_dma2 semaphore(%run_scoped3A : memref<!tpu.dma_semaphore, #tpu.memory_space<semaphore_mem>>) src(%arg6 : memref<640xf32, #tpu.memory_space<vmem>>) dst(%dma_wait3A_48 : memref<640xf32, #tpu.memory_space<vmem_shared>>)
      tpu.yield
    }) : () -> ()
    %dma_wait3A = arith.constant 0 : i32
    %dma_wait3A_21 = arith.constant 0 : i32
    %dma_wait3A_22 = tpu.memref_slice %arg2[%dma_wait3A, %dma_wait3A_21] : memref<2560x128xi32, #tpu.memory_space<hbm>> -> memref<80x128xi32, #tpu.memory_space<hbm>>
    %dma_wait3A_23 = arith.constant 0 : i32
    %dma_wait3A_24 = arith.constant 0 : i32
    %dma_wait3A_25 = tpu.memref_slice %arg2[%dma_wait3A_23, %dma_wait3A_24] : memref<2560x128xi32, #tpu.memory_space<hbm>> -> memref<80x128xi32, #tpu.memory_space<hbm>>
    tpu.wait_dma2 semaphore(%arg8 : memref<!tpu.dma_semaphore, #tpu.memory_space<semaphore_mem>>) src(%dma_wait3A_25 : memref<80x128xi32, #tpu.memory_space<hbm>>) dst(%arg4 : memref<80x128xi32, #tpu.memory_space<vmem>>)
    %barrier3A = arith.constant 0 : index
    tpu.barrier barrier_id(%barrier3A)
    %scan3A_26 = arith.constant 0 : i32
    %scan3A_27 = arith.constant 0 : i32
    %scan3A_28 = arith.constant 80 : i32
    %scan3A_29 = arith.addi %scan3A_27, %scan3A_28 : i32
    %scan3A_30 = arith.constant 1 : i32
    %scan3A_31 = scf.for %scan3A_45 = %scan3A_27 to %scan3A_29 step %scan3A_30 iter_args(%scan3A_46 = %scan3A_26) -> (i32)  : i32 {
      %dma_start3A_47 = arith.constant 0 : i32
      %dma_start3A_48 = tpu.memref_slice %arg4[%scan3A_45, %dma_start3A_47] : memref<80x128xi32, #tpu.memory_space<vmem>> -> memref<1x128xi32, #tpu.memory_space<vmem>>
      %dma_start3A_49 = tpu.memref_squeeze %dma_start3A_48 : memref<1x128xi32, #tpu.memory_space<vmem>> -> memref<128xi32, #tpu.memory_space<vmem>>
      %dma_start3A_50 = arith.constant 0 : i32
      %dma_start3A_51 = tpu.memref_slice %arg7[%dma_start3A_50] : memref<10240xf32, #tpu.memory_space<vmem_shared>> -> memref<10240xf32, #tpu.memory_space<vmem_shared>>
      tpu.enqueue_indirect_dma source(%arg5 : memref<128xf32, #tpu.memory_space<vmem>>) target(%dma_start3A_51 : memref<10240xf32, #tpu.memory_space<vmem_shared>>) offsets(%dma_start3A_49 : memref<128xi32, #tpu.memory_space<vmem>>) semaphore(%arg9 : memref<!tpu.dma_semaphore, #tpu.memory_space<semaphore_mem>>) {add = true}
      %ge3A = arith.constant 8 : i32
      %ge3A_52 = arith.cmpi sge, %scan3A_45, %ge3A : i32
      %convert_element_type3A = arith.extui %ge3A_52 : i1 to i32
      %cond3A = arith.constant 0 : i32
      %cond3A_53 = arith.cmpi ne, %convert_element_type3A, %cond3A : i32
      scf.if %cond3A_53 {
        %dma_wait3A_55 = arith.constant 0 : i32
        %dma_wait3A_56 = tpu.memref_slice %arg7[%dma_wait3A_55] : memref<10240xf32, #tpu.memory_space<vmem_shared>> -> memref<128xf32, #tpu.memory_space<vmem_shared>>
        %dma_wait3A_57 = arith.constant 0 : i32
        %dma_wait3A_58 = tpu.memref_slice %arg7[%dma_wait3A_57] : memref<10240xf32, #tpu.memory_space<vmem_shared>> -> memref<128xf32, #tpu.memory_space<vmem_shared>>
        tpu.wait_dma2 semaphore(%arg9 : memref<!tpu.dma_semaphore, #tpu.memory_space<semaphore_mem>>) src(%arg5 : memref<128xf32, #tpu.memory_space<vmem>>) dst(%dma_wait3A_58 : memref<128xf32, #tpu.memory_space<vmem_shared>>)
      } else {
      }
      %scan3A_54 = arith.constant 0 : i32
      scf.yield %scan3A_54 : i32
    }
    %scan3A_32 = arith.constant 80 : i32
    %scan3A_33 = arith.constant 0 : i32
    %scan3A_34 = arith.constant 0 : i32
    %scan3A_35 = arith.constant 8 : i32
    %scan3A_36 = arith.addi %scan3A_34, %scan3A_35 : i32
    %scan3A_37 = arith.constant 1 : i32
    %scan3A_38 = scf.for %scan3A_45 = %scan3A_34 to %scan3A_36 step %scan3A_37 iter_args(%scan3A_46 = %scan3A_33) -> (i32)  : i32 {
      %dma_wait3A_47 = arith.constant 0 : i32
      %dma_wait3A_48 = tpu.memref_slice %arg7[%dma_wait3A_47] : memref<10240xf32, #tpu.memory_space<vmem_shared>> -> memref<128xf32, #tpu.memory_space<vmem_shared>>
      %dma_wait3A_49 = arith.constant 0 : i32
      %dma_wait3A_50 = tpu.memref_slice %arg7[%dma_wait3A_49] : memref<10240xf32, #tpu.memory_space<vmem_shared>> -> memref<128xf32, #tpu.memory_space<vmem_shared>>
      tpu.wait_dma2 semaphore(%arg9 : memref<!tpu.dma_semaphore, #tpu.memory_space<semaphore_mem>>) src(%arg5 : memref<128xf32, #tpu.memory_space<vmem>>) dst(%dma_wait3A_50 : memref<128xf32, #tpu.memory_space<vmem_shared>>)
      %scan3A_51 = arith.constant 0 : i32
      scf.yield %scan3A_51 : i32
    }
    %scan3A_39 = arith.constant 8 : i32
    %barrier3A_40 = arith.constant 0 : index
    tpu.barrier barrier_id(%barrier3A_40)
    %mul3A_41 = arith.constant 640 : i32
    %mul3A_42 = arith.muli %arg1, %mul3A_41 : i32
    %mul3A_43 = arith.constant 640 : i32
    %mul3A_44 = arith.muli %arg1, %mul3A_43 : i32
    "tpu.region"() ({
      %run_scoped3A = tpu.sem_alloc : memref<!tpu.dma_semaphore, #tpu.memory_space<semaphore_mem>>
      %dma_start3A_45 = tpu.memref_slice %arg3[%arg0, %mul3A_44] : memref<2x10240xf32, #tpu.memory_space<hbm>> -> memref<1x640xf32, #tpu.memory_space<hbm>>
      %dma_start3A_46 = tpu.memref_squeeze %dma_start3A_45 : memref<1x640xf32, #tpu.memory_space<hbm>> -> memref<640xf32, #tpu.memory_space<hbm>>
      %dma_start3A_47 = tpu.memref_slice %arg7[%mul3A_42] : memref<10240xf32, #tpu.memory_space<vmem_shared>> -> memref<640xf32, #tpu.memory_space<vmem_shared>>
      tpu.enqueue_dma source(%dma_start3A_47 : memref<640xf32, #tpu.memory_space<vmem_shared>>) target(%dma_start3A_46 : memref<640xf32, #tpu.memory_space<hbm>>) target_semaphore(%run_scoped3A : memref<!tpu.dma_semaphore, #tpu.memory_space<semaphore_mem>>)
      %dma_wait3A_48 = tpu.memref_slice %arg3[%arg0, %mul3A_44] : memref<2x10240xf32, #tpu.memory_space<hbm>> -> memref<1x640xf32, #tpu.memory_space<hbm>>
      %dma_wait3A_49 = tpu.memref_squeeze %dma_wait3A_48 : memref<1x640xf32, #tpu.memory_space<hbm>> -> memref<640xf32, #tpu.memory_space<hbm>>
      %dma_wait3A_50 = tpu.memref_slice %arg7[%mul3A_42] : memref<10240xf32, #tpu.memory_space<vmem_shared>> -> memref<640xf32, #tpu.memory_space<vmem_shared>>
      tpu.wait_dma2 semaphore(%run_scoped3A : memref<!tpu.dma_semaphore, #tpu.memory_space<semaphore_mem>>) src(%dma_wait3A_50 : memref<640xf32, #tpu.memory_space<vmem_shared>>) dst(%dma_wait3A_49 : memref<640xf32, #tpu.memory_space<hbm>>)
      tpu.yield
    }) : () -> ()
    return
  }
}

#map = affine_map<(d0, d1) -> (0, 0)>
#map1 = affine_map<(d0, d1) -> (0)>
#map2 = affine_map<(d0, d1) -> (0, 0, 0)>
module attributes {stable_mosaic.version = 14 : i64} {
  func.func @scat_kernel(%arg0: i32, %arg1: i32, %arg2: memref<10240x128xf32, #tpu.memory_space<hbm>>, %arg3: memref<327680xi32, #tpu.memory_space<hbm>>, %arg4: memref<327680xi32, #tpu.memory_space<hbm>>, %arg5: memref<2x10240x128xf32, #tpu.memory_space<hbm>>, %arg6: memref<2x2x2x128xi32, #tpu.memory_space<vmem>>, %arg7: memref<2x128x128xf32, #tpu.memory_space<vmem>>, %arg8: memref<16x128xf32, #tpu.memory_space<vmem>>, %arg9: memref<10240x128xf32, #tpu.memory_space<vmem_shared>>, %arg10: memref<2x!tpu.dma_semaphore, #tpu.memory_space<semaphore_mem>>, %arg11: memref<2x!tpu.dma_semaphore, #tpu.memory_space<semaphore_mem>>, %arg12: memref<2x!tpu.dma_semaphore, #tpu.memory_space<semaphore_mem>>) attributes {dimension_semantics = [#tpu.dimension_semantics<core_parallel>, #tpu.dimension_semantics<subcore_parallel>], iteration_bounds = array<i64: 2, 16>, scalar_prefetch = 0 : i64, scratch_operands = 7 : i64, tpu.core_type = #tpu.core_type<sc_vector_subcore>, window_params = [{transform_indices = #map}, {transform_indices = #map1}, {transform_indices = #map1}, {transform_indices = #map2}]} {
    %mul3A = arith.constant 2 : i32
    %mul3A_0 = arith.muli %arg1, %mul3A : i32
    %add3A = arith.addi %mul3A_0, %arg0 : i32
    %mul3A_1 = arith.constant 10240 : i32
    %mul3A_2 = arith.muli %add3A, %mul3A_1 : i32
    %add3A_3 = arith.constant 0 : i32
    %add3A_4 = arith.addi %mul3A_2, %add3A_3 : i32
    %dma_start3A = arith.constant 0 : i32
    %dma_start3A_5 = arith.constant 0 : i32
    %dma_start3A_6 = arith.constant 0 : i32
    %dma_start3A_7 = arith.constant 0 : i32
    %dma_start3A_8 = arith.constant 0 : i32
    %dma_start3A_9 = tpu.memref_slice %arg6[%dma_start3A, %dma_start3A_5, %dma_start3A_6, %dma_start3A_8] : memref<2x2x2x128xi32, #tpu.memory_space<vmem>> -> memref<1x1x1x128xi32, #tpu.memory_space<vmem>>
    %dma_start3A_10 = tpu.memref_squeeze %dma_start3A_9 : memref<1x1x1x128xi32, #tpu.memory_space<vmem>> -> memref<128xi32, #tpu.memory_space<vmem>>
    %dma_start3A_11 = tpu.memref_slice %arg3[%add3A_4] : memref<327680xi32, #tpu.memory_space<hbm>> -> memref<128xi32, #tpu.memory_space<hbm>>
    %dma_start3A_12 = tpu.memref_slice %arg10[%dma_start3A_7] : memref<2x!tpu.dma_semaphore, #tpu.memory_space<semaphore_mem>> -> memref<1x!tpu.dma_semaphore, #tpu.memory_space<semaphore_mem>>
    %dma_start3A_13 = tpu.memref_squeeze %dma_start3A_12 : memref<1x!tpu.dma_semaphore, #tpu.memory_space<semaphore_mem>> -> memref<!tpu.dma_semaphore, #tpu.memory_space<semaphore_mem>>
    %dma_start3A_14 = arith.constant 0 : i32
    %dma_start3A_15 = tpu.memref_slice %arg6[%dma_start3A, %dma_start3A_5, %dma_start3A_6, %dma_start3A_14] : memref<2x2x2x128xi32, #tpu.memory_space<vmem>> -> memref<1x1x1x128xi32, #tpu.memory_space<vmem>>
    %dma_start3A_16 = tpu.memref_squeeze %dma_start3A_15 : memref<1x1x1x128xi32, #tpu.memory_space<vmem>> -> memref<128xi32, #tpu.memory_space<vmem>>
    %dma_start3A_17 = tpu.memref_slice %arg3[%add3A_4] : memref<327680xi32, #tpu.memory_space<hbm>> -> memref<128xi32, #tpu.memory_space<hbm>>
    tpu.enqueue_dma source(%dma_start3A_17 : memref<128xi32, #tpu.memory_space<hbm>>) target(%dma_start3A_16 : memref<128xi32, #tpu.memory_space<vmem>>) target_semaphore(%dma_start3A_13 : memref<!tpu.dma_semaphore, #tpu.memory_space<semaphore_mem>>)
    %add3A_18 = arith.constant 0 : i32
    %add3A_19 = arith.addi %mul3A_2, %add3A_18 : i32
    %dma_start3A_20 = arith.constant 1 : i32
    %dma_start3A_21 = arith.constant 0 : i32
    %dma_start3A_22 = arith.constant 0 : i32
    %dma_start3A_23 = arith.constant 0 : i32
    %dma_start3A_24 = arith.constant 0 : i32
    %dma_start3A_25 = tpu.memref_slice %arg6[%dma_start3A_20, %dma_start3A_21, %dma_start3A_22, %dma_start3A_24] : memref<2x2x2x128xi32, #tpu.memory_space<vmem>> -> memref<1x1x1x128xi32, #tpu.memory_space<vmem>>
    %dma_start3A_26 = tpu.memref_squeeze %dma_start3A_25 : memref<1x1x1x128xi32, #tpu.memory_space<vmem>> -> memref<128xi32, #tpu.memory_space<vmem>>
    %dma_start3A_27 = tpu.memref_slice %arg4[%add3A_19] : memref<327680xi32, #tpu.memory_space<hbm>> -> memref<128xi32, #tpu.memory_space<hbm>>
    %dma_start3A_28 = tpu.memref_slice %arg10[%dma_start3A_23] : memref<2x!tpu.dma_semaphore, #tpu.memory_space<semaphore_mem>> -> memref<1x!tpu.dma_semaphore, #tpu.memory_space<semaphore_mem>>
    %dma_start3A_29 = tpu.memref_squeeze %dma_start3A_28 : memref<1x!tpu.dma_semaphore, #tpu.memory_space<semaphore_mem>> -> memref<!tpu.dma_semaphore, #tpu.memory_space<semaphore_mem>>
    %dma_start3A_30 = arith.constant 0 : i32
    %dma_start3A_31 = tpu.memref_slice %arg6[%dma_start3A_20, %dma_start3A_21, %dma_start3A_22, %dma_start3A_30] : memref<2x2x2x128xi32, #tpu.memory_space<vmem>> -> memref<1x1x1x128xi32, #tpu.memory_space<vmem>>
    %dma_start3A_32 = tpu.memref_squeeze %dma_start3A_31 : memref<1x1x1x128xi32, #tpu.memory_space<vmem>> -> memref<128xi32, #tpu.memory_space<vmem>>
    %dma_start3A_33 = tpu.memref_slice %arg4[%add3A_19] : memref<327680xi32, #tpu.memory_space<hbm>> -> memref<128xi32, #tpu.memory_space<hbm>>
    tpu.enqueue_dma source(%dma_start3A_33 : memref<128xi32, #tpu.memory_space<hbm>>) target(%dma_start3A_32 : memref<128xi32, #tpu.memory_space<vmem>>) target_semaphore(%dma_start3A_29 : memref<!tpu.dma_semaphore, #tpu.memory_space<semaphore_mem>>)
    %add3A_34 = arith.constant 128 : i32
    %add3A_35 = arith.addi %mul3A_2, %add3A_34 : i32
    %dma_start3A_36 = arith.constant 0 : i32
    %dma_start3A_37 = arith.constant 1 : i32
    %dma_start3A_38 = arith.constant 0 : i32
    %dma_start3A_39 = arith.constant 1 : i32
    %dma_start3A_40 = arith.constant 0 : i32
    %dma_start3A_41 = tpu.memref_slice %arg6[%dma_start3A_36, %dma_start3A_37, %dma_start3A_38, %dma_start3A_40] : memref<2x2x2x128xi32, #tpu.memory_space<vmem>> -> memref<1x1x1x128xi32, #tpu.memory_space<vmem>>
    %dma_start3A_42 = tpu.memref_squeeze %dma_start3A_41 : memref<1x1x1x128xi32, #tpu.memory_space<vmem>> -> memref<128xi32, #tpu.memory_space<vmem>>
    %dma_start3A_43 = tpu.memref_slice %arg3[%add3A_35] : memref<327680xi32, #tpu.memory_space<hbm>> -> memref<128xi32, #tpu.memory_space<hbm>>
    %dma_start3A_44 = tpu.memref_slice %arg10[%dma_start3A_39] : memref<2x!tpu.dma_semaphore, #tpu.memory_space<semaphore_mem>> -> memref<1x!tpu.dma_semaphore, #tpu.memory_space<semaphore_mem>>
    %dma_start3A_45 = tpu.memref_squeeze %dma_start3A_44 : memref<1x!tpu.dma_semaphore, #tpu.memory_space<semaphore_mem>> -> memref<!tpu.dma_semaphore, #tpu.memory_space<semaphore_mem>>
    %dma_start3A_46 = arith.constant 0 : i32
    %dma_start3A_47 = tpu.memref_slice %arg6[%dma_start3A_36, %dma_start3A_37, %dma_start3A_38, %dma_start3A_46] : memref<2x2x2x128xi32, #tpu.memory_space<vmem>> -> memref<1x1x1x128xi32, #tpu.memory_space<vmem>>
    %dma_start3A_48 = tpu.memref_squeeze %dma_start3A_47 : memref<1x1x1x128xi32, #tpu.memory_space<vmem>> -> memref<128xi32, #tpu.memory_space<vmem>>
    %dma_start3A_49 = tpu.memref_slice %arg3[%add3A_35] : memref<327680xi32, #tpu.memory_space<hbm>> -> memref<128xi32, #tpu.memory_space<hbm>>
    tpu.enqueue_dma source(%dma_start3A_49 : memref<128xi32, #tpu.memory_space<hbm>>) target(%dma_start3A_48 : memref<128xi32, #tpu.memory_space<vmem>>) target_semaphore(%dma_start3A_45 : memref<!tpu.dma_semaphore, #tpu.memory_space<semaphore_mem>>)
    %add3A_50 = arith.constant 128 : i32
    %add3A_51 = arith.addi %mul3A_2, %add3A_50 : i32
    %dma_start3A_52 = arith.constant 1 : i32
    %dma_start3A_53 = arith.constant 1 : i32
    %dma_start3A_54 = arith.constant 0 : i32
    %dma_start3A_55 = arith.constant 1 : i32
    %dma_start3A_56 = arith.constant 0 : i32
    %dma_start3A_57 = tpu.memref_slice %arg6[%dma_start3A_52, %dma_start3A_53, %dma_start3A_54, %dma_start3A_56] : memref<2x2x2x128xi32, #tpu.memory_space<vmem>> -> memref<1x1x1x128xi32, #tpu.memory_space<vmem>>
    %dma_start3A_58 = tpu.memref_squeeze %dma_start3A_57 : memref<1x1x1x128xi32, #tpu.memory_space<vmem>> -> memref<128xi32, #tpu.memory_space<vmem>>
    %dma_start3A_59 = tpu.memref_slice %arg4[%add3A_51] : memref<327680xi32, #tpu.memory_space<hbm>> -> memref<128xi32, #tpu.memory_space<hbm>>
    %dma_start3A_60 = tpu.memref_slice %arg10[%dma_start3A_55] : memref<2x!tpu.dma_semaphore, #tpu.memory_space<semaphore_mem>> -> memref<1x!tpu.dma_semaphore, #tpu.memory_space<semaphore_mem>>
    %dma_start3A_61 = tpu.memref_squeeze %dma_start3A_60 : memref<1x!tpu.dma_semaphore, #tpu.memory_space<semaphore_mem>> -> memref<!tpu.dma_semaphore, #tpu.memory_space<semaphore_mem>>
    %dma_start3A_62 = arith.constant 0 : i32
    %dma_start3A_63 = tpu.memref_slice %arg6[%dma_start3A_52, %dma_start3A_53, %dma_start3A_54, %dma_start3A_62] : memref<2x2x2x128xi32, #tpu.memory_space<vmem>> -> memref<1x1x1x128xi32, #tpu.memory_space<vmem>>
    %dma_start3A_64 = tpu.memref_squeeze %dma_start3A_63 : memref<1x1x1x128xi32, #tpu.memory_space<vmem>> -> memref<128xi32, #tpu.memory_space<vmem>>
    %dma_start3A_65 = tpu.memref_slice %arg4[%add3A_51] : memref<327680xi32, #tpu.memory_space<hbm>> -> memref<128xi32, #tpu.memory_space<hbm>>
    tpu.enqueue_dma source(%dma_start3A_65 : memref<128xi32, #tpu.memory_space<hbm>>) target(%dma_start3A_64 : memref<128xi32, #tpu.memory_space<vmem>>) target_semaphore(%dma_start3A_61 : memref<!tpu.dma_semaphore, #tpu.memory_space<semaphore_mem>>)
    %scan3A = arith.constant 0 : i32
    %scan3A_66 = arith.constant 0 : i32
    %scan3A_67 = arith.constant 128 : i32
    %scan3A_68 = arith.addi %scan3A_66, %scan3A_67 : i32
    %scan3A_69 = arith.constant 1 : i32
    %scan3A_70 = scf.for %scan3A_126 = %scan3A_66 to %scan3A_68 step %scan3A_69 iter_args(%scan3A_127 = %scan3A) -> (i32)  : i32 {
      %jit3A = arith.constant 8 : i32
      %div3A = arith.divsi %scan3A_126, %jit3A : i32
      %sign3A = arith.constant 0 : i32
      %sign3A_128 = arith.cmpi sgt, %scan3A_126, %sign3A : i32
      %sign3A_129 = arith.extui %sign3A_128 : i1 to i32
      %sign3A_130 = arith.constant 0 : i32
      %sign3A_131 = arith.cmpi slt, %scan3A_126, %sign3A_130 : i32
      %sign3A_132 = arith.extui %sign3A_131 : i1 to i32
      %sign3A_133 = arith.subi %sign3A_129, %sign3A_132 : i32
      %sign3A_134 = arith.constant 0 : i32
      %sign3A_135 = arith.cmpi sgt, %jit3A, %sign3A_134 : i32
      %sign3A_136 = arith.extui %sign3A_135 : i1 to i32
      %sign3A_137 = arith.constant 0 : i32
      %sign3A_138 = arith.cmpi slt, %jit3A, %sign3A_137 : i32
      %sign3A_139 = arith.extui %sign3A_138 : i1 to i32
      %sign3A_140 = arith.subi %sign3A_136, %sign3A_139 : i32
      %ne3A = arith.cmpi ne, %sign3A_133, %sign3A_140 : i32
      %rem3A = arith.remsi %scan3A_126, %jit3A : i32
      %ne3A_141 = arith.constant 0 : i32
      %ne3A_142 = arith.cmpi ne, %rem3A, %ne3A_141 : i32
      %and3A = arith.andi %ne3A, %ne3A_142 : i1
      %sub3A = arith.constant 1 : i32
      %sub3A_143 = arith.subi %div3A, %sub3A : i32
      %select_n3A = arith.select %and3A, %sub3A_143, %div3A : i32
      %jit3A_144 = arith.constant 8 : i32
      %eq3A = arith.constant 0 : i32
      %eq3A_145 = arith.cmpi eq, %jit3A_144, %eq3A : i32
      %jit3A_146 = arith.constant 1 : i32
      %select_n3A_147 = arith.select %eq3A_145, %jit3A_146, %jit3A_144 : i32
      %rem3A_148 = arith.remsi %scan3A_126, %select_n3A_147 : i32
      %ne3A_149 = arith.constant 0 : i32
      %ne3A_150 = arith.cmpi ne, %rem3A_148, %ne3A_149 : i32
      %lt3A = arith.constant 0 : i32
      %lt3A_151 = arith.cmpi slt, %rem3A_148, %lt3A : i32
      %lt3A_152 = arith.constant 0 : i32
      %lt3A_153 = arith.cmpi slt, %select_n3A_147, %lt3A_152 : i32
      %ne3A_154 = arith.xori %lt3A_151, %lt3A_153 : i1
      %and3A_155 = arith.andi %ne3A_154, %ne3A_150 : i1
      %add3A_156 = arith.addi %rem3A_148, %select_n3A_147 : i32
      %select_n3A_157 = arith.select %and3A_155, %add3A_156, %rem3A_148 : i32
      %broadcast_in_dim3A = arith.constant 0.000000e+00 : f32
      %broadcast_in_dim3A_158 = vector.broadcast %broadcast_in_dim3A : f32 to vector<16xf32>
      %mul3A_159 = arith.constant 16 : i32
      %mul3A_160 = arith.muli %select_n3A_157, %mul3A_159 : i32
      %swap3A = arith.index_cast %select_n3A : i32 to index
      %swap3A_161 = arith.index_cast %mul3A_160 : i32 to index
      %swap3A_162 = tpu.vector_load %arg8[%swap3A, %swap3A_161] {strides = array<i32>} : memref<16x128xf32, #tpu.memory_space<vmem>>, vector<1x16xf32>,
      %swap3A_163 = vector.shape_cast %swap3A_162 : vector<1x16xf32> to vector<16xf32>
      %swap3A_164 = vector.shape_cast %broadcast_in_dim3A_158 : vector<16xf32> to vector<1x16xf32>
      tpu.vector_store %arg8[%swap3A, %swap3A_161], %swap3A_164 {strides = array<i32>} : memref<16x128xf32, #tpu.memory_space<vmem>>, vector<1x16xf32>,
      %scan3A_165 = arith.constant 0 : i32
      scf.yield %scan3A_165 : i32
    }
    %scan3A_71 = arith.constant 128 : i32
    %scan3A_72 = arith.constant 0 : i32
    %scan3A_73 = arith.constant 0 : i32
    %scan3A_74 = arith.constant 40 : i32
    %scan3A_75 = arith.addi %scan3A_73, %scan3A_74 : i32
    %scan3A_76 = arith.constant 1 : i32
    %scan3A_77 = scf.for %scan3A_126 = %scan3A_73 to %scan3A_75 step %scan3A_76 iter_args(%scan3A_127 = %scan3A_72) -> (i32)  : i32 {
      %mul3A_128 = arith.constant 640 : i32
      %mul3A_129 = arith.muli %arg1, %mul3A_128 : i32
      %mul3A_130 = arith.constant 16 : i32
      %mul3A_131 = arith.muli %scan3A_126, %mul3A_130 : i32
      %add3A_132 = arith.addi %mul3A_129, %mul3A_131 : i32
      "tpu.region"() ({
        %run_scoped3A = tpu.sem_alloc : memref<!tpu.dma_semaphore, #tpu.memory_space<semaphore_mem>>
        %dma_start3A_134 = arith.constant 0 : i32
        %dma_start3A_135 = tpu.memref_slice %arg9[%add3A_132, %dma_start3A_134] : memref<10240x128xf32, #tpu.memory_space<vmem_shared>> -> memref<16x128xf32, #tpu.memory_space<vmem_shared>>
        %dma_start3A_136 = arith.constant 0 : i32
        %dma_start3A_137 = tpu.memref_slice %arg9[%add3A_132, %dma_start3A_136] : memref<10240x128xf32, #tpu.memory_space<vmem_shared>> -> memref<16x128xf32, #tpu.memory_space<vmem_shared>>
        tpu.enqueue_dma source(%arg8 : memref<16x128xf32, #tpu.memory_space<vmem>>) target(%dma_start3A_137 : memref<16x128xf32, #tpu.memory_space<vmem_shared>>) target_semaphore(%run_scoped3A : memref<!tpu.dma_semaphore, #tpu.memory_space<semaphore_mem>>)
        %dma_wait3A_138 = arith.constant 0 : i32
        %dma_wait3A_139 = tpu.memref_slice %arg9[%add3A_132, %dma_wait3A_138] : memref<10240x128xf32, #tpu.memory_space<vmem_shared>> -> memref<16x128xf32, #tpu.memory_space<vmem_shared>>
        %dma_wait3A_140 = arith.constant 0 : i32
        %dma_wait3A_141 = tpu.memref_slice %arg9[%add3A_132, %dma_wait3A_140] : memref<10240x128xf32, #tpu.memory_space<vmem_shared>> -> memref<16x128xf32, #tpu.memory_space<vmem_shared>>
        tpu.wait_dma2 semaphore(%run_scoped3A : memref<!tpu.dma_semaphore, #tpu.memory_space<semaphore_mem>>) src(%arg8 : memref<16x128xf32, #tpu.memory_space<vmem>>) dst(%dma_wait3A_141 : memref<16x128xf32, #tpu.memory_space<vmem_shared>>)
        tpu.yield
      }) : () -> ()
      %scan3A_133 = arith.constant 0 : i32
      scf.yield %scan3A_133 : i32
    }
    %scan3A_78 = arith.constant 40 : i32
    %barrier3A = arith.constant 0 : index
    tpu.barrier barrier_id(%barrier3A)
    %scan3A_79 = arith.constant 0 : i32
    %scan3A_80 = arith.constant 0 : i32
    %scan3A_81 = arith.constant 40 : i32
    %scan3A_82 = arith.addi %scan3A_80, %scan3A_81 : i32
    %scan3A_83 = arith.constant 1 : i32
    %scan3A_84 = scf.for %scan3A_126 = %scan3A_80 to %scan3A_82 step %scan3A_83 iter_args(%scan3A_127 = %scan3A_79) -> (i32)  : i32 {
      %jit3A = arith.constant 2 : i32
      %eq3A = arith.constant 0 : i32
      %eq3A_128 = arith.cmpi eq, %jit3A, %eq3A : i32
      %jit3A_129 = arith.constant 1 : i32
      %select_n3A = arith.select %eq3A_128, %jit3A_129, %jit3A : i32
      %rem3A = arith.remsi %scan3A_126, %select_n3A : i32
      %ne3A = arith.constant 0 : i32
      %ne3A_130 = arith.cmpi ne, %rem3A, %ne3A : i32
      %lt3A = arith.constant 0 : i32
      %lt3A_131 = arith.cmpi slt, %rem3A, %lt3A : i32
      %lt3A_132 = arith.constant 0 : i32
      %lt3A_133 = arith.cmpi slt, %select_n3A, %lt3A_132 : i32
      %ne3A_134 = arith.xori %lt3A_131, %lt3A_133 : i1
      %and3A = arith.andi %ne3A_134, %ne3A_130 : i1
      %add3A_135 = arith.addi %rem3A, %select_n3A : i32
      %select_n3A_136 = arith.select %and3A, %add3A_135, %rem3A : i32
      %sub3A = arith.constant 1 : i32
      %sub3A_137 = arith.subi %sub3A, %select_n3A_136 : i32
      %mul3A_138 = arith.constant 2 : i32
      %mul3A_139 = arith.muli %scan3A_126, %mul3A_138 : i32
      %add3A_140 = arith.constant 0 : i32
      %add3A_141 = arith.addi %mul3A_139, %add3A_140 : i32
      %dma_wait3A_142 = arith.constant 0 : i32
      %dma_wait3A_143 = arith.constant 0 : i32
      %dma_wait3A_144 = arith.constant 0 : i32
      %dma_wait3A_145 = arith.constant 0 : i32
      %dma_wait3A_146 = tpu.memref_slice %arg6[%dma_wait3A_142, %dma_wait3A_143, %select_n3A_136, %dma_wait3A_145] : memref<2x2x2x128xi32, #tpu.memory_space<vmem>> -> memref<1x1x1x128xi32, #tpu.memory_space<vmem>>
      %dma_wait3A_147 = tpu.memref_squeeze %dma_wait3A_146 : memref<1x1x1x128xi32, #tpu.memory_space<vmem>> -> memref<128xi32, #tpu.memory_space<vmem>>
      %dma_wait3A_148 = arith.constant 0 : i32
      %dma_wait3A_149 = tpu.memref_slice %arg3[%dma_wait3A_148] : memref<327680xi32, #tpu.memory_space<hbm>> -> memref<128xi32, #tpu.memory_space<hbm>>
      %dma_wait3A_150 = tpu.memref_slice %arg10[%dma_wait3A_144] : memref<2x!tpu.dma_semaphore, #tpu.memory_space<semaphore_mem>> -> memref<1x!tpu.dma_semaphore, #tpu.memory_space<semaphore_mem>>
      %dma_wait3A_151 = tpu.memref_squeeze %dma_wait3A_150 : memref<1x!tpu.dma_semaphore, #tpu.memory_space<semaphore_mem>> -> memref<!tpu.dma_semaphore, #tpu.memory_space<semaphore_mem>>
      %dma_wait3A_152 = arith.constant 0 : i32
      %dma_wait3A_153 = tpu.memref_slice %arg6[%dma_wait3A_142, %dma_wait3A_143, %select_n3A_136, %dma_wait3A_152] : memref<2x2x2x128xi32, #tpu.memory_space<vmem>> -> memref<1x1x1x128xi32, #tpu.memory_space<vmem>>
      %dma_wait3A_154 = tpu.memref_squeeze %dma_wait3A_153 : memref<1x1x1x128xi32, #tpu.memory_space<vmem>> -> memref<128xi32, #tpu.memory_space<vmem>>
      %dma_wait3A_155 = arith.constant 0 : i32
      %dma_wait3A_156 = tpu.memref_slice %arg3[%dma_wait3A_155] : memref<327680xi32, #tpu.memory_space<hbm>> -> memref<128xi32, #tpu.memory_space<hbm>>
      tpu.wait_dma2 semaphore(%dma_wait3A_151 : memref<!tpu.dma_semaphore, #tpu.memory_space<semaphore_mem>>) src(%dma_wait3A_156 : memref<128xi32, #tpu.memory_space<hbm>>) dst(%dma_wait3A_154 : memref<128xi32, #tpu.memory_space<vmem>>)
      %dma_wait3A_157 = arith.constant 1 : i32
      %dma_wait3A_158 = arith.constant 0 : i32
      %dma_wait3A_159 = arith.constant 0 : i32
      %dma_wait3A_160 = arith.constant 0 : i32
      %dma_wait3A_161 = tpu.memref_slice %arg6[%dma_wait3A_157, %dma_wait3A_158, %select_n3A_136, %dma_wait3A_160] : memref<2x2x2x128xi32, #tpu.memory_space<vmem>> -> memref<1x1x1x128xi32, #tpu.memory_space<vmem>>
      %dma_wait3A_162 = tpu.memref_squeeze %dma_wait3A_161 : memref<1x1x1x128xi32, #tpu.memory_space<vmem>> -> memref<128xi32, #tpu.memory_space<vmem>>
      %dma_wait3A_163 = arith.constant 0 : i32
      %dma_wait3A_164 = tpu.memref_slice %arg3[%dma_wait3A_163] : memref<327680xi32, #tpu.memory_space<hbm>> -> memref<128xi32, #tpu.memory_space<hbm>>
      %dma_wait3A_165 = tpu.memref_slice %arg10[%dma_wait3A_159] : memref<2x!tpu.dma_semaphore, #tpu.memory_space<semaphore_mem>> -> memref<1x!tpu.dma_semaphore, #tpu.memory_space<semaphore_mem>>
      %dma_wait3A_166 = tpu.memref_squeeze %dma_wait3A_165 : memref<1x!tpu.dma_semaphore, #tpu.memory_space<semaphore_mem>> -> memref<!tpu.dma_semaphore, #tpu.memory_space<semaphore_mem>>
      %dma_wait3A_167 = arith.constant 0 : i32
      %dma_wait3A_168 = tpu.memref_slice %arg6[%dma_wait3A_157, %dma_wait3A_158, %select_n3A_136, %dma_wait3A_167] : memref<2x2x2x128xi32, #tpu.memory_space<vmem>> -> memref<1x1x1x128xi32, #tpu.memory_space<vmem>>
      %dma_wait3A_169 = tpu.memref_squeeze %dma_wait3A_168 : memref<1x1x1x128xi32, #tpu.memory_space<vmem>> -> memref<128xi32, #tpu.memory_space<vmem>>
      %dma_wait3A_170 = arith.constant 0 : i32
      %dma_wait3A_171 = tpu.memref_slice %arg3[%dma_wait3A_170] : memref<327680xi32, #tpu.memory_space<hbm>> -> memref<128xi32, #tpu.memory_space<hbm>>
      tpu.wait_dma2 semaphore(%dma_wait3A_166 : memref<!tpu.dma_semaphore, #tpu.memory_space<semaphore_mem>>) src(%dma_wait3A_171 : memref<128xi32, #tpu.memory_space<hbm>>) dst(%dma_wait3A_169 : memref<128xi32, #tpu.memory_space<vmem>>)
      %gt3A = arith.constant 0 : i32
      %gt3A_172 = arith.cmpi sgt, %scan3A_126, %gt3A : i32
      %convert_element_type3A = arith.extui %gt3A_172 : i1 to i32
      %cond3A = arith.constant 0 : i32
      %cond3A_173 = arith.cmpi ne, %convert_element_type3A, %cond3A : i32
      scf.if %cond3A_173 {
        %dma_wait3A_320 = arith.constant 0 : i32
        %dma_wait3A_321 = arith.constant 0 : i32
        %dma_wait3A_322 = arith.constant 0 : i32
        %dma_wait3A_323 = arith.constant 0 : i32
        %dma_wait3A_324 = tpu.memref_slice %arg7[%dma_wait3A_320, %dma_wait3A_322, %dma_wait3A_323] : memref<2x128x128xf32, #tpu.memory_space<vmem>> -> memref<1x128x128xf32, #tpu.memory_space<vmem>>
        %dma_wait3A_325 = tpu.memref_squeeze %dma_wait3A_324 : memref<1x128x128xf32, #tpu.memory_space<vmem>> -> memref<128x128xf32, #tpu.memory_space<vmem>>
        %dma_wait3A_326 = arith.constant 0 : i32
        %dma_wait3A_327 = arith.constant 0 : i32
        %dma_wait3A_328 = tpu.memref_slice %arg9[%dma_wait3A_326, %dma_wait3A_327] : memref<10240x128xf32, #tpu.memory_space<vmem_shared>> -> memref<128x128xf32, #tpu.memory_space<vmem_shared>>
        %dma_wait3A_329 = tpu.memref_slice %arg12[%dma_wait3A_321] : memref<2x!tpu.dma_semaphore, #tpu.memory_space<semaphore_mem>> -> memref<1x!tpu.dma_semaphore, #tpu.memory_space<semaphore_mem>>
        %dma_wait3A_330 = tpu.memref_squeeze %dma_wait3A_329 : memref<1x!tpu.dma_semaphore, #tpu.memory_space<semaphore_mem>> -> memref<!tpu.dma_semaphore, #tpu.memory_space<semaphore_mem>>
        %dma_wait3A_331 = arith.constant 0 : i32
        %dma_wait3A_332 = arith.constant 0 : i32
        %dma_wait3A_333 = tpu.memref_slice %arg9[%dma_wait3A_331, %dma_wait3A_332] : memref<10240x128xf32, #tpu.memory_space<vmem_shared>> -> memref<128x128xf32, #tpu.memory_space<vmem_shared>>
        %dma_wait3A_334 = arith.constant 0 : i32
        %dma_wait3A_335 = arith.constant 0 : i32
        %dma_wait3A_336 = tpu.memref_slice %arg7[%dma_wait3A_320, %dma_wait3A_334, %dma_wait3A_335] : memref<2x128x128xf32, #tpu.memory_space<vmem>> -> memref<1x128x128xf32, #tpu.memory_space<vmem>>
        %dma_wait3A_337 = tpu.memref_squeeze %dma_wait3A_336 : memref<1x128x128xf32, #tpu.memory_space<vmem>> -> memref<128x128xf32, #tpu.memory_space<vmem>>
        tpu.wait_dma2 semaphore(%dma_wait3A_330 : memref<!tpu.dma_semaphore, #tpu.memory_space<semaphore_mem>>) src(%dma_wait3A_337 : memref<128x128xf32, #tpu.memory_space<vmem>>) dst(%dma_wait3A_333 : memref<128x128xf32, #tpu.memory_space<vmem_shared>>)
      } else {
      }
      %lt3A_174 = arith.constant 39 : i32
      %lt3A_175 = arith.cmpi slt, %scan3A_126, %lt3A_174 : i32
      %convert_element_type3A_176 = arith.extui %lt3A_175 : i1 to i32
      %cond3A_177 = arith.constant 0 : i32
      %cond3A_178 = arith.cmpi ne, %convert_element_type3A_176, %cond3A_177 : i32
      scf.if %cond3A_178 {
        %add3A_320 = arith.constant 2 : i32
        %add3A_321 = arith.addi %add3A_141, %add3A_320 : i32
        %mul3A_322 = arith.constant 128 : i32
        %mul3A_323 = arith.muli %add3A_321, %mul3A_322 : i32
        %add3A_324 = arith.addi %mul3A_2, %mul3A_323 : i32
        %dma_start3A_325 = arith.constant 0 : i32
        %dma_start3A_326 = arith.constant 0 : i32
        %dma_start3A_327 = arith.constant 0 : i32
        %dma_start3A_328 = arith.constant 0 : i32
        %dma_start3A_329 = tpu.memref_slice %arg6[%dma_start3A_325, %dma_start3A_326, %sub3A_137, %dma_start3A_328] : memref<2x2x2x128xi32, #tpu.memory_space<vmem>> -> memref<1x1x1x128xi32, #tpu.memory_space<vmem>>
        %dma_start3A_330 = tpu.memref_squeeze %dma_start3A_329 : memref<1x1x1x128xi32, #tpu.memory_space<vmem>> -> memref<128xi32, #tpu.memory_space<vmem>>
        %dma_start3A_331 = tpu.memref_slice %arg3[%add3A_324] : memref<327680xi32, #tpu.memory_space<hbm>> -> memref<128xi32, #tpu.memory_space<hbm>>
        %dma_start3A_332 = tpu.memref_slice %arg10[%dma_start3A_327] : memref<2x!tpu.dma_semaphore, #tpu.memory_space<semaphore_mem>> -> memref<1x!tpu.dma_semaphore, #tpu.memory_space<semaphore_mem>>
        %dma_start3A_333 = tpu.memref_squeeze %dma_start3A_332 : memref<1x!tpu.dma_semaphore, #tpu.memory_space<semaphore_mem>> -> memref<!tpu.dma_semaphore, #tpu.memory_space<semaphore_mem>>
        %dma_start3A_334 = arith.constant 0 : i32
        %dma_start3A_335 = tpu.memref_slice %arg6[%dma_start3A_325, %dma_start3A_326, %sub3A_137, %dma_start3A_334] : memref<2x2x2x128xi32, #tpu.memory_space<vmem>> -> memref<1x1x1x128xi32, #tpu.memory_space<vmem>>
        %dma_start3A_336 = tpu.memref_squeeze %dma_start3A_335 : memref<1x1x1x128xi32, #tpu.memory_space<vmem>> -> memref<128xi32, #tpu.memory_space<vmem>>
        %dma_start3A_337 = tpu.memref_slice %arg3[%add3A_324] : memref<327680xi32, #tpu.memory_space<hbm>> -> memref<128xi32, #tpu.memory_space<hbm>>
        tpu.enqueue_dma source(%dma_start3A_337 : memref<128xi32, #tpu.memory_space<hbm>>) target(%dma_start3A_336 : memref<128xi32, #tpu.memory_space<vmem>>) target_semaphore(%dma_start3A_333 : memref<!tpu.dma_semaphore, #tpu.memory_space<semaphore_mem>>)
        %dma_start3A_338 = arith.constant 1 : i32
        %dma_start3A_339 = arith.constant 0 : i32
        %dma_start3A_340 = arith.constant 0 : i32
        %dma_start3A_341 = arith.constant 0 : i32
        %dma_start3A_342 = tpu.memref_slice %arg6[%dma_start3A_338, %dma_start3A_339, %sub3A_137, %dma_start3A_341] : memref<2x2x2x128xi32, #tpu.memory_space<vmem>> -> memref<1x1x1x128xi32, #tpu.memory_space<vmem>>
        %dma_start3A_343 = tpu.memref_squeeze %dma_start3A_342 : memref<1x1x1x128xi32, #tpu.memory_space<vmem>> -> memref<128xi32, #tpu.memory_space<vmem>>
        %dma_start3A_344 = tpu.memref_slice %arg4[%add3A_324] : memref<327680xi32, #tpu.memory_space<hbm>> -> memref<128xi32, #tpu.memory_space<hbm>>
        %dma_start3A_345 = tpu.memref_slice %arg10[%dma_start3A_340] : memref<2x!tpu.dma_semaphore, #tpu.memory_space<semaphore_mem>> -> memref<1x!tpu.dma_semaphore, #tpu.memory_space<semaphore_mem>>
        %dma_start3A_346 = tpu.memref_squeeze %dma_start3A_345 : memref<1x!tpu.dma_semaphore, #tpu.memory_space<semaphore_mem>> -> memref<!tpu.dma_semaphore, #tpu.memory_space<semaphore_mem>>
        %dma_start3A_347 = arith.constant 0 : i32
        %dma_start3A_348 = tpu.memref_slice %arg6[%dma_start3A_338, %dma_start3A_339, %sub3A_137, %dma_start3A_347] : memref<2x2x2x128xi32, #tpu.memory_space<vmem>> -> memref<1x1x1x128xi32, #tpu.memory_space<vmem>>
        %dma_start3A_349 = tpu.memref_squeeze %dma_start3A_348 : memref<1x1x1x128xi32, #tpu.memory_space<vmem>> -> memref<128xi32, #tpu.memory_space<vmem>>
        %dma_start3A_350 = tpu.memref_slice %arg4[%add3A_324] : memref<327680xi32, #tpu.memory_space<hbm>> -> memref<128xi32, #tpu.memory_space<hbm>>
        tpu.enqueue_dma source(%dma_start3A_350 : memref<128xi32, #tpu.memory_space<hbm>>) target(%dma_start3A_349 : memref<128xi32, #tpu.memory_space<vmem>>) target_semaphore(%dma_start3A_346 : memref<!tpu.dma_semaphore, #tpu.memory_space<semaphore_mem>>)
      } else {
      }
      %dma_start3A_179 = arith.constant 0 : i32
      %dma_start3A_180 = arith.constant 0 : i32
      %dma_start3A_181 = arith.constant 0 : i32
      %dma_start3A_182 = arith.constant 0 : i32
      %dma_start3A_183 = arith.constant 0 : i32
      %dma_start3A_184 = arith.constant 0 : i32
      %dma_start3A_185 = tpu.memref_slice %arg7[%dma_start3A_181, %dma_start3A_183, %dma_start3A_184] : memref<2x128x128xf32, #tpu.memory_space<vmem>> -> memref<1x128x128xf32, #tpu.memory_space<vmem>>
      %dma_start3A_186 = tpu.memref_squeeze %dma_start3A_185 : memref<1x128x128xf32, #tpu.memory_space<vmem>> -> memref<128x128xf32, #tpu.memory_space<vmem>>
      %dma_start3A_187 = arith.constant 0 : i32
      %dma_start3A_188 = tpu.memref_slice %arg6[%dma_start3A_179, %dma_start3A_180, %select_n3A_136, %dma_start3A_187] : memref<2x2x2x128xi32, #tpu.memory_space<vmem>> -> memref<1x1x1x128xi32, #tpu.memory_space<vmem>>
      %dma_start3A_189 = tpu.memref_squeeze %dma_start3A_188 : memref<1x1x1x128xi32, #tpu.memory_space<vmem>> -> memref<128xi32, #tpu.memory_space<vmem>>
      %dma_start3A_190 = arith.constant 0 : i32
      %dma_start3A_191 = arith.constant 0 : i32
      %dma_start3A_192 = tpu.memref_slice %arg2[%dma_start3A_190, %dma_start3A_191] : memref<10240x128xf32, #tpu.memory_space<hbm>> -> memref<10240x128xf32, #tpu.memory_space<hbm>>
      %dma_start3A_193 = tpu.memref_slice %arg11[%dma_start3A_182] : memref<2x!tpu.dma_semaphore, #tpu.memory_space<semaphore_mem>> -> memref<1x!tpu.dma_semaphore, #tpu.memory_space<semaphore_mem>>
      %dma_start3A_194 = tpu.memref_squeeze %dma_start3A_193 : memref<1x!tpu.dma_semaphore, #tpu.memory_space<semaphore_mem>> -> memref<!tpu.dma_semaphore, #tpu.memory_space<semaphore_mem>>
      tpu.enqueue_indirect_dma source(%dma_start3A_192 : memref<10240x128xf32, #tpu.memory_space<hbm>>) target(%dma_start3A_186 : memref<128x128xf32, #tpu.memory_space<vmem>>) offsets(%dma_start3A_189 : memref<128xi32, #tpu.memory_space<vmem>>) semaphore(%dma_start3A_194 : memref<!tpu.dma_semaphore, #tpu.memory_space<semaphore_mem>>)
      %dma_wait3A_195 = arith.constant 0 : i32
      %dma_wait3A_196 = arith.constant 0 : i32
      %dma_wait3A_197 = arith.constant 0 : i32
      %dma_wait3A_198 = arith.constant 0 : i32
      %dma_wait3A_199 = arith.constant 0 : i32
      %dma_wait3A_200 = arith.constant 0 : i32
      %dma_wait3A_201 = tpu.memref_slice %arg7[%dma_wait3A_197, %dma_wait3A_199, %dma_wait3A_200] : memref<2x128x128xf32, #tpu.memory_space<vmem>> -> memref<1x128x128xf32, #tpu.memory_space<vmem>>
      %dma_wait3A_202 = tpu.memref_squeeze %dma_wait3A_201 : memref<1x128x128xf32, #tpu.memory_space<vmem>> -> memref<128x128xf32, #tpu.memory_space<vmem>>
      %dma_wait3A_203 = arith.constant 0 : i32
      %dma_wait3A_204 = tpu.memref_slice %arg6[%dma_wait3A_195, %dma_wait3A_196, %select_n3A_136, %dma_wait3A_203] : memref<2x2x2x128xi32, #tpu.memory_space<vmem>> -> memref<1x1x1x128xi32, #tpu.memory_space<vmem>>
      %dma_wait3A_205 = tpu.memref_squeeze %dma_wait3A_204 : memref<1x1x1x128xi32, #tpu.memory_space<vmem>> -> memref<128xi32, #tpu.memory_space<vmem>>
      %dma_wait3A_206 = arith.constant 0 : i32
      %dma_wait3A_207 = arith.constant 0 : i32
      %dma_wait3A_208 = tpu.memref_slice %arg2[%dma_wait3A_206, %dma_wait3A_207] : memref<10240x128xf32, #tpu.memory_space<hbm>> -> memref<10240x128xf32, #tpu.memory_space<hbm>>
      %dma_wait3A_209 = tpu.memref_slice %arg11[%dma_wait3A_198] : memref<2x!tpu.dma_semaphore, #tpu.memory_space<semaphore_mem>> -> memref<1x!tpu.dma_semaphore, #tpu.memory_space<semaphore_mem>>
      %dma_wait3A_210 = tpu.memref_squeeze %dma_wait3A_209 : memref<1x!tpu.dma_semaphore, #tpu.memory_space<semaphore_mem>> -> memref<!tpu.dma_semaphore, #tpu.memory_space<semaphore_mem>>
      tpu.wait_indirect_dma semaphore(%dma_wait3A_210 : memref<!tpu.dma_semaphore, #tpu.memory_space<semaphore_mem>>) src(%dma_wait3A_208 : memref<10240x128xf32, #tpu.memory_space<hbm>>) dst(%dma_wait3A_202 : memref<128x128xf32, #tpu.memory_space<vmem>>)
      %dma_start3A_211 = arith.constant 0 : i32
      %dma_start3A_212 = arith.constant 1 : i32
      %dma_start3A_213 = arith.constant 0 : i32
      %dma_start3A_214 = arith.constant 0 : i32
      %dma_start3A_215 = arith.constant 0 : i32
      %dma_start3A_216 = arith.constant 0 : i32
      %dma_start3A_217 = tpu.memref_slice %arg7[%dma_start3A_211, %dma_start3A_215, %dma_start3A_216] : memref<2x128x128xf32, #tpu.memory_space<vmem>> -> memref<1x128x128xf32, #tpu.memory_space<vmem>>
      %dma_start3A_218 = tpu.memref_squeeze %dma_start3A_217 : memref<1x128x128xf32, #tpu.memory_space<vmem>> -> memref<128x128xf32, #tpu.memory_space<vmem>>
      %dma_start3A_219 = arith.constant 0 : i32
      %dma_start3A_220 = tpu.memref_slice %arg6[%dma_start3A_212, %dma_start3A_213, %select_n3A_136, %dma_start3A_219] : memref<2x2x2x128xi32, #tpu.memory_space<vmem>> -> memref<1x1x1x128xi32, #tpu.memory_space<vmem>>
      %dma_start3A_221 = tpu.memref_squeeze %dma_start3A_220 : memref<1x1x1x128xi32, #tpu.memory_space<vmem>> -> memref<128xi32, #tpu.memory_space<vmem>>
      %dma_start3A_222 = arith.constant 0 : i32
      %dma_start3A_223 = arith.constant 0 : i32
      %dma_start3A_224 = tpu.memref_slice %arg9[%dma_start3A_222, %dma_start3A_223] : memref<10240x128xf32, #tpu.memory_space<vmem_shared>> -> memref<10240x128xf32, #tpu.memory_space<vmem_shared>>
      %dma_start3A_225 = tpu.memref_slice %arg12[%dma_start3A_214] : memref<2x!tpu.dma_semaphore, #tpu.memory_space<semaphore_mem>> -> memref<1x!tpu.dma_semaphore, #tpu.memory_space<semaphore_mem>>
      %dma_start3A_226 = tpu.memref_squeeze %dma_start3A_225 : memref<1x!tpu.dma_semaphore, #tpu.memory_space<semaphore_mem>> -> memref<!tpu.dma_semaphore, #tpu.memory_space<semaphore_mem>>
      tpu.enqueue_indirect_dma source(%dma_start3A_218 : memref<128x128xf32, #tpu.memory_space<vmem>>) target(%dma_start3A_224 : memref<10240x128xf32, #tpu.memory_space<vmem_shared>>) offsets(%dma_start3A_221 : memref<128xi32, #tpu.memory_space<vmem>>) semaphore(%dma_start3A_226 : memref<!tpu.dma_semaphore, #tpu.memory_space<semaphore_mem>>) {add = true}
      %mul3A_227 = arith.constant 2 : i32
      %mul3A_228 = arith.muli %scan3A_126, %mul3A_227 : i32
      %add3A_229 = arith.constant 1 : i32
      %add3A_230 = arith.addi %mul3A_228, %add3A_229 : i32
      %dma_wait3A_231 = arith.constant 0 : i32
      %dma_wait3A_232 = arith.constant 1 : i32
      %dma_wait3A_233 = arith.constant 1 : i32
      %dma_wait3A_234 = arith.constant 0 : i32
      %dma_wait3A_235 = tpu.memref_slice %arg6[%dma_wait3A_231, %dma_wait3A_232, %select_n3A_136, %dma_wait3A_234] : memref<2x2x2x128xi32, #tpu.memory_space<vmem>> -> memref<1x1x1x128xi32, #tpu.memory_space<vmem>>
      %dma_wait3A_236 = tpu.memref_squeeze %dma_wait3A_235 : memref<1x1x1x128xi32, #tpu.memory_space<vmem>> -> memref<128xi32, #tpu.memory_space<vmem>>
      %dma_wait3A_237 = arith.constant 0 : i32
      %dma_wait3A_238 = tpu.memref_slice %arg3[%dma_wait3A_237] : memref<327680xi32, #tpu.memory_space<hbm>> -> memref<128xi32, #tpu.memory_space<hbm>>
      %dma_wait3A_239 = tpu.memref_slice %arg10[%dma_wait3A_233] : memref<2x!tpu.dma_semaphore, #tpu.memory_space<semaphore_mem>> -> memref<1x!tpu.dma_semaphore, #tpu.memory_space<semaphore_mem>>
      %dma_wait3A_240 = tpu.memref_squeeze %dma_wait3A_239 : memref<1x!tpu.dma_semaphore, #tpu.memory_space<semaphore_mem>> -> memref<!tpu.dma_semaphore, #tpu.memory_space<semaphore_mem>>
      %dma_wait3A_241 = arith.constant 0 : i32
      %dma_wait3A_242 = tpu.memref_slice %arg6[%dma_wait3A_231, %dma_wait3A_232, %select_n3A_136, %dma_wait3A_241] : memref<2x2x2x128xi32, #tpu.memory_space<vmem>> -> memref<1x1x1x128xi32, #tpu.memory_space<vmem>>
      %dma_wait3A_243 = tpu.memref_squeeze %dma_wait3A_242 : memref<1x1x1x128xi32, #tpu.memory_space<vmem>> -> memref<128xi32, #tpu.memory_space<vmem>>
      %dma_wait3A_244 = arith.constant 0 : i32
      %dma_wait3A_245 = tpu.memref_slice %arg3[%dma_wait3A_244] : memref<327680xi32, #tpu.memory_space<hbm>> -> memref<128xi32, #tpu.memory_space<hbm>>
      tpu.wait_dma2 semaphore(%dma_wait3A_240 : memref<!tpu.dma_semaphore, #tpu.memory_space<semaphore_mem>>) src(%dma_wait3A_245 : memref<128xi32, #tpu.memory_space<hbm>>) dst(%dma_wait3A_243 : memref<128xi32, #tpu.memory_space<vmem>>)
      %dma_wait3A_246 = arith.constant 1 : i32
      %dma_wait3A_247 = arith.constant 1 : i32
      %dma_wait3A_248 = arith.constant 1 : i32
      %dma_wait3A_249 = arith.constant 0 : i32
      %dma_wait3A_250 = tpu.memref_slice %arg6[%dma_wait3A_246, %dma_wait3A_247, %select_n3A_136, %dma_wait3A_249] : memref<2x2x2x128xi32, #tpu.memory_space<vmem>> -> memref<1x1x1x128xi32, #tpu.memory_space<vmem>>
      %dma_wait3A_251 = tpu.memref_squeeze %dma_wait3A_250 : memref<1x1x1x128xi32, #tpu.memory_space<vmem>> -> memref<128xi32, #tpu.memory_space<vmem>>
      %dma_wait3A_252 = arith.constant 0 : i32
      %dma_wait3A_253 = tpu.memref_slice %arg3[%dma_wait3A_252] : memref<327680xi32, #tpu.memory_space<hbm>> -> memref<128xi32, #tpu.memory_space<hbm>>
      %dma_wait3A_254 = tpu.memref_slice %arg10[%dma_wait3A_248] : memref<2x!tpu.dma_semaphore, #tpu.memory_space<semaphore_mem>> -> memref<1x!tpu.dma_semaphore, #tpu.memory_space<semaphore_mem>>
      %dma_wait3A_255 = tpu.memref_squeeze %dma_wait3A_254 : memref<1x!tpu.dma_semaphore, #tpu.memory_space<semaphore_mem>> -> memref<!tpu.dma_semaphore, #tpu.memory_space<semaphore_mem>>
      %dma_wait3A_256 = arith.constant 0 : i32
      %dma_wait3A_257 = tpu.memref_slice %arg6[%dma_wait3A_246, %dma_wait3A_247, %select_n3A_136, %dma_wait3A_256] : memref<2x2x2x128xi32, #tpu.memory_space<vmem>> -> memref<1x1x1x128xi32, #tpu.memory_space<vmem>>
      %dma_wait3A_258 = tpu.memref_squeeze %dma_wait3A_257 : memref<1x1x1x128xi32, #tpu.memory_space<vmem>> -> memref<128xi32, #tpu.memory_space<vmem>>
      %dma_wait3A_259 = arith.constant 0 : i32
      %dma_wait3A_260 = tpu.memref_slice %arg3[%dma_wait3A_259] : memref<327680xi32, #tpu.memory_space<hbm>> -> memref<128xi32, #tpu.memory_space<hbm>>
      tpu.wait_dma2 semaphore(%dma_wait3A_255 : memref<!tpu.dma_semaphore, #tpu.memory_space<semaphore_mem>>) src(%dma_wait3A_260 : memref<128xi32, #tpu.memory_space<hbm>>) dst(%dma_wait3A_258 : memref<128xi32, #tpu.memory_space<vmem>>)
      %gt3A_261 = arith.constant 0 : i32
      %gt3A_262 = arith.cmpi sgt, %scan3A_126, %gt3A_261 : i32
      %convert_element_type3A_263 = arith.extui %gt3A_262 : i1 to i32
      %cond3A_264 = arith.constant 0 : i32
      %cond3A_265 = arith.cmpi ne, %convert_element_type3A_263, %cond3A_264 : i32
      scf.if %cond3A_265 {
        %dma_wait3A_320 = arith.constant 1 : i32
        %dma_wait3A_321 = arith.constant 1 : i32
        %dma_wait3A_322 = arith.constant 0 : i32
        %dma_wait3A_323 = arith.constant 0 : i32
        %dma_wait3A_324 = tpu.memref_slice %arg7[%dma_wait3A_320, %dma_wait3A_322, %dma_wait3A_323] : memref<2x128x128xf32, #tpu.memory_space<vmem>> -> memref<1x128x128xf32, #tpu.memory_space<vmem>>
        %dma_wait3A_325 = tpu.memref_squeeze %dma_wait3A_324 : memref<1x128x128xf32, #tpu.memory_space<vmem>> -> memref<128x128xf32, #tpu.memory_space<vmem>>
        %dma_wait3A_326 = arith.constant 0 : i32
        %dma_wait3A_327 = arith.constant 0 : i32
        %dma_wait3A_328 = tpu.memref_slice %arg9[%dma_wait3A_326, %dma_wait3A_327] : memref<10240x128xf32, #tpu.memory_space<vmem_shared>> -> memref<128x128xf32, #tpu.memory_space<vmem_shared>>
        %dma_wait3A_329 = tpu.memref_slice %arg12[%dma_wait3A_321] : memref<2x!tpu.dma_semaphore, #tpu.memory_space<semaphore_mem>> -> memref<1x!tpu.dma_semaphore, #tpu.memory_space<semaphore_mem>>
        %dma_wait3A_330 = tpu.memref_squeeze %dma_wait3A_329 : memref<1x!tpu.dma_semaphore, #tpu.memory_space<semaphore_mem>> -> memref<!tpu.dma_semaphore, #tpu.memory_space<semaphore_mem>>
        %dma_wait3A_331 = arith.constant 0 : i32
        %dma_wait3A_332 = arith.constant 0 : i32
        %dma_wait3A_333 = tpu.memref_slice %arg9[%dma_wait3A_331, %dma_wait3A_332] : memref<10240x128xf32, #tpu.memory_space<vmem_shared>> -> memref<128x128xf32, #tpu.memory_space<vmem_shared>>
        %dma_wait3A_334 = arith.constant 0 : i32
        %dma_wait3A_335 = arith.constant 0 : i32
        %dma_wait3A_336 = tpu.memref_slice %arg7[%dma_wait3A_320, %dma_wait3A_334, %dma_wait3A_335] : memref<2x128x128xf32, #tpu.memory_space<vmem>> -> memref<1x128x128xf32, #tpu.memory_space<vmem>>
        %dma_wait3A_337 = tpu.memref_squeeze %dma_wait3A_336 : memref<1x128x128xf32, #tpu.memory_space<vmem>> -> memref<128x128xf32, #tpu.memory_space<vmem>>
        tpu.wait_dma2 semaphore(%dma_wait3A_330 : memref<!tpu.dma_semaphore, #tpu.memory_space<semaphore_mem>>) src(%dma_wait3A_337 : memref<128x128xf32, #tpu.memory_space<vmem>>) dst(%dma_wait3A_333 : memref<128x128xf32, #tpu.memory_space<vmem_shared>>)
      } else {
      }
      %lt3A_266 = arith.constant 39 : i32
      %lt3A_267 = arith.cmpi slt, %scan3A_126, %lt3A_266 : i32
      %convert_element_type3A_268 = arith.extui %lt3A_267 : i1 to i32
      %cond3A_269 = arith.constant 0 : i32
      %cond3A_270 = arith.cmpi ne, %convert_element_type3A_268, %cond3A_269 : i32
      scf.if %cond3A_270 {
        %add3A_320 = arith.constant 2 : i32
        %add3A_321 = arith.addi %add3A_230, %add3A_320 : i32
        %mul3A_322 = arith.constant 128 : i32
        %mul3A_323 = arith.muli %add3A_321, %mul3A_322 : i32
        %add3A_324 = arith.addi %mul3A_2, %mul3A_323 : i32
        %dma_start3A_325 = arith.constant 0 : i32
        %dma_start3A_326 = arith.constant 1 : i32
        %dma_start3A_327 = arith.constant 1 : i32
        %dma_start3A_328 = arith.constant 0 : i32
        %dma_start3A_329 = tpu.memref_slice %arg6[%dma_start3A_325, %dma_start3A_326, %sub3A_137, %dma_start3A_328] : memref<2x2x2x128xi32, #tpu.memory_space<vmem>> -> memref<1x1x1x128xi32, #tpu.memory_space<vmem>>
        %dma_start3A_330 = tpu.memref_squeeze %dma_start3A_329 : memref<1x1x1x128xi32, #tpu.memory_space<vmem>> -> memref<128xi32, #tpu.memory_space<vmem>>
        %dma_start3A_331 = tpu.memref_slice %arg3[%add3A_324] : memref<327680xi32, #tpu.memory_space<hbm>> -> memref<128xi32, #tpu.memory_space<hbm>>
        %dma_start3A_332 = tpu.memref_slice %arg10[%dma_start3A_327] : memref<2x!tpu.dma_semaphore, #tpu.memory_space<semaphore_mem>> -> memref<1x!tpu.dma_semaphore, #tpu.memory_space<semaphore_mem>>
        %dma_start3A_333 = tpu.memref_squeeze %dma_start3A_332 : memref<1x!tpu.dma_semaphore, #tpu.memory_space<semaphore_mem>> -> memref<!tpu.dma_semaphore, #tpu.memory_space<semaphore_mem>>
        %dma_start3A_334 = arith.constant 0 : i32
        %dma_start3A_335 = tpu.memref_slice %arg6[%dma_start3A_325, %dma_start3A_326, %sub3A_137, %dma_start3A_334] : memref<2x2x2x128xi32, #tpu.memory_space<vmem>> -> memref<1x1x1x128xi32, #tpu.memory_space<vmem>>
        %dma_start3A_336 = tpu.memref_squeeze %dma_start3A_335 : memref<1x1x1x128xi32, #tpu.memory_space<vmem>> -> memref<128xi32, #tpu.memory_space<vmem>>
        %dma_start3A_337 = tpu.memref_slice %arg3[%add3A_324] : memref<327680xi32, #tpu.memory_space<hbm>> -> memref<128xi32, #tpu.memory_space<hbm>>
        tpu.enqueue_dma source(%dma_start3A_337 : memref<128xi32, #tpu.memory_space<hbm>>) target(%dma_start3A_336 : memref<128xi32, #tpu.memory_space<vmem>>) target_semaphore(%dma_start3A_333 : memref<!tpu.dma_semaphore, #tpu.memory_space<semaphore_mem>>)
        %dma_start3A_338 = arith.constant 1 : i32
        %dma_start3A_339 = arith.constant 1 : i32
        %dma_start3A_340 = arith.constant 1 : i32
        %dma_start3A_341 = arith.constant 0 : i32
        %dma_start3A_342 = tpu.memref_slice %arg6[%dma_start3A_338, %dma_start3A_339, %sub3A_137, %dma_start3A_341] : memref<2x2x2x128xi32, #tpu.memory_space<vmem>> -> memref<1x1x1x128xi32, #tpu.memory_space<vmem>>
        %dma_start3A_343 = tpu.memref_squeeze %dma_start3A_342 : memref<1x1x1x128xi32, #tpu.memory_space<vmem>> -> memref<128xi32, #tpu.memory_space<vmem>>
        %dma_start3A_344 = tpu.memref_slice %arg4[%add3A_324] : memref<327680xi32, #tpu.memory_space<hbm>> -> memref<128xi32, #tpu.memory_space<hbm>>
        %dma_start3A_345 = tpu.memref_slice %arg10[%dma_start3A_340] : memref<2x!tpu.dma_semaphore, #tpu.memory_space<semaphore_mem>> -> memref<1x!tpu.dma_semaphore, #tpu.memory_space<semaphore_mem>>
        %dma_start3A_346 = tpu.memref_squeeze %dma_start3A_345 : memref<1x!tpu.dma_semaphore, #tpu.memory_space<semaphore_mem>> -> memref<!tpu.dma_semaphore, #tpu.memory_space<semaphore_mem>>
        %dma_start3A_347 = arith.constant 0 : i32
        %dma_start3A_348 = tpu.memref_slice %arg6[%dma_start3A_338, %dma_start3A_339, %sub3A_137, %dma_start3A_347] : memref<2x2x2x128xi32, #tpu.memory_space<vmem>> -> memref<1x1x1x128xi32, #tpu.memory_space<vmem>>
        %dma_start3A_349 = tpu.memref_squeeze %dma_start3A_348 : memref<1x1x1x128xi32, #tpu.memory_space<vmem>> -> memref<128xi32, #tpu.memory_space<vmem>>
        %dma_start3A_350 = tpu.memref_slice %arg4[%add3A_324] : memref<327680xi32, #tpu.memory_space<hbm>> -> memref<128xi32, #tpu.memory_space<hbm>>
        tpu.enqueue_dma source(%dma_start3A_350 : memref<128xi32, #tpu.memory_space<hbm>>) target(%dma_start3A_349 : memref<128xi32, #tpu.memory_space<vmem>>) target_semaphore(%dma_start3A_346 : memref<!tpu.dma_semaphore, #tpu.memory_space<semaphore_mem>>)
      } else {
      }
      %dma_start3A_271 = arith.constant 0 : i32
      %dma_start3A_272 = arith.constant 1 : i32
      %dma_start3A_273 = arith.constant 1 : i32
      %dma_start3A_274 = arith.constant 1 : i32
      %dma_start3A_275 = arith.constant 0 : i32
      %dma_start3A_276 = arith.constant 0 : i32
      %dma_start3A_277 = tpu.memref_slice %arg7[%dma_start3A_273, %dma_start3A_275, %dma_start3A_276] : memref<2x128x128xf32, #tpu.memory_space<vmem>> -> memref<1x128x128xf32, #tpu.memory_space<vmem>>
      %dma_start3A_278 = tpu.memref_squeeze %dma_start3A_277 : memref<1x128x128xf32, #tpu.memory_space<vmem>> -> memref<128x128xf32, #tpu.memory_space<vmem>>
      %dma_start3A_279 = arith.constant 0 : i32
      %dma_start3A_280 = tpu.memref_slice %arg6[%dma_start3A_271, %dma_start3A_272, %select_n3A_136, %dma_start3A_279] : memref<2x2x2x128xi32, #tpu.memory_space<vmem>> -> memref<1x1x1x128xi32, #tpu.memory_space<vmem>>
      %dma_start3A_281 = tpu.memref_squeeze %dma_start3A_280 : memref<1x1x1x128xi32, #tpu.memory_space<vmem>> -> memref<128xi32, #tpu.memory_space<vmem>>
      %dma_start3A_282 = arith.constant 0 : i32
      %dma_start3A_283 = arith.constant 0 : i32
      %dma_start3A_284 = tpu.memref_slice %arg2[%dma_start3A_282, %dma_start3A_283] : memref<10240x128xf32, #tpu.memory_space<hbm>> -> memref<10240x128xf32, #tpu.memory_space<hbm>>
      %dma_start3A_285 = tpu.memref_slice %arg11[%dma_start3A_274] : memref<2x!tpu.dma_semaphore, #tpu.memory_space<semaphore_mem>> -> memref<1x!tpu.dma_semaphore, #tpu.memory_space<semaphore_mem>>
      %dma_start3A_286 = tpu.memref_squeeze %dma_start3A_285 : memref<1x!tpu.dma_semaphore, #tpu.memory_space<semaphore_mem>> -> memref<!tpu.dma_semaphore, #tpu.memory_space<semaphore_mem>>
      tpu.enqueue_indirect_dma source(%dma_start3A_284 : memref<10240x128xf32, #tpu.memory_space<hbm>>) target(%dma_start3A_278 : memref<128x128xf32, #tpu.memory_space<vmem>>) offsets(%dma_start3A_281 : memref<128xi32, #tpu.memory_space<vmem>>) semaphore(%dma_start3A_286 : memref<!tpu.dma_semaphore, #tpu.memory_space<semaphore_mem>>)
      %dma_wait3A_287 = arith.constant 0 : i32
      %dma_wait3A_288 = arith.constant 1 : i32
      %dma_wait3A_289 = arith.constant 1 : i32
      %dma_wait3A_290 = arith.constant 1 : i32
      %dma_wait3A_291 = arith.constant 0 : i32
      %dma_wait3A_292 = arith.constant 0 : i32
      %dma_wait3A_293 = tpu.memref_slice %arg7[%dma_wait3A_289, %dma_wait3A_291, %dma_wait3A_292] : memref<2x128x128xf32, #tpu.memory_space<vmem>> -> memref<1x128x128xf32, #tpu.memory_space<vmem>>
      %dma_wait3A_294 = tpu.memref_squeeze %dma_wait3A_293 : memref<1x128x128xf32, #tpu.memory_space<vmem>> -> memref<128x128xf32, #tpu.memory_space<vmem>>
      %dma_wait3A_295 = arith.constant 0 : i32
      %dma_wait3A_296 = tpu.memref_slice %arg6[%dma_wait3A_287, %dma_wait3A_288, %select_n3A_136, %dma_wait3A_295] : memref<2x2x2x128xi32, #tpu.memory_space<vmem>> -> memref<1x1x1x128xi32, #tpu.memory_space<vmem>>
      %dma_wait3A_297 = tpu.memref_squeeze %dma_wait3A_296 : memref<1x1x1x128xi32, #tpu.memory_space<vmem>> -> memref<128xi32, #tpu.memory_space<vmem>>
      %dma_wait3A_298 = arith.constant 0 : i32
      %dma_wait3A_299 = arith.constant 0 : i32
      %dma_wait3A_300 = tpu.memref_slice %arg2[%dma_wait3A_298, %dma_wait3A_299] : memref<10240x128xf32, #tpu.memory_space<hbm>> -> memref<10240x128xf32, #tpu.memory_space<hbm>>
      %dma_wait3A_301 = tpu.memref_slice %arg11[%dma_wait3A_290] : memref<2x!tpu.dma_semaphore, #tpu.memory_space<semaphore_mem>> -> memref<1x!tpu.dma_semaphore, #tpu.memory_space<semaphore_mem>>
      %dma_wait3A_302 = tpu.memref_squeeze %dma_wait3A_301 : memref<1x!tpu.dma_semaphore, #tpu.memory_space<semaphore_mem>> -> memref<!tpu.dma_semaphore, #tpu.memory_space<semaphore_mem>>
      tpu.wait_indirect_dma semaphore(%dma_wait3A_302 : memref<!tpu.dma_semaphore, #tpu.memory_space<semaphore_mem>>) src(%dma_wait3A_300 : memref<10240x128xf32, #tpu.memory_space<hbm>>) dst(%dma_wait3A_294 : memref<128x128xf32, #tpu.memory_space<vmem>>)
      %dma_start3A_303 = arith.constant 1 : i32
      %dma_start3A_304 = arith.constant 1 : i32
      %dma_start3A_305 = arith.constant 1 : i32
      %dma_start3A_306 = arith.constant 1 : i32
      %dma_start3A_307 = arith.constant 0 : i32
      %dma_start3A_308 = arith.constant 0 : i32
      %dma_start3A_309 = tpu.memref_slice %arg7[%dma_start3A_303, %dma_start3A_307, %dma_start3A_308] : memref<2x128x128xf32, #tpu.memory_space<vmem>> -> memref<1x128x128xf32, #tpu.memory_space<vmem>>
      %dma_start3A_310 = tpu.memref_squeeze %dma_start3A_309 : memref<1x128x128xf32, #tpu.memory_space<vmem>> -> memref<128x128xf32, #tpu.memory_space<vmem>>
      %dma_start3A_311 = arith.constant 0 : i32
      %dma_start3A_312 = tpu.memref_slice %arg6[%dma_start3A_304, %dma_start3A_305, %select_n3A_136, %dma_start3A_311] : memref<2x2x2x128xi32, #tpu.memory_space<vmem>> -> memref<1x1x1x128xi32, #tpu.memory_space<vmem>>
      %dma_start3A_313 = tpu.memref_squeeze %dma_start3A_312 : memref<1x1x1x128xi32, #tpu.memory_space<vmem>> -> memref<128xi32, #tpu.memory_space<vmem>>
      %dma_start3A_314 = arith.constant 0 : i32
      %dma_start3A_315 = arith.constant 0 : i32
      %dma_start3A_316 = tpu.memref_slice %arg9[%dma_start3A_314, %dma_start3A_315] : memref<10240x128xf32, #tpu.memory_space<vmem_shared>> -> memref<10240x128xf32, #tpu.memory_space<vmem_shared>>
      %dma_start3A_317 = tpu.memref_slice %arg12[%dma_start3A_306] : memref<2x!tpu.dma_semaphore, #tpu.memory_space<semaphore_mem>> -> memref<1x!tpu.dma_semaphore, #tpu.memory_space<semaphore_mem>>
      %dma_start3A_318 = tpu.memref_squeeze %dma_start3A_317 : memref<1x!tpu.dma_semaphore, #tpu.memory_space<semaphore_mem>> -> memref<!tpu.dma_semaphore, #tpu.memory_space<semaphore_mem>>
      tpu.enqueue_indirect_dma source(%dma_start3A_310 : memref<128x128xf32, #tpu.memory_space<vmem>>) target(%dma_start3A_316 : memref<10240x128xf32, #tpu.memory_space<vmem_shared>>) offsets(%dma_start3A_313 : memref<128xi32, #tpu.memory_space<vmem>>) semaphore(%dma_start3A_318 : memref<!tpu.dma_semaphore, #tpu.memory_space<semaphore_mem>>) {add = true}
      %scan3A_319 = arith.constant 0 : i32
      scf.yield %scan3A_319 : i32
    }
    %scan3A_85 = arith.constant 40 : i32
    %dma_wait3A = arith.constant 0 : i32
    %dma_wait3A_86 = arith.constant 0 : i32
    %dma_wait3A_87 = arith.constant 0 : i32
    %dma_wait3A_88 = arith.constant 0 : i32
    %dma_wait3A_89 = tpu.memref_slice %arg7[%dma_wait3A, %dma_wait3A_87, %dma_wait3A_88] : memref<2x128x128xf32, #tpu.memory_space<vmem>> -> memref<1x128x128xf32, #tpu.memory_space<vmem>>
    %dma_wait3A_90 = tpu.memref_squeeze %dma_wait3A_89 : memref<1x128x128xf32, #tpu.memory_space<vmem>> -> memref<128x128xf32, #tpu.memory_space<vmem>>
    %dma_wait3A_91 = arith.constant 0 : i32
    %dma_wait3A_92 = arith.constant 0 : i32
    %dma_wait3A_93 = tpu.memref_slice %arg9[%dma_wait3A_91, %dma_wait3A_92] : memref<10240x128xf32, #tpu.memory_space<vmem_shared>> -> memref<128x128xf32, #tpu.memory_space<vmem_shared>>
    %dma_wait3A_94 = tpu.memref_slice %arg12[%dma_wait3A_86] : memref<2x!tpu.dma_semaphore, #tpu.memory_space<semaphore_mem>> -> memref<1x!tpu.dma_semaphore, #tpu.memory_space<semaphore_mem>>
    %dma_wait3A_95 = tpu.memref_squeeze %dma_wait3A_94 : memref<1x!tpu.dma_semaphore, #tpu.memory_space<semaphore_mem>> -> memref<!tpu.dma_semaphore, #tpu.memory_space<semaphore_mem>>
    %dma_wait3A_96 = arith.constant 0 : i32
    %dma_wait3A_97 = arith.constant 0 : i32
    %dma_wait3A_98 = tpu.memref_slice %arg9[%dma_wait3A_96, %dma_wait3A_97] : memref<10240x128xf32, #tpu.memory_space<vmem_shared>> -> memref<128x128xf32, #tpu.memory_space<vmem_shared>>
    %dma_wait3A_99 = arith.constant 0 : i32
    %dma_wait3A_100 = arith.constant 0 : i32
    %dma_wait3A_101 = tpu.memref_slice %arg7[%dma_wait3A, %dma_wait3A_99, %dma_wait3A_100] : memref<2x128x128xf32, #tpu.memory_space<vmem>> -> memref<1x128x128xf32, #tpu.memory_space<vmem>>
    %dma_wait3A_102 = tpu.memref_squeeze %dma_wait3A_101 : memref<1x128x128xf32, #tpu.memory_space<vmem>> -> memref<128x128xf32, #tpu.memory_space<vmem>>
    tpu.wait_dma2 semaphore(%dma_wait3A_95 : memref<!tpu.dma_semaphore, #tpu.memory_space<semaphore_mem>>) src(%dma_wait3A_102 : memref<128x128xf32, #tpu.memory_space<vmem>>) dst(%dma_wait3A_98 : memref<128x128xf32, #tpu.memory_space<vmem_shared>>)
    %dma_wait3A_103 = arith.constant 1 : i32
    %dma_wait3A_104 = arith.constant 1 : i32
    %dma_wait3A_105 = arith.constant 0 : i32
    %dma_wait3A_106 = arith.constant 0 : i32
    %dma_wait3A_107 = tpu.memref_slice %arg7[%dma_wait3A_103, %dma_wait3A_105, %dma_wait3A_106] : memref<2x128x128xf32, #tpu.memory_space<vmem>> -> memref<1x128x128xf32, #tpu.memory_space<vmem>>
    %dma_wait3A_108 = tpu.memref_squeeze %dma_wait3A_107 : memref<1x128x128xf32, #tpu.memory_space<vmem>> -> memref<128x128xf32, #tpu.memory_space<vmem>>
    %dma_wait3A_109 = arith.constant 0 : i32
    %dma_wait3A_110 = arith.constant 0 : i32
    %dma_wait3A_111 = tpu.memref_slice %arg9[%dma_wait3A_109, %dma_wait3A_110] : memref<10240x128xf32, #tpu.memory_space<vmem_shared>> -> memref<128x128xf32, #tpu.memory_space<vmem_shared>>
    %dma_wait3A_112 = tpu.memref_slice %arg12[%dma_wait3A_104] : memref<2x!tpu.dma_semaphore, #tpu.memory_space<semaphore_mem>> -> memref<1x!tpu.dma_semaphore, #tpu.memory_space<semaphore_mem>>
    %dma_wait3A_113 = tpu.memref_squeeze %dma_wait3A_112 : memref<1x!tpu.dma_semaphore, #tpu.memory_space<semaphore_mem>> -> memref<!tpu.dma_semaphore, #tpu.memory_space<semaphore_mem>>
    %dma_wait3A_114 = arith.constant 0 : i32
    %dma_wait3A_115 = arith.constant 0 : i32
    %dma_wait3A_116 = tpu.memref_slice %arg9[%dma_wait3A_114, %dma_wait3A_115] : memref<10240x128xf32, #tpu.memory_space<vmem_shared>> -> memref<128x128xf32, #tpu.memory_space<vmem_shared>>
    %dma_wait3A_117 = arith.constant 0 : i32
    %dma_wait3A_118 = arith.constant 0 : i32
    %dma_wait3A_119 = tpu.memref_slice %arg7[%dma_wait3A_103, %dma_wait3A_117, %dma_wait3A_118] : memref<2x128x128xf32, #tpu.memory_space<vmem>> -> memref<1x128x128xf32, #tpu.memory_space<vmem>>
    %dma_wait3A_120 = tpu.memref_squeeze %dma_wait3A_119 : memref<1x128x128xf32, #tpu.memory_space<vmem>> -> memref<128x128xf32, #tpu.memory_space<vmem>>
    tpu.wait_dma2 semaphore(%dma_wait3A_113 : memref<!tpu.dma_semaphore, #tpu.memory_space<semaphore_mem>>) src(%dma_wait3A_120 : memref<128x128xf32, #tpu.memory_space<vmem>>) dst(%dma_wait3A_116 : memref<128x128xf32, #tpu.memory_space<vmem_shared>>)
    %barrier3A_121 = arith.constant 0 : index
    tpu.barrier barrier_id(%barrier3A_121)
    %mul3A_122 = arith.constant 640 : i32
    %mul3A_123 = arith.muli %arg1, %mul3A_122 : i32
    %mul3A_124 = arith.constant 640 : i32
    %mul3A_125 = arith.muli %arg1, %mul3A_124 : i32
    "tpu.region"() ({
      %run_scoped3A = tpu.sem_alloc : memref<!tpu.dma_semaphore, #tpu.memory_space<semaphore_mem>>
      %dma_start3A_126 = arith.constant 0 : i32
      %dma_start3A_127 = tpu.memref_slice %arg5[%arg0, %mul3A_125, %dma_start3A_126] : memref<2x10240x128xf32, #tpu.memory_space<hbm>> -> memref<1x640x128xf32, #tpu.memory_space<hbm>>
      %dma_start3A_128 = tpu.memref_squeeze %dma_start3A_127 : memref<1x640x128xf32, #tpu.memory_space<hbm>> -> memref<640x128xf32, #tpu.memory_space<hbm>>
      %dma_start3A_129 = arith.constant 0 : i32
      %dma_start3A_130 = tpu.memref_slice %arg9[%mul3A_123, %dma_start3A_129] : memref<10240x128xf32, #tpu.memory_space<vmem_shared>> -> memref<640x128xf32, #tpu.memory_space<vmem_shared>>
      tpu.enqueue_dma source(%dma_start3A_130 : memref<640x128xf32, #tpu.memory_space<vmem_shared>>) target(%dma_start3A_128 : memref<640x128xf32, #tpu.memory_space<hbm>>) target_semaphore(%run_scoped3A : memref<!tpu.dma_semaphore, #tpu.memory_space<semaphore_mem>>)
      %dma_wait3A_131 = arith.constant 0 : i32
      %dma_wait3A_132 = tpu.memref_slice %arg5[%arg0, %mul3A_125, %dma_wait3A_131] : memref<2x10240x128xf32, #tpu.memory_space<hbm>> -> memref<1x640x128xf32, #tpu.memory_space<hbm>>
      %dma_wait3A_133 = tpu.memref_squeeze %dma_wait3A_132 : memref<1x640x128xf32, #tpu.memory_space<hbm>> -> memref<640x128xf32, #tpu.memory_space<hbm>>
      %dma_wait3A_134 = arith.constant 0 : i32
      %dma_wait3A_135 = tpu.memref_slice %arg9[%mul3A_123, %dma_wait3A_134] : memref<10240x128xf32, #tpu.memory_space<vmem_shared>> -> memref<640x128xf32, #tpu.memory_space<vmem_shared>>
      tpu.wait_dma2 semaphore(%run_scoped3A : memref<!tpu.dma_semaphore, #tpu.memory_space<semaphore_mem>>) src(%dma_wait3A_135 : memref<640x128xf32, #tpu.memory_space<vmem_shared>>) dst(%dma_wait3A_133 : memref<640x128xf32, #tpu.memory_space<hbm>>)
      tpu.yield
    }) : () -> ()
    return
  }
}

#map = affine_map<(d0, d1) -> (0, 0)>
#map1 = affine_map<(d0, d1) -> (0)>
#map2 = affine_map<(d0, d1) -> (0, 0, 0)>
module attributes {stable_mosaic.version = 14 : i64} {
  func.func @scat_kernel(%arg0: i32, %arg1: i32, %arg2: memref<10240x128xf32, #tpu.memory_space<hbm>>, %arg3: memref<327680xi32, #tpu.memory_space<hbm>>, %arg4: memref<327680xi32, #tpu.memory_space<hbm>>, %arg5: memref<2x10240x128xf32, #tpu.memory_space<hbm>>, %arg6: memref<2x2x2x128xi32, #tpu.memory_space<vmem>>, %arg7: memref<2x128x128xf32, #tpu.memory_space<vmem>>, %arg8: memref<16x128xf32, #tpu.memory_space<vmem>>, %arg9: memref<10240x128xf32, #tpu.memory_space<vmem_shared>>, %arg10: memref<2x!tpu.dma_semaphore, #tpu.memory_space<semaphore_mem>>, %arg11: memref<2x!tpu.dma_semaphore, #tpu.memory_space<semaphore_mem>>, %arg12: memref<2x!tpu.dma_semaphore, #tpu.memory_space<semaphore_mem>>) attributes {dimension_semantics = [#tpu.dimension_semantics<core_parallel>, #tpu.dimension_semantics<subcore_parallel>], iteration_bounds = array<i64: 2, 16>, scalar_prefetch = 0 : i64, scratch_operands = 7 : i64, tpu.core_type = #tpu.core_type<sc_vector_subcore>, window_params = [{transform_indices = #map}, {transform_indices = #map1}, {transform_indices = #map1}, {transform_indices = #map2}]} {
    %mul3A = arith.constant 2 : i32
    %mul3A_0 = arith.muli %arg1, %mul3A : i32
    %add3A = arith.addi %mul3A_0, %arg0 : i32
    %mul3A_1 = arith.constant 10240 : i32
    %mul3A_2 = arith.muli %add3A, %mul3A_1 : i32
    %add3A_3 = arith.constant 0 : i32
    %add3A_4 = arith.addi %mul3A_2, %add3A_3 : i32
    %dma_start3A = arith.constant 0 : i32
    %dma_start3A_5 = arith.constant 0 : i32
    %dma_start3A_6 = arith.constant 0 : i32
    %dma_start3A_7 = arith.constant 0 : i32
    %dma_start3A_8 = arith.constant 0 : i32
    %dma_start3A_9 = tpu.memref_slice %arg6[%dma_start3A, %dma_start3A_5, %dma_start3A_6, %dma_start3A_8] : memref<2x2x2x128xi32, #tpu.memory_space<vmem>> -> memref<1x1x1x128xi32, #tpu.memory_space<vmem>>
    %dma_start3A_10 = tpu.memref_squeeze %dma_start3A_9 : memref<1x1x1x128xi32, #tpu.memory_space<vmem>> -> memref<128xi32, #tpu.memory_space<vmem>>
    %dma_start3A_11 = tpu.memref_slice %arg3[%add3A_4] : memref<327680xi32, #tpu.memory_space<hbm>> -> memref<128xi32, #tpu.memory_space<hbm>>
    %dma_start3A_12 = tpu.memref_slice %arg10[%dma_start3A_7] : memref<2x!tpu.dma_semaphore, #tpu.memory_space<semaphore_mem>> -> memref<1x!tpu.dma_semaphore, #tpu.memory_space<semaphore_mem>>
    %dma_start3A_13 = tpu.memref_squeeze %dma_start3A_12 : memref<1x!tpu.dma_semaphore, #tpu.memory_space<semaphore_mem>> -> memref<!tpu.dma_semaphore, #tpu.memory_space<semaphore_mem>>
    %dma_start3A_14 = arith.constant 0 : i32
    %dma_start3A_15 = tpu.memref_slice %arg6[%dma_start3A, %dma_start3A_5, %dma_start3A_6, %dma_start3A_14] : memref<2x2x2x128xi32, #tpu.memory_space<vmem>> -> memref<1x1x1x128xi32, #tpu.memory_space<vmem>>
    %dma_start3A_16 = tpu.memref_squeeze %dma_start3A_15 : memref<1x1x1x128xi32, #tpu.memory_space<vmem>> -> memref<128xi32, #tpu.memory_space<vmem>>
    %dma_start3A_17 = tpu.memref_slice %arg3[%add3A_4] : memref<327680xi32, #tpu.memory_space<hbm>> -> memref<128xi32, #tpu.memory_space<hbm>>
    tpu.enqueue_dma source(%dma_start3A_17 : memref<128xi32, #tpu.memory_space<hbm>>) target(%dma_start3A_16 : memref<128xi32, #tpu.memory_space<vmem>>) target_semaphore(%dma_start3A_13 : memref<!tpu.dma_semaphore, #tpu.memory_space<semaphore_mem>>)
    %add3A_18 = arith.constant 0 : i32
    %add3A_19 = arith.addi %mul3A_2, %add3A_18 : i32
    %dma_start3A_20 = arith.constant 1 : i32
    %dma_start3A_21 = arith.constant 0 : i32
    %dma_start3A_22 = arith.constant 0 : i32
    %dma_start3A_23 = arith.constant 0 : i32
    %dma_start3A_24 = arith.constant 0 : i32
    %dma_start3A_25 = tpu.memref_slice %arg6[%dma_start3A_20, %dma_start3A_21, %dma_start3A_22, %dma_start3A_24] : memref<2x2x2x128xi32, #tpu.memory_space<vmem>> -> memref<1x1x1x128xi32, #tpu.memory_space<vmem>>
    %dma_start3A_26 = tpu.memref_squeeze %dma_start3A_25 : memref<1x1x1x128xi32, #tpu.memory_space<vmem>> -> memref<128xi32, #tpu.memory_space<vmem>>
    %dma_start3A_27 = tpu.memref_slice %arg4[%add3A_19] : memref<327680xi32, #tpu.memory_space<hbm>> -> memref<128xi32, #tpu.memory_space<hbm>>
    %dma_start3A_28 = tpu.memref_slice %arg10[%dma_start3A_23] : memref<2x!tpu.dma_semaphore, #tpu.memory_space<semaphore_mem>> -> memref<1x!tpu.dma_semaphore, #tpu.memory_space<semaphore_mem>>
    %dma_start3A_29 = tpu.memref_squeeze %dma_start3A_28 : memref<1x!tpu.dma_semaphore, #tpu.memory_space<semaphore_mem>> -> memref<!tpu.dma_semaphore, #tpu.memory_space<semaphore_mem>>
    %dma_start3A_30 = arith.constant 0 : i32
    %dma_start3A_31 = tpu.memref_slice %arg6[%dma_start3A_20, %dma_start3A_21, %dma_start3A_22, %dma_start3A_30] : memref<2x2x2x128xi32, #tpu.memory_space<vmem>> -> memref<1x1x1x128xi32, #tpu.memory_space<vmem>>
    %dma_start3A_32 = tpu.memref_squeeze %dma_start3A_31 : memref<1x1x1x128xi32, #tpu.memory_space<vmem>> -> memref<128xi32, #tpu.memory_space<vmem>>
    %dma_start3A_33 = tpu.memref_slice %arg4[%add3A_19] : memref<327680xi32, #tpu.memory_space<hbm>> -> memref<128xi32, #tpu.memory_space<hbm>>
    tpu.enqueue_dma source(%dma_start3A_33 : memref<128xi32, #tpu.memory_space<hbm>>) target(%dma_start3A_32 : memref<128xi32, #tpu.memory_space<vmem>>) target_semaphore(%dma_start3A_29 : memref<!tpu.dma_semaphore, #tpu.memory_space<semaphore_mem>>)
    %add3A_34 = arith.constant 128 : i32
    %add3A_35 = arith.addi %mul3A_2, %add3A_34 : i32
    %dma_start3A_36 = arith.constant 0 : i32
    %dma_start3A_37 = arith.constant 1 : i32
    %dma_start3A_38 = arith.constant 0 : i32
    %dma_start3A_39 = arith.constant 1 : i32
    %dma_start3A_40 = arith.constant 0 : i32
    %dma_start3A_41 = tpu.memref_slice %arg6[%dma_start3A_36, %dma_start3A_37, %dma_start3A_38, %dma_start3A_40] : memref<2x2x2x128xi32, #tpu.memory_space<vmem>> -> memref<1x1x1x128xi32, #tpu.memory_space<vmem>>
    %dma_start3A_42 = tpu.memref_squeeze %dma_start3A_41 : memref<1x1x1x128xi32, #tpu.memory_space<vmem>> -> memref<128xi32, #tpu.memory_space<vmem>>
    %dma_start3A_43 = tpu.memref_slice %arg3[%add3A_35] : memref<327680xi32, #tpu.memory_space<hbm>> -> memref<128xi32, #tpu.memory_space<hbm>>
    %dma_start3A_44 = tpu.memref_slice %arg10[%dma_start3A_39] : memref<2x!tpu.dma_semaphore, #tpu.memory_space<semaphore_mem>> -> memref<1x!tpu.dma_semaphore, #tpu.memory_space<semaphore_mem>>
    %dma_start3A_45 = tpu.memref_squeeze %dma_start3A_44 : memref<1x!tpu.dma_semaphore, #tpu.memory_space<semaphore_mem>> -> memref<!tpu.dma_semaphore, #tpu.memory_space<semaphore_mem>>
    %dma_start3A_46 = arith.constant 0 : i32
    %dma_start3A_47 = tpu.memref_slice %arg6[%dma_start3A_36, %dma_start3A_37, %dma_start3A_38, %dma_start3A_46] : memref<2x2x2x128xi32, #tpu.memory_space<vmem>> -> memref<1x1x1x128xi32, #tpu.memory_space<vmem>>
    %dma_start3A_48 = tpu.memref_squeeze %dma_start3A_47 : memref<1x1x1x128xi32, #tpu.memory_space<vmem>> -> memref<128xi32, #tpu.memory_space<vmem>>
    %dma_start3A_49 = tpu.memref_slice %arg3[%add3A_35] : memref<327680xi32, #tpu.memory_space<hbm>> -> memref<128xi32, #tpu.memory_space<hbm>>
    tpu.enqueue_dma source(%dma_start3A_49 : memref<128xi32, #tpu.memory_space<hbm>>) target(%dma_start3A_48 : memref<128xi32, #tpu.memory_space<vmem>>) target_semaphore(%dma_start3A_45 : memref<!tpu.dma_semaphore, #tpu.memory_space<semaphore_mem>>)
    %add3A_50 = arith.constant 128 : i32
    %add3A_51 = arith.addi %mul3A_2, %add3A_50 : i32
    %dma_start3A_52 = arith.constant 1 : i32
    %dma_start3A_53 = arith.constant 1 : i32
    %dma_start3A_54 = arith.constant 0 : i32
    %dma_start3A_55 = arith.constant 1 : i32
    %dma_start3A_56 = arith.constant 0 : i32
    %dma_start3A_57 = tpu.memref_slice %arg6[%dma_start3A_52, %dma_start3A_53, %dma_start3A_54, %dma_start3A_56] : memref<2x2x2x128xi32, #tpu.memory_space<vmem>> -> memref<1x1x1x128xi32, #tpu.memory_space<vmem>>
    %dma_start3A_58 = tpu.memref_squeeze %dma_start3A_57 : memref<1x1x1x128xi32, #tpu.memory_space<vmem>> -> memref<128xi32, #tpu.memory_space<vmem>>
    %dma_start3A_59 = tpu.memref_slice %arg4[%add3A_51] : memref<327680xi32, #tpu.memory_space<hbm>> -> memref<128xi32, #tpu.memory_space<hbm>>
    %dma_start3A_60 = tpu.memref_slice %arg10[%dma_start3A_55] : memref<2x!tpu.dma_semaphore, #tpu.memory_space<semaphore_mem>> -> memref<1x!tpu.dma_semaphore, #tpu.memory_space<semaphore_mem>>
    %dma_start3A_61 = tpu.memref_squeeze %dma_start3A_60 : memref<1x!tpu.dma_semaphore, #tpu.memory_space<semaphore_mem>> -> memref<!tpu.dma_semaphore, #tpu.memory_space<semaphore_mem>>
    %dma_start3A_62 = arith.constant 0 : i32
    %dma_start3A_63 = tpu.memref_slice %arg6[%dma_start3A_52, %dma_start3A_53, %dma_start3A_54, %dma_start3A_62] : memref<2x2x2x128xi32, #tpu.memory_space<vmem>> -> memref<1x1x1x128xi32, #tpu.memory_space<vmem>>
    %dma_start3A_64 = tpu.memref_squeeze %dma_start3A_63 : memref<1x1x1x128xi32, #tpu.memory_space<vmem>> -> memref<128xi32, #tpu.memory_space<vmem>>
    %dma_start3A_65 = tpu.memref_slice %arg4[%add3A_51] : memref<327680xi32, #tpu.memory_space<hbm>> -> memref<128xi32, #tpu.memory_space<hbm>>
    tpu.enqueue_dma source(%dma_start3A_65 : memref<128xi32, #tpu.memory_space<hbm>>) target(%dma_start3A_64 : memref<128xi32, #tpu.memory_space<vmem>>) target_semaphore(%dma_start3A_61 : memref<!tpu.dma_semaphore, #tpu.memory_space<semaphore_mem>>)
    %scan3A = arith.constant 0 : i32
    %scan3A_66 = arith.constant 0 : i32
    %scan3A_67 = arith.constant 128 : i32
    %scan3A_68 = arith.addi %scan3A_66, %scan3A_67 : i32
    %scan3A_69 = arith.constant 1 : i32
    %scan3A_70 = scf.for %scan3A_126 = %scan3A_66 to %scan3A_68 step %scan3A_69 iter_args(%scan3A_127 = %scan3A) -> (i32)  : i32 {
      %jit3A = arith.constant 8 : i32
      %div3A = arith.divsi %scan3A_126, %jit3A : i32
      %sign3A = arith.constant 0 : i32
      %sign3A_128 = arith.cmpi sgt, %scan3A_126, %sign3A : i32
      %sign3A_129 = arith.extui %sign3A_128 : i1 to i32
      %sign3A_130 = arith.constant 0 : i32
      %sign3A_131 = arith.cmpi slt, %scan3A_126, %sign3A_130 : i32
      %sign3A_132 = arith.extui %sign3A_131 : i1 to i32
      %sign3A_133 = arith.subi %sign3A_129, %sign3A_132 : i32
      %sign3A_134 = arith.constant 0 : i32
      %sign3A_135 = arith.cmpi sgt, %jit3A, %sign3A_134 : i32
      %sign3A_136 = arith.extui %sign3A_135 : i1 to i32
      %sign3A_137 = arith.constant 0 : i32
      %sign3A_138 = arith.cmpi slt, %jit3A, %sign3A_137 : i32
      %sign3A_139 = arith.extui %sign3A_138 : i1 to i32
      %sign3A_140 = arith.subi %sign3A_136, %sign3A_139 : i32
      %ne3A = arith.cmpi ne, %sign3A_133, %sign3A_140 : i32
      %rem3A = arith.remsi %scan3A_126, %jit3A : i32
      %ne3A_141 = arith.constant 0 : i32
      %ne3A_142 = arith.cmpi ne, %rem3A, %ne3A_141 : i32
      %and3A = arith.andi %ne3A, %ne3A_142 : i1
      %sub3A = arith.constant 1 : i32
      %sub3A_143 = arith.subi %div3A, %sub3A : i32
      %select_n3A = arith.select %and3A, %sub3A_143, %div3A : i32
      %jit3A_144 = arith.constant 8 : i32
      %eq3A = arith.constant 0 : i32
      %eq3A_145 = arith.cmpi eq, %jit3A_144, %eq3A : i32
      %jit3A_146 = arith.constant 1 : i32
      %select_n3A_147 = arith.select %eq3A_145, %jit3A_146, %jit3A_144 : i32
      %rem3A_148 = arith.remsi %scan3A_126, %select_n3A_147 : i32
      %ne3A_149 = arith.constant 0 : i32
      %ne3A_150 = arith.cmpi ne, %rem3A_148, %ne3A_149 : i32
      %lt3A = arith.constant 0 : i32
      %lt3A_151 = arith.cmpi slt, %rem3A_148, %lt3A : i32
      %lt3A_152 = arith.constant 0 : i32
      %lt3A_153 = arith.cmpi slt, %select_n3A_147, %lt3A_152 : i32
      %ne3A_154 = arith.xori %lt3A_151, %lt3A_153 : i1
      %and3A_155 = arith.andi %ne3A_154, %ne3A_150 : i1
      %add3A_156 = arith.addi %rem3A_148, %select_n3A_147 : i32
      %select_n3A_157 = arith.select %and3A_155, %add3A_156, %rem3A_148 : i32
      %broadcast_in_dim3A = arith.constant 0.000000e+00 : f32
      %broadcast_in_dim3A_158 = vector.broadcast %broadcast_in_dim3A : f32 to vector<16xf32>
      %mul3A_159 = arith.constant 16 : i32
      %mul3A_160 = arith.muli %select_n3A_157, %mul3A_159 : i32
      %swap3A = arith.index_cast %select_n3A : i32 to index
      %swap3A_161 = arith.index_cast %mul3A_160 : i32 to index
      %swap3A_162 = tpu.vector_load %arg8[%swap3A, %swap3A_161] {strides = array<i32>} : memref<16x128xf32, #tpu.memory_space<vmem>>, vector<1x16xf32>,
      %swap3A_163 = vector.shape_cast %swap3A_162 : vector<1x16xf32> to vector<16xf32>
      %swap3A_164 = vector.shape_cast %broadcast_in_dim3A_158 : vector<16xf32> to vector<1x16xf32>
      tpu.vector_store %arg8[%swap3A, %swap3A_161], %swap3A_164 {strides = array<i32>} : memref<16x128xf32, #tpu.memory_space<vmem>>, vector<1x16xf32>,
      %scan3A_165 = arith.constant 0 : i32
      scf.yield %scan3A_165 : i32
    }
    %scan3A_71 = arith.constant 128 : i32
    %scan3A_72 = arith.constant 0 : i32
    %scan3A_73 = arith.constant 0 : i32
    %scan3A_74 = arith.constant 40 : i32
    %scan3A_75 = arith.addi %scan3A_73, %scan3A_74 : i32
    %scan3A_76 = arith.constant 1 : i32
    %scan3A_77 = scf.for %scan3A_126 = %scan3A_73 to %scan3A_75 step %scan3A_76 iter_args(%scan3A_127 = %scan3A_72) -> (i32)  : i32 {
      %mul3A_128 = arith.constant 640 : i32
      %mul3A_129 = arith.muli %arg1, %mul3A_128 : i32
      %mul3A_130 = arith.constant 16 : i32
      %mul3A_131 = arith.muli %scan3A_126, %mul3A_130 : i32
      %add3A_132 = arith.addi %mul3A_129, %mul3A_131 : i32
      "tpu.region"() ({
        %run_scoped3A = tpu.sem_alloc : memref<!tpu.dma_semaphore, #tpu.memory_space<semaphore_mem>>
        %dma_start3A_134 = arith.constant 0 : i32
        %dma_start3A_135 = tpu.memref_slice %arg9[%add3A_132, %dma_start3A_134] : memref<10240x128xf32, #tpu.memory_space<vmem_shared>> -> memref<16x128xf32, #tpu.memory_space<vmem_shared>>
        %dma_start3A_136 = arith.constant 0 : i32
        %dma_start3A_137 = tpu.memref_slice %arg9[%add3A_132, %dma_start3A_136] : memref<10240x128xf32, #tpu.memory_space<vmem_shared>> -> memref<16x128xf32, #tpu.memory_space<vmem_shared>>
        tpu.enqueue_dma source(%arg8 : memref<16x128xf32, #tpu.memory_space<vmem>>) target(%dma_start3A_137 : memref<16x128xf32, #tpu.memory_space<vmem_shared>>) target_semaphore(%run_scoped3A : memref<!tpu.dma_semaphore, #tpu.memory_space<semaphore_mem>>)
        %dma_wait3A_138 = arith.constant 0 : i32
        %dma_wait3A_139 = tpu.memref_slice %arg9[%add3A_132, %dma_wait3A_138] : memref<10240x128xf32, #tpu.memory_space<vmem_shared>> -> memref<16x128xf32, #tpu.memory_space<vmem_shared>>
        %dma_wait3A_140 = arith.constant 0 : i32
        %dma_wait3A_141 = tpu.memref_slice %arg9[%add3A_132, %dma_wait3A_140] : memref<10240x128xf32, #tpu.memory_space<vmem_shared>> -> memref<16x128xf32, #tpu.memory_space<vmem_shared>>
        tpu.wait_dma2 semaphore(%run_scoped3A : memref<!tpu.dma_semaphore, #tpu.memory_space<semaphore_mem>>) src(%arg8 : memref<16x128xf32, #tpu.memory_space<vmem>>) dst(%dma_wait3A_141 : memref<16x128xf32, #tpu.memory_space<vmem_shared>>)
        tpu.yield
      }) : () -> ()
      %scan3A_133 = arith.constant 0 : i32
      scf.yield %scan3A_133 : i32
    }
    %scan3A_78 = arith.constant 40 : i32
    %barrier3A = arith.constant 0 : index
    tpu.barrier barrier_id(%barrier3A)
    %scan3A_79 = arith.constant 0 : i32
    %scan3A_80 = arith.constant 0 : i32
    %scan3A_81 = arith.constant 40 : i32
    %scan3A_82 = arith.addi %scan3A_80, %scan3A_81 : i32
    %scan3A_83 = arith.constant 1 : i32
    %scan3A_84 = scf.for %scan3A_126 = %scan3A_80 to %scan3A_82 step %scan3A_83 iter_args(%scan3A_127 = %scan3A_79) -> (i32)  : i32 {
      %jit3A = arith.constant 2 : i32
      %eq3A = arith.constant 0 : i32
      %eq3A_128 = arith.cmpi eq, %jit3A, %eq3A : i32
      %jit3A_129 = arith.constant 1 : i32
      %select_n3A = arith.select %eq3A_128, %jit3A_129, %jit3A : i32
      %rem3A = arith.remsi %scan3A_126, %select_n3A : i32
      %ne3A = arith.constant 0 : i32
      %ne3A_130 = arith.cmpi ne, %rem3A, %ne3A : i32
      %lt3A = arith.constant 0 : i32
      %lt3A_131 = arith.cmpi slt, %rem3A, %lt3A : i32
      %lt3A_132 = arith.constant 0 : i32
      %lt3A_133 = arith.cmpi slt, %select_n3A, %lt3A_132 : i32
      %ne3A_134 = arith.xori %lt3A_131, %lt3A_133 : i1
      %and3A = arith.andi %ne3A_134, %ne3A_130 : i1
      %add3A_135 = arith.addi %rem3A, %select_n3A : i32
      %select_n3A_136 = arith.select %and3A, %add3A_135, %rem3A : i32
      %sub3A = arith.constant 1 : i32
      %sub3A_137 = arith.subi %sub3A, %select_n3A_136 : i32
      %mul3A_138 = arith.constant 2 : i32
      %mul3A_139 = arith.muli %scan3A_126, %mul3A_138 : i32
      %add3A_140 = arith.constant 0 : i32
      %add3A_141 = arith.addi %mul3A_139, %add3A_140 : i32
      %dma_wait3A_142 = arith.constant 0 : i32
      %dma_wait3A_143 = arith.constant 0 : i32
      %dma_wait3A_144 = arith.constant 0 : i32
      %dma_wait3A_145 = arith.constant 0 : i32
      %dma_wait3A_146 = tpu.memref_slice %arg6[%dma_wait3A_142, %dma_wait3A_143, %select_n3A_136, %dma_wait3A_145] : memref<2x2x2x128xi32, #tpu.memory_space<vmem>> -> memref<1x1x1x128xi32, #tpu.memory_space<vmem>>
      %dma_wait3A_147 = tpu.memref_squeeze %dma_wait3A_146 : memref<1x1x1x128xi32, #tpu.memory_space<vmem>> -> memref<128xi32, #tpu.memory_space<vmem>>
      %dma_wait3A_148 = arith.constant 0 : i32
      %dma_wait3A_149 = tpu.memref_slice %arg3[%dma_wait3A_148] : memref<327680xi32, #tpu.memory_space<hbm>> -> memref<128xi32, #tpu.memory_space<hbm>>
      %dma_wait3A_150 = tpu.memref_slice %arg10[%dma_wait3A_144] : memref<2x!tpu.dma_semaphore, #tpu.memory_space<semaphore_mem>> -> memref<1x!tpu.dma_semaphore, #tpu.memory_space<semaphore_mem>>
      %dma_wait3A_151 = tpu.memref_squeeze %dma_wait3A_150 : memref<1x!tpu.dma_semaphore, #tpu.memory_space<semaphore_mem>> -> memref<!tpu.dma_semaphore, #tpu.memory_space<semaphore_mem>>
      %dma_wait3A_152 = arith.constant 0 : i32
      %dma_wait3A_153 = tpu.memref_slice %arg6[%dma_wait3A_142, %dma_wait3A_143, %select_n3A_136, %dma_wait3A_152] : memref<2x2x2x128xi32, #tpu.memory_space<vmem>> -> memref<1x1x1x128xi32, #tpu.memory_space<vmem>>
      %dma_wait3A_154 = tpu.memref_squeeze %dma_wait3A_153 : memref<1x1x1x128xi32, #tpu.memory_space<vmem>> -> memref<128xi32, #tpu.memory_space<vmem>>
      %dma_wait3A_155 = arith.constant 0 : i32
      %dma_wait3A_156 = tpu.memref_slice %arg3[%dma_wait3A_155] : memref<327680xi32, #tpu.memory_space<hbm>> -> memref<128xi32, #tpu.memory_space<hbm>>
      tpu.wait_dma2 semaphore(%dma_wait3A_151 : memref<!tpu.dma_semaphore, #tpu.memory_space<semaphore_mem>>) src(%dma_wait3A_156 : memref<128xi32, #tpu.memory_space<hbm>>) dst(%dma_wait3A_154 : memref<128xi32, #tpu.memory_space<vmem>>)
      %dma_wait3A_157 = arith.constant 1 : i32
      %dma_wait3A_158 = arith.constant 0 : i32
      %dma_wait3A_159 = arith.constant 0 : i32
      %dma_wait3A_160 = arith.constant 0 : i32
      %dma_wait3A_161 = tpu.memref_slice %arg6[%dma_wait3A_157, %dma_wait3A_158, %select_n3A_136, %dma_wait3A_160] : memref<2x2x2x128xi32, #tpu.memory_space<vmem>> -> memref<1x1x1x128xi32, #tpu.memory_space<vmem>>
      %dma_wait3A_162 = tpu.memref_squeeze %dma_wait3A_161 : memref<1x1x1x128xi32, #tpu.memory_space<vmem>> -> memref<128xi32, #tpu.memory_space<vmem>>
      %dma_wait3A_163 = arith.constant 0 : i32
      %dma_wait3A_164 = tpu.memref_slice %arg3[%dma_wait3A_163] : memref<327680xi32, #tpu.memory_space<hbm>> -> memref<128xi32, #tpu.memory_space<hbm>>
      %dma_wait3A_165 = tpu.memref_slice %arg10[%dma_wait3A_159] : memref<2x!tpu.dma_semaphore, #tpu.memory_space<semaphore_mem>> -> memref<1x!tpu.dma_semaphore, #tpu.memory_space<semaphore_mem>>
      %dma_wait3A_166 = tpu.memref_squeeze %dma_wait3A_165 : memref<1x!tpu.dma_semaphore, #tpu.memory_space<semaphore_mem>> -> memref<!tpu.dma_semaphore, #tpu.memory_space<semaphore_mem>>
      %dma_wait3A_167 = arith.constant 0 : i32
      %dma_wait3A_168 = tpu.memref_slice %arg6[%dma_wait3A_157, %dma_wait3A_158, %select_n3A_136, %dma_wait3A_167] : memref<2x2x2x128xi32, #tpu.memory_space<vmem>> -> memref<1x1x1x128xi32, #tpu.memory_space<vmem>>
      %dma_wait3A_169 = tpu.memref_squeeze %dma_wait3A_168 : memref<1x1x1x128xi32, #tpu.memory_space<vmem>> -> memref<128xi32, #tpu.memory_space<vmem>>
      %dma_wait3A_170 = arith.constant 0 : i32
      %dma_wait3A_171 = tpu.memref_slice %arg3[%dma_wait3A_170] : memref<327680xi32, #tpu.memory_space<hbm>> -> memref<128xi32, #tpu.memory_space<hbm>>
      tpu.wait_dma2 semaphore(%dma_wait3A_166 : memref<!tpu.dma_semaphore, #tpu.memory_space<semaphore_mem>>) src(%dma_wait3A_171 : memref<128xi32, #tpu.memory_space<hbm>>) dst(%dma_wait3A_169 : memref<128xi32, #tpu.memory_space<vmem>>)
      %gt3A = arith.constant 0 : i32
      %gt3A_172 = arith.cmpi sgt, %scan3A_126, %gt3A : i32
      %convert_element_type3A = arith.extui %gt3A_172 : i1 to i32
      %cond3A = arith.constant 0 : i32
      %cond3A_173 = arith.cmpi ne, %convert_element_type3A, %cond3A : i32
      scf.if %cond3A_173 {
        %dma_wait3A_320 = arith.constant 0 : i32
        %dma_wait3A_321 = arith.constant 0 : i32
        %dma_wait3A_322 = arith.constant 0 : i32
        %dma_wait3A_323 = arith.constant 0 : i32
        %dma_wait3A_324 = tpu.memref_slice %arg7[%dma_wait3A_320, %dma_wait3A_322, %dma_wait3A_323] : memref<2x128x128xf32, #tpu.memory_space<vmem>> -> memref<1x128x128xf32, #tpu.memory_space<vmem>>
        %dma_wait3A_325 = tpu.memref_squeeze %dma_wait3A_324 : memref<1x128x128xf32, #tpu.memory_space<vmem>> -> memref<128x128xf32, #tpu.memory_space<vmem>>
        %dma_wait3A_326 = arith.constant 0 : i32
        %dma_wait3A_327 = arith.constant 0 : i32
        %dma_wait3A_328 = tpu.memref_slice %arg9[%dma_wait3A_326, %dma_wait3A_327] : memref<10240x128xf32, #tpu.memory_space<vmem_shared>> -> memref<128x128xf32, #tpu.memory_space<vmem_shared>>
        %dma_wait3A_329 = tpu.memref_slice %arg12[%dma_wait3A_321] : memref<2x!tpu.dma_semaphore, #tpu.memory_space<semaphore_mem>> -> memref<1x!tpu.dma_semaphore, #tpu.memory_space<semaphore_mem>>
        %dma_wait3A_330 = tpu.memref_squeeze %dma_wait3A_329 : memref<1x!tpu.dma_semaphore, #tpu.memory_space<semaphore_mem>> -> memref<!tpu.dma_semaphore, #tpu.memory_space<semaphore_mem>>
        %dma_wait3A_331 = arith.constant 0 : i32
        %dma_wait3A_332 = arith.constant 0 : i32
        %dma_wait3A_333 = tpu.memref_slice %arg9[%dma_wait3A_331, %dma_wait3A_332] : memref<10240x128xf32, #tpu.memory_space<vmem_shared>> -> memref<128x128xf32, #tpu.memory_space<vmem_shared>>
        %dma_wait3A_334 = arith.constant 0 : i32
        %dma_wait3A_335 = arith.constant 0 : i32
        %dma_wait3A_336 = tpu.memref_slice %arg7[%dma_wait3A_320, %dma_wait3A_334, %dma_wait3A_335] : memref<2x128x128xf32, #tpu.memory_space<vmem>> -> memref<1x128x128xf32, #tpu.memory_space<vmem>>
        %dma_wait3A_337 = tpu.memref_squeeze %dma_wait3A_336 : memref<1x128x128xf32, #tpu.memory_space<vmem>> -> memref<128x128xf32, #tpu.memory_space<vmem>>
        tpu.wait_dma2 semaphore(%dma_wait3A_330 : memref<!tpu.dma_semaphore, #tpu.memory_space<semaphore_mem>>) src(%dma_wait3A_337 : memref<128x128xf32, #tpu.memory_space<vmem>>) dst(%dma_wait3A_333 : memref<128x128xf32, #tpu.memory_space<vmem_shared>>)
      } else {
      }
      %lt3A_174 = arith.constant 39 : i32
      %lt3A_175 = arith.cmpi slt, %scan3A_126, %lt3A_174 : i32
      %convert_element_type3A_176 = arith.extui %lt3A_175 : i1 to i32
      %cond3A_177 = arith.constant 0 : i32
      %cond3A_178 = arith.cmpi ne, %convert_element_type3A_176, %cond3A_177 : i32
      scf.if %cond3A_178 {
        %add3A_320 = arith.constant 2 : i32
        %add3A_321 = arith.addi %add3A_141, %add3A_320 : i32
        %mul3A_322 = arith.constant 128 : i32
        %mul3A_323 = arith.muli %add3A_321, %mul3A_322 : i32
        %add3A_324 = arith.addi %mul3A_2, %mul3A_323 : i32
        %dma_start3A_325 = arith.constant 0 : i32
        %dma_start3A_326 = arith.constant 0 : i32
        %dma_start3A_327 = arith.constant 0 : i32
        %dma_start3A_328 = arith.constant 0 : i32
        %dma_start3A_329 = tpu.memref_slice %arg6[%dma_start3A_325, %dma_start3A_326, %sub3A_137, %dma_start3A_328] : memref<2x2x2x128xi32, #tpu.memory_space<vmem>> -> memref<1x1x1x128xi32, #tpu.memory_space<vmem>>
        %dma_start3A_330 = tpu.memref_squeeze %dma_start3A_329 : memref<1x1x1x128xi32, #tpu.memory_space<vmem>> -> memref<128xi32, #tpu.memory_space<vmem>>
        %dma_start3A_331 = tpu.memref_slice %arg3[%add3A_324] : memref<327680xi32, #tpu.memory_space<hbm>> -> memref<128xi32, #tpu.memory_space<hbm>>
        %dma_start3A_332 = tpu.memref_slice %arg10[%dma_start3A_327] : memref<2x!tpu.dma_semaphore, #tpu.memory_space<semaphore_mem>> -> memref<1x!tpu.dma_semaphore, #tpu.memory_space<semaphore_mem>>
        %dma_start3A_333 = tpu.memref_squeeze %dma_start3A_332 : memref<1x!tpu.dma_semaphore, #tpu.memory_space<semaphore_mem>> -> memref<!tpu.dma_semaphore, #tpu.memory_space<semaphore_mem>>
        %dma_start3A_334 = arith.constant 0 : i32
        %dma_start3A_335 = tpu.memref_slice %arg6[%dma_start3A_325, %dma_start3A_326, %sub3A_137, %dma_start3A_334] : memref<2x2x2x128xi32, #tpu.memory_space<vmem>> -> memref<1x1x1x128xi32, #tpu.memory_space<vmem>>
        %dma_start3A_336 = tpu.memref_squeeze %dma_start3A_335 : memref<1x1x1x128xi32, #tpu.memory_space<vmem>> -> memref<128xi32, #tpu.memory_space<vmem>>
        %dma_start3A_337 = tpu.memref_slice %arg3[%add3A_324] : memref<327680xi32, #tpu.memory_space<hbm>> -> memref<128xi32, #tpu.memory_space<hbm>>
        tpu.enqueue_dma source(%dma_start3A_337 : memref<128xi32, #tpu.memory_space<hbm>>) target(%dma_start3A_336 : memref<128xi32, #tpu.memory_space<vmem>>) target_semaphore(%dma_start3A_333 : memref<!tpu.dma_semaphore, #tpu.memory_space<semaphore_mem>>)
        %dma_start3A_338 = arith.constant 1 : i32
        %dma_start3A_339 = arith.constant 0 : i32
        %dma_start3A_340 = arith.constant 0 : i32
        %dma_start3A_341 = arith.constant 0 : i32
        %dma_start3A_342 = tpu.memref_slice %arg6[%dma_start3A_338, %dma_start3A_339, %sub3A_137, %dma_start3A_341] : memref<2x2x2x128xi32, #tpu.memory_space<vmem>> -> memref<1x1x1x128xi32, #tpu.memory_space<vmem>>
        %dma_start3A_343 = tpu.memref_squeeze %dma_start3A_342 : memref<1x1x1x128xi32, #tpu.memory_space<vmem>> -> memref<128xi32, #tpu.memory_space<vmem>>
        %dma_start3A_344 = tpu.memref_slice %arg4[%add3A_324] : memref<327680xi32, #tpu.memory_space<hbm>> -> memref<128xi32, #tpu.memory_space<hbm>>
        %dma_start3A_345 = tpu.memref_slice %arg10[%dma_start3A_340] : memref<2x!tpu.dma_semaphore, #tpu.memory_space<semaphore_mem>> -> memref<1x!tpu.dma_semaphore, #tpu.memory_space<semaphore_mem>>
        %dma_start3A_346 = tpu.memref_squeeze %dma_start3A_345 : memref<1x!tpu.dma_semaphore, #tpu.memory_space<semaphore_mem>> -> memref<!tpu.dma_semaphore, #tpu.memory_space<semaphore_mem>>
        %dma_start3A_347 = arith.constant 0 : i32
        %dma_start3A_348 = tpu.memref_slice %arg6[%dma_start3A_338, %dma_start3A_339, %sub3A_137, %dma_start3A_347] : memref<2x2x2x128xi32, #tpu.memory_space<vmem>> -> memref<1x1x1x128xi32, #tpu.memory_space<vmem>>
        %dma_start3A_349 = tpu.memref_squeeze %dma_start3A_348 : memref<1x1x1x128xi32, #tpu.memory_space<vmem>> -> memref<128xi32, #tpu.memory_space<vmem>>
        %dma_start3A_350 = tpu.memref_slice %arg4[%add3A_324] : memref<327680xi32, #tpu.memory_space<hbm>> -> memref<128xi32, #tpu.memory_space<hbm>>
        tpu.enqueue_dma source(%dma_start3A_350 : memref<128xi32, #tpu.memory_space<hbm>>) target(%dma_start3A_349 : memref<128xi32, #tpu.memory_space<vmem>>) target_semaphore(%dma_start3A_346 : memref<!tpu.dma_semaphore, #tpu.memory_space<semaphore_mem>>)
      } else {
      }
      %dma_start3A_179 = arith.constant 0 : i32
      %dma_start3A_180 = arith.constant 0 : i32
      %dma_start3A_181 = arith.constant 0 : i32
      %dma_start3A_182 = arith.constant 0 : i32
      %dma_start3A_183 = arith.constant 0 : i32
      %dma_start3A_184 = arith.constant 0 : i32
      %dma_start3A_185 = tpu.memref_slice %arg7[%dma_start3A_181, %dma_start3A_183, %dma_start3A_184] : memref<2x128x128xf32, #tpu.memory_space<vmem>> -> memref<1x128x128xf32, #tpu.memory_space<vmem>>
      %dma_start3A_186 = tpu.memref_squeeze %dma_start3A_185 : memref<1x128x128xf32, #tpu.memory_space<vmem>> -> memref<128x128xf32, #tpu.memory_space<vmem>>
      %dma_start3A_187 = arith.constant 0 : i32
      %dma_start3A_188 = tpu.memref_slice %arg6[%dma_start3A_179, %dma_start3A_180, %select_n3A_136, %dma_start3A_187] : memref<2x2x2x128xi32, #tpu.memory_space<vmem>> -> memref<1x1x1x128xi32, #tpu.memory_space<vmem>>
      %dma_start3A_189 = tpu.memref_squeeze %dma_start3A_188 : memref<1x1x1x128xi32, #tpu.memory_space<vmem>> -> memref<128xi32, #tpu.memory_space<vmem>>
      %dma_start3A_190 = arith.constant 0 : i32
      %dma_start3A_191 = arith.constant 0 : i32
      %dma_start3A_192 = tpu.memref_slice %arg2[%dma_start3A_190, %dma_start3A_191] : memref<10240x128xf32, #tpu.memory_space<hbm>> -> memref<10240x128xf32, #tpu.memory_space<hbm>>
      %dma_start3A_193 = tpu.memref_slice %arg11[%dma_start3A_182] : memref<2x!tpu.dma_semaphore, #tpu.memory_space<semaphore_mem>> -> memref<1x!tpu.dma_semaphore, #tpu.memory_space<semaphore_mem>>
      %dma_start3A_194 = tpu.memref_squeeze %dma_start3A_193 : memref<1x!tpu.dma_semaphore, #tpu.memory_space<semaphore_mem>> -> memref<!tpu.dma_semaphore, #tpu.memory_space<semaphore_mem>>
      tpu.enqueue_indirect_dma source(%dma_start3A_192 : memref<10240x128xf32, #tpu.memory_space<hbm>>) target(%dma_start3A_186 : memref<128x128xf32, #tpu.memory_space<vmem>>) offsets(%dma_start3A_189 : memref<128xi32, #tpu.memory_space<vmem>>) semaphore(%dma_start3A_194 : memref<!tpu.dma_semaphore, #tpu.memory_space<semaphore_mem>>)
      %dma_wait3A_195 = arith.constant 0 : i32
      %dma_wait3A_196 = arith.constant 0 : i32
      %dma_wait3A_197 = arith.constant 0 : i32
      %dma_wait3A_198 = arith.constant 0 : i32
      %dma_wait3A_199 = arith.constant 0 : i32
      %dma_wait3A_200 = arith.constant 0 : i32
      %dma_wait3A_201 = tpu.memref_slice %arg7[%dma_wait3A_197, %dma_wait3A_199, %dma_wait3A_200] : memref<2x128x128xf32, #tpu.memory_space<vmem>> -> memref<1x128x128xf32, #tpu.memory_space<vmem>>
      %dma_wait3A_202 = tpu.memref_squeeze %dma_wait3A_201 : memref<1x128x128xf32, #tpu.memory_space<vmem>> -> memref<128x128xf32, #tpu.memory_space<vmem>>
      %dma_wait3A_203 = arith.constant 0 : i32
      %dma_wait3A_204 = tpu.memref_slice %arg6[%dma_wait3A_195, %dma_wait3A_196, %select_n3A_136, %dma_wait3A_203] : memref<2x2x2x128xi32, #tpu.memory_space<vmem>> -> memref<1x1x1x128xi32, #tpu.memory_space<vmem>>
      %dma_wait3A_205 = tpu.memref_squeeze %dma_wait3A_204 : memref<1x1x1x128xi32, #tpu.memory_space<vmem>> -> memref<128xi32, #tpu.memory_space<vmem>>
      %dma_wait3A_206 = arith.constant 0 : i32
      %dma_wait3A_207 = arith.constant 0 : i32
      %dma_wait3A_208 = tpu.memref_slice %arg2[%dma_wait3A_206, %dma_wait3A_207] : memref<10240x128xf32, #tpu.memory_space<hbm>> -> memref<10240x128xf32, #tpu.memory_space<hbm>>
      %dma_wait3A_209 = tpu.memref_slice %arg11[%dma_wait3A_198] : memref<2x!tpu.dma_semaphore, #tpu.memory_space<semaphore_mem>> -> memref<1x!tpu.dma_semaphore, #tpu.memory_space<semaphore_mem>>
      %dma_wait3A_210 = tpu.memref_squeeze %dma_wait3A_209 : memref<1x!tpu.dma_semaphore, #tpu.memory_space<semaphore_mem>> -> memref<!tpu.dma_semaphore, #tpu.memory_space<semaphore_mem>>
      tpu.wait_indirect_dma semaphore(%dma_wait3A_210 : memref<!tpu.dma_semaphore, #tpu.memory_space<semaphore_mem>>) src(%dma_wait3A_208 : memref<10240x128xf32, #tpu.memory_space<hbm>>) dst(%dma_wait3A_202 : memref<128x128xf32, #tpu.memory_space<vmem>>)
      %dma_start3A_211 = arith.constant 0 : i32
      %dma_start3A_212 = arith.constant 1 : i32
      %dma_start3A_213 = arith.constant 0 : i32
      %dma_start3A_214 = arith.constant 0 : i32
      %dma_start3A_215 = arith.constant 0 : i32
      %dma_start3A_216 = arith.constant 0 : i32
      %dma_start3A_217 = tpu.memref_slice %arg7[%dma_start3A_211, %dma_start3A_215, %dma_start3A_216] : memref<2x128x128xf32, #tpu.memory_space<vmem>> -> memref<1x128x128xf32, #tpu.memory_space<vmem>>
      %dma_start3A_218 = tpu.memref_squeeze %dma_start3A_217 : memref<1x128x128xf32, #tpu.memory_space<vmem>> -> memref<128x128xf32, #tpu.memory_space<vmem>>
      %dma_start3A_219 = arith.constant 0 : i32
      %dma_start3A_220 = tpu.memref_slice %arg6[%dma_start3A_212, %dma_start3A_213, %select_n3A_136, %dma_start3A_219] : memref<2x2x2x128xi32, #tpu.memory_space<vmem>> -> memref<1x1x1x128xi32, #tpu.memory_space<vmem>>
      %dma_start3A_221 = tpu.memref_squeeze %dma_start3A_220 : memref<1x1x1x128xi32, #tpu.memory_space<vmem>> -> memref<128xi32, #tpu.memory_space<vmem>>
      %dma_start3A_222 = arith.constant 0 : i32
      %dma_start3A_223 = arith.constant 0 : i32
      %dma_start3A_224 = tpu.memref_slice %arg9[%dma_start3A_222, %dma_start3A_223] : memref<10240x128xf32, #tpu.memory_space<vmem_shared>> -> memref<10240x128xf32, #tpu.memory_space<vmem_shared>>
      %dma_start3A_225 = tpu.memref_slice %arg12[%dma_start3A_214] : memref<2x!tpu.dma_semaphore, #tpu.memory_space<semaphore_mem>> -> memref<1x!tpu.dma_semaphore, #tpu.memory_space<semaphore_mem>>
      %dma_start3A_226 = tpu.memref_squeeze %dma_start3A_225 : memref<1x!tpu.dma_semaphore, #tpu.memory_space<semaphore_mem>> -> memref<!tpu.dma_semaphore, #tpu.memory_space<semaphore_mem>>
      tpu.enqueue_indirect_dma source(%dma_start3A_218 : memref<128x128xf32, #tpu.memory_space<vmem>>) target(%dma_start3A_224 : memref<10240x128xf32, #tpu.memory_space<vmem_shared>>) offsets(%dma_start3A_221 : memref<128xi32, #tpu.memory_space<vmem>>) semaphore(%dma_start3A_226 : memref<!tpu.dma_semaphore, #tpu.memory_space<semaphore_mem>>) {add = true}
      %mul3A_227 = arith.constant 2 : i32
      %mul3A_228 = arith.muli %scan3A_126, %mul3A_227 : i32
      %add3A_229 = arith.constant 1 : i32
      %add3A_230 = arith.addi %mul3A_228, %add3A_229 : i32
      %dma_wait3A_231 = arith.constant 0 : i32
      %dma_wait3A_232 = arith.constant 1 : i32
      %dma_wait3A_233 = arith.constant 1 : i32
      %dma_wait3A_234 = arith.constant 0 : i32
      %dma_wait3A_235 = tpu.memref_slice %arg6[%dma_wait3A_231, %dma_wait3A_232, %select_n3A_136, %dma_wait3A_234] : memref<2x2x2x128xi32, #tpu.memory_space<vmem>> -> memref<1x1x1x128xi32, #tpu.memory_space<vmem>>
      %dma_wait3A_236 = tpu.memref_squeeze %dma_wait3A_235 : memref<1x1x1x128xi32, #tpu.memory_space<vmem>> -> memref<128xi32, #tpu.memory_space<vmem>>
      %dma_wait3A_237 = arith.constant 0 : i32
      %dma_wait3A_238 = tpu.memref_slice %arg3[%dma_wait3A_237] : memref<327680xi32, #tpu.memory_space<hbm>> -> memref<128xi32, #tpu.memory_space<hbm>>
      %dma_wait3A_239 = tpu.memref_slice %arg10[%dma_wait3A_233] : memref<2x!tpu.dma_semaphore, #tpu.memory_space<semaphore_mem>> -> memref<1x!tpu.dma_semaphore, #tpu.memory_space<semaphore_mem>>
      %dma_wait3A_240 = tpu.memref_squeeze %dma_wait3A_239 : memref<1x!tpu.dma_semaphore, #tpu.memory_space<semaphore_mem>> -> memref<!tpu.dma_semaphore, #tpu.memory_space<semaphore_mem>>
      %dma_wait3A_241 = arith.constant 0 : i32
      %dma_wait3A_242 = tpu.memref_slice %arg6[%dma_wait3A_231, %dma_wait3A_232, %select_n3A_136, %dma_wait3A_241] : memref<2x2x2x128xi32, #tpu.memory_space<vmem>> -> memref<1x1x1x128xi32, #tpu.memory_space<vmem>>
      %dma_wait3A_243 = tpu.memref_squeeze %dma_wait3A_242 : memref<1x1x1x128xi32, #tpu.memory_space<vmem>> -> memref<128xi32, #tpu.memory_space<vmem>>
      %dma_wait3A_244 = arith.constant 0 : i32
      %dma_wait3A_245 = tpu.memref_slice %arg3[%dma_wait3A_244] : memref<327680xi32, #tpu.memory_space<hbm>> -> memref<128xi32, #tpu.memory_space<hbm>>
      tpu.wait_dma2 semaphore(%dma_wait3A_240 : memref<!tpu.dma_semaphore, #tpu.memory_space<semaphore_mem>>) src(%dma_wait3A_245 : memref<128xi32, #tpu.memory_space<hbm>>) dst(%dma_wait3A_243 : memref<128xi32, #tpu.memory_space<vmem>>)
      %dma_wait3A_246 = arith.constant 1 : i32
      %dma_wait3A_247 = arith.constant 1 : i32
      %dma_wait3A_248 = arith.constant 1 : i32
      %dma_wait3A_249 = arith.constant 0 : i32
      %dma_wait3A_250 = tpu.memref_slice %arg6[%dma_wait3A_246, %dma_wait3A_247, %select_n3A_136, %dma_wait3A_249] : memref<2x2x2x128xi32, #tpu.memory_space<vmem>> -> memref<1x1x1x128xi32, #tpu.memory_space<vmem>>
      %dma_wait3A_251 = tpu.memref_squeeze %dma_wait3A_250 : memref<1x1x1x128xi32, #tpu.memory_space<vmem>> -> memref<128xi32, #tpu.memory_space<vmem>>
      %dma_wait3A_252 = arith.constant 0 : i32
      %dma_wait3A_253 = tpu.memref_slice %arg3[%dma_wait3A_252] : memref<327680xi32, #tpu.memory_space<hbm>> -> memref<128xi32, #tpu.memory_space<hbm>>
      %dma_wait3A_254 = tpu.memref_slice %arg10[%dma_wait3A_248] : memref<2x!tpu.dma_semaphore, #tpu.memory_space<semaphore_mem>> -> memref<1x!tpu.dma_semaphore, #tpu.memory_space<semaphore_mem>>
      %dma_wait3A_255 = tpu.memref_squeeze %dma_wait3A_254 : memref<1x!tpu.dma_semaphore, #tpu.memory_space<semaphore_mem>> -> memref<!tpu.dma_semaphore, #tpu.memory_space<semaphore_mem>>
      %dma_wait3A_256 = arith.constant 0 : i32
      %dma_wait3A_257 = tpu.memref_slice %arg6[%dma_wait3A_246, %dma_wait3A_247, %select_n3A_136, %dma_wait3A_256] : memref<2x2x2x128xi32, #tpu.memory_space<vmem>> -> memref<1x1x1x128xi32, #tpu.memory_space<vmem>>
      %dma_wait3A_258 = tpu.memref_squeeze %dma_wait3A_257 : memref<1x1x1x128xi32, #tpu.memory_space<vmem>> -> memref<128xi32, #tpu.memory_space<vmem>>
      %dma_wait3A_259 = arith.constant 0 : i32
      %dma_wait3A_260 = tpu.memref_slice %arg3[%dma_wait3A_259] : memref<327680xi32, #tpu.memory_space<hbm>> -> memref<128xi32, #tpu.memory_space<hbm>>
      tpu.wait_dma2 semaphore(%dma_wait3A_255 : memref<!tpu.dma_semaphore, #tpu.memory_space<semaphore_mem>>) src(%dma_wait3A_260 : memref<128xi32, #tpu.memory_space<hbm>>) dst(%dma_wait3A_258 : memref<128xi32, #tpu.memory_space<vmem>>)
      %gt3A_261 = arith.constant 0 : i32
      %gt3A_262 = arith.cmpi sgt, %scan3A_126, %gt3A_261 : i32
      %convert_element_type3A_263 = arith.extui %gt3A_262 : i1 to i32
      %cond3A_264 = arith.constant 0 : i32
      %cond3A_265 = arith.cmpi ne, %convert_element_type3A_263, %cond3A_264 : i32
      scf.if %cond3A_265 {
        %dma_wait3A_320 = arith.constant 1 : i32
        %dma_wait3A_321 = arith.constant 1 : i32
        %dma_wait3A_322 = arith.constant 0 : i32
        %dma_wait3A_323 = arith.constant 0 : i32
        %dma_wait3A_324 = tpu.memref_slice %arg7[%dma_wait3A_320, %dma_wait3A_322, %dma_wait3A_323] : memref<2x128x128xf32, #tpu.memory_space<vmem>> -> memref<1x128x128xf32, #tpu.memory_space<vmem>>
        %dma_wait3A_325 = tpu.memref_squeeze %dma_wait3A_324 : memref<1x128x128xf32, #tpu.memory_space<vmem>> -> memref<128x128xf32, #tpu.memory_space<vmem>>
        %dma_wait3A_326 = arith.constant 0 : i32
        %dma_wait3A_327 = arith.constant 0 : i32
        %dma_wait3A_328 = tpu.memref_slice %arg9[%dma_wait3A_326, %dma_wait3A_327] : memref<10240x128xf32, #tpu.memory_space<vmem_shared>> -> memref<128x128xf32, #tpu.memory_space<vmem_shared>>
        %dma_wait3A_329 = tpu.memref_slice %arg12[%dma_wait3A_321] : memref<2x!tpu.dma_semaphore, #tpu.memory_space<semaphore_mem>> -> memref<1x!tpu.dma_semaphore, #tpu.memory_space<semaphore_mem>>
        %dma_wait3A_330 = tpu.memref_squeeze %dma_wait3A_329 : memref<1x!tpu.dma_semaphore, #tpu.memory_space<semaphore_mem>> -> memref<!tpu.dma_semaphore, #tpu.memory_space<semaphore_mem>>
        %dma_wait3A_331 = arith.constant 0 : i32
        %dma_wait3A_332 = arith.constant 0 : i32
        %dma_wait3A_333 = tpu.memref_slice %arg9[%dma_wait3A_331, %dma_wait3A_332] : memref<10240x128xf32, #tpu.memory_space<vmem_shared>> -> memref<128x128xf32, #tpu.memory_space<vmem_shared>>
        %dma_wait3A_334 = arith.constant 0 : i32
        %dma_wait3A_335 = arith.constant 0 : i32
        %dma_wait3A_336 = tpu.memref_slice %arg7[%dma_wait3A_320, %dma_wait3A_334, %dma_wait3A_335] : memref<2x128x128xf32, #tpu.memory_space<vmem>> -> memref<1x128x128xf32, #tpu.memory_space<vmem>>
        %dma_wait3A_337 = tpu.memref_squeeze %dma_wait3A_336 : memref<1x128x128xf32, #tpu.memory_space<vmem>> -> memref<128x128xf32, #tpu.memory_space<vmem>>
        tpu.wait_dma2 semaphore(%dma_wait3A_330 : memref<!tpu.dma_semaphore, #tpu.memory_space<semaphore_mem>>) src(%dma_wait3A_337 : memref<128x128xf32, #tpu.memory_space<vmem>>) dst(%dma_wait3A_333 : memref<128x128xf32, #tpu.memory_space<vmem_shared>>)
      } else {
      }
      %lt3A_266 = arith.constant 39 : i32
      %lt3A_267 = arith.cmpi slt, %scan3A_126, %lt3A_266 : i32
      %convert_element_type3A_268 = arith.extui %lt3A_267 : i1 to i32
      %cond3A_269 = arith.constant 0 : i32
      %cond3A_270 = arith.cmpi ne, %convert_element_type3A_268, %cond3A_269 : i32
      scf.if %cond3A_270 {
        %add3A_320 = arith.constant 2 : i32
        %add3A_321 = arith.addi %add3A_230, %add3A_320 : i32
        %mul3A_322 = arith.constant 128 : i32
        %mul3A_323 = arith.muli %add3A_321, %mul3A_322 : i32
        %add3A_324 = arith.addi %mul3A_2, %mul3A_323 : i32
        %dma_start3A_325 = arith.constant 0 : i32
        %dma_start3A_326 = arith.constant 1 : i32
        %dma_start3A_327 = arith.constant 1 : i32
        %dma_start3A_328 = arith.constant 0 : i32
        %dma_start3A_329 = tpu.memref_slice %arg6[%dma_start3A_325, %dma_start3A_326, %sub3A_137, %dma_start3A_328] : memref<2x2x2x128xi32, #tpu.memory_space<vmem>> -> memref<1x1x1x128xi32, #tpu.memory_space<vmem>>
        %dma_start3A_330 = tpu.memref_squeeze %dma_start3A_329 : memref<1x1x1x128xi32, #tpu.memory_space<vmem>> -> memref<128xi32, #tpu.memory_space<vmem>>
        %dma_start3A_331 = tpu.memref_slice %arg3[%add3A_324] : memref<327680xi32, #tpu.memory_space<hbm>> -> memref<128xi32, #tpu.memory_space<hbm>>
        %dma_start3A_332 = tpu.memref_slice %arg10[%dma_start3A_327] : memref<2x!tpu.dma_semaphore, #tpu.memory_space<semaphore_mem>> -> memref<1x!tpu.dma_semaphore, #tpu.memory_space<semaphore_mem>>
        %dma_start3A_333 = tpu.memref_squeeze %dma_start3A_332 : memref<1x!tpu.dma_semaphore, #tpu.memory_space<semaphore_mem>> -> memref<!tpu.dma_semaphore, #tpu.memory_space<semaphore_mem>>
        %dma_start3A_334 = arith.constant 0 : i32
        %dma_start3A_335 = tpu.memref_slice %arg6[%dma_start3A_325, %dma_start3A_326, %sub3A_137, %dma_start3A_334] : memref<2x2x2x128xi32, #tpu.memory_space<vmem>> -> memref<1x1x1x128xi32, #tpu.memory_space<vmem>>
        %dma_start3A_336 = tpu.memref_squeeze %dma_start3A_335 : memref<1x1x1x128xi32, #tpu.memory_space<vmem>> -> memref<128xi32, #tpu.memory_space<vmem>>
        %dma_start3A_337 = tpu.memref_slice %arg3[%add3A_324] : memref<327680xi32, #tpu.memory_space<hbm>> -> memref<128xi32, #tpu.memory_space<hbm>>
        tpu.enqueue_dma source(%dma_start3A_337 : memref<128xi32, #tpu.memory_space<hbm>>) target(%dma_start3A_336 : memref<128xi32, #tpu.memory_space<vmem>>) target_semaphore(%dma_start3A_333 : memref<!tpu.dma_semaphore, #tpu.memory_space<semaphore_mem>>)
        %dma_start3A_338 = arith.constant 1 : i32
        %dma_start3A_339 = arith.constant 1 : i32
        %dma_start3A_340 = arith.constant 1 : i32
        %dma_start3A_341 = arith.constant 0 : i32
        %dma_start3A_342 = tpu.memref_slice %arg6[%dma_start3A_338, %dma_start3A_339, %sub3A_137, %dma_start3A_341] : memref<2x2x2x128xi32, #tpu.memory_space<vmem>> -> memref<1x1x1x128xi32, #tpu.memory_space<vmem>>
        %dma_start3A_343 = tpu.memref_squeeze %dma_start3A_342 : memref<1x1x1x128xi32, #tpu.memory_space<vmem>> -> memref<128xi32, #tpu.memory_space<vmem>>
        %dma_start3A_344 = tpu.memref_slice %arg4[%add3A_324] : memref<327680xi32, #tpu.memory_space<hbm>> -> memref<128xi32, #tpu.memory_space<hbm>>
        %dma_start3A_345 = tpu.memref_slice %arg10[%dma_start3A_340] : memref<2x!tpu.dma_semaphore, #tpu.memory_space<semaphore_mem>> -> memref<1x!tpu.dma_semaphore, #tpu.memory_space<semaphore_mem>>
        %dma_start3A_346 = tpu.memref_squeeze %dma_start3A_345 : memref<1x!tpu.dma_semaphore, #tpu.memory_space<semaphore_mem>> -> memref<!tpu.dma_semaphore, #tpu.memory_space<semaphore_mem>>
        %dma_start3A_347 = arith.constant 0 : i32
        %dma_start3A_348 = tpu.memref_slice %arg6[%dma_start3A_338, %dma_start3A_339, %sub3A_137, %dma_start3A_347] : memref<2x2x2x128xi32, #tpu.memory_space<vmem>> -> memref<1x1x1x128xi32, #tpu.memory_space<vmem>>
        %dma_start3A_349 = tpu.memref_squeeze %dma_start3A_348 : memref<1x1x1x128xi32, #tpu.memory_space<vmem>> -> memref<128xi32, #tpu.memory_space<vmem>>
        %dma_start3A_350 = tpu.memref_slice %arg4[%add3A_324] : memref<327680xi32, #tpu.memory_space<hbm>> -> memref<128xi32, #tpu.memory_space<hbm>>
        tpu.enqueue_dma source(%dma_start3A_350 : memref<128xi32, #tpu.memory_space<hbm>>) target(%dma_start3A_349 : memref<128xi32, #tpu.memory_space<vmem>>) target_semaphore(%dma_start3A_346 : memref<!tpu.dma_semaphore, #tpu.memory_space<semaphore_mem>>)
      } else {
      }
      %dma_start3A_271 = arith.constant 0 : i32
      %dma_start3A_272 = arith.constant 1 : i32
      %dma_start3A_273 = arith.constant 1 : i32
      %dma_start3A_274 = arith.constant 1 : i32
      %dma_start3A_275 = arith.constant 0 : i32
      %dma_start3A_276 = arith.constant 0 : i32
      %dma_start3A_277 = tpu.memref_slice %arg7[%dma_start3A_273, %dma_start3A_275, %dma_start3A_276] : memref<2x128x128xf32, #tpu.memory_space<vmem>> -> memref<1x128x128xf32, #tpu.memory_space<vmem>>
      %dma_start3A_278 = tpu.memref_squeeze %dma_start3A_277 : memref<1x128x128xf32, #tpu.memory_space<vmem>> -> memref<128x128xf32, #tpu.memory_space<vmem>>
      %dma_start3A_279 = arith.constant 0 : i32
      %dma_start3A_280 = tpu.memref_slice %arg6[%dma_start3A_271, %dma_start3A_272, %select_n3A_136, %dma_start3A_279] : memref<2x2x2x128xi32, #tpu.memory_space<vmem>> -> memref<1x1x1x128xi32, #tpu.memory_space<vmem>>
      %dma_start3A_281 = tpu.memref_squeeze %dma_start3A_280 : memref<1x1x1x128xi32, #tpu.memory_space<vmem>> -> memref<128xi32, #tpu.memory_space<vmem>>
      %dma_start3A_282 = arith.constant 0 : i32
      %dma_start3A_283 = arith.constant 0 : i32
      %dma_start3A_284 = tpu.memref_slice %arg2[%dma_start3A_282, %dma_start3A_283] : memref<10240x128xf32, #tpu.memory_space<hbm>> -> memref<10240x128xf32, #tpu.memory_space<hbm>>
      %dma_start3A_285 = tpu.memref_slice %arg11[%dma_start3A_274] : memref<2x!tpu.dma_semaphore, #tpu.memory_space<semaphore_mem>> -> memref<1x!tpu.dma_semaphore, #tpu.memory_space<semaphore_mem>>
      %dma_start3A_286 = tpu.memref_squeeze %dma_start3A_285 : memref<1x!tpu.dma_semaphore, #tpu.memory_space<semaphore_mem>> -> memref<!tpu.dma_semaphore, #tpu.memory_space<semaphore_mem>>
      tpu.enqueue_indirect_dma source(%dma_start3A_284 : memref<10240x128xf32, #tpu.memory_space<hbm>>) target(%dma_start3A_278 : memref<128x128xf32, #tpu.memory_space<vmem>>) offsets(%dma_start3A_281 : memref<128xi32, #tpu.memory_space<vmem>>) semaphore(%dma_start3A_286 : memref<!tpu.dma_semaphore, #tpu.memory_space<semaphore_mem>>)
      %dma_wait3A_287 = arith.constant 0 : i32
      %dma_wait3A_288 = arith.constant 1 : i32
      %dma_wait3A_289 = arith.constant 1 : i32
      %dma_wait3A_290 = arith.constant 1 : i32
      %dma_wait3A_291 = arith.constant 0 : i32
      %dma_wait3A_292 = arith.constant 0 : i32
      %dma_wait3A_293 = tpu.memref_slice %arg7[%dma_wait3A_289, %dma_wait3A_291, %dma_wait3A_292] : memref<2x128x128xf32, #tpu.memory_space<vmem>> -> memref<1x128x128xf32, #tpu.memory_space<vmem>>
      %dma_wait3A_294 = tpu.memref_squeeze %dma_wait3A_293 : memref<1x128x128xf32, #tpu.memory_space<vmem>> -> memref<128x128xf32, #tpu.memory_space<vmem>>
      %dma_wait3A_295 = arith.constant 0 : i32
      %dma_wait3A_296 = tpu.memref_slice %arg6[%dma_wait3A_287, %dma_wait3A_288, %select_n3A_136, %dma_wait3A_295] : memref<2x2x2x128xi32, #tpu.memory_space<vmem>> -> memref<1x1x1x128xi32, #tpu.memory_space<vmem>>
      %dma_wait3A_297 = tpu.memref_squeeze %dma_wait3A_296 : memref<1x1x1x128xi32, #tpu.memory_space<vmem>> -> memref<128xi32, #tpu.memory_space<vmem>>
      %dma_wait3A_298 = arith.constant 0 : i32
      %dma_wait3A_299 = arith.constant 0 : i32
      %dma_wait3A_300 = tpu.memref_slice %arg2[%dma_wait3A_298, %dma_wait3A_299] : memref<10240x128xf32, #tpu.memory_space<hbm>> -> memref<10240x128xf32, #tpu.memory_space<hbm>>
      %dma_wait3A_301 = tpu.memref_slice %arg11[%dma_wait3A_290] : memref<2x!tpu.dma_semaphore, #tpu.memory_space<semaphore_mem>> -> memref<1x!tpu.dma_semaphore, #tpu.memory_space<semaphore_mem>>
      %dma_wait3A_302 = tpu.memref_squeeze %dma_wait3A_301 : memref<1x!tpu.dma_semaphore, #tpu.memory_space<semaphore_mem>> -> memref<!tpu.dma_semaphore, #tpu.memory_space<semaphore_mem>>
      tpu.wait_indirect_dma semaphore(%dma_wait3A_302 : memref<!tpu.dma_semaphore, #tpu.memory_space<semaphore_mem>>) src(%dma_wait3A_300 : memref<10240x128xf32, #tpu.memory_space<hbm>>) dst(%dma_wait3A_294 : memref<128x128xf32, #tpu.memory_space<vmem>>)
      %dma_start3A_303 = arith.constant 1 : i32
      %dma_start3A_304 = arith.constant 1 : i32
      %dma_start3A_305 = arith.constant 1 : i32
      %dma_start3A_306 = arith.constant 1 : i32
      %dma_start3A_307 = arith.constant 0 : i32
      %dma_start3A_308 = arith.constant 0 : i32
      %dma_start3A_309 = tpu.memref_slice %arg7[%dma_start3A_303, %dma_start3A_307, %dma_start3A_308] : memref<2x128x128xf32, #tpu.memory_space<vmem>> -> memref<1x128x128xf32, #tpu.memory_space<vmem>>
      %dma_start3A_310 = tpu.memref_squeeze %dma_start3A_309 : memref<1x128x128xf32, #tpu.memory_space<vmem>> -> memref<128x128xf32, #tpu.memory_space<vmem>>
      %dma_start3A_311 = arith.constant 0 : i32
      %dma_start3A_312 = tpu.memref_slice %arg6[%dma_start3A_304, %dma_start3A_305, %select_n3A_136, %dma_start3A_311] : memref<2x2x2x128xi32, #tpu.memory_space<vmem>> -> memref<1x1x1x128xi32, #tpu.memory_space<vmem>>
      %dma_start3A_313 = tpu.memref_squeeze %dma_start3A_312 : memref<1x1x1x128xi32, #tpu.memory_space<vmem>> -> memref<128xi32, #tpu.memory_space<vmem>>
      %dma_start3A_314 = arith.constant 0 : i32
      %dma_start3A_315 = arith.constant 0 : i32
      %dma_start3A_316 = tpu.memref_slice %arg9[%dma_start3A_314, %dma_start3A_315] : memref<10240x128xf32, #tpu.memory_space<vmem_shared>> -> memref<10240x128xf32, #tpu.memory_space<vmem_shared>>
      %dma_start3A_317 = tpu.memref_slice %arg12[%dma_start3A_306] : memref<2x!tpu.dma_semaphore, #tpu.memory_space<semaphore_mem>> -> memref<1x!tpu.dma_semaphore, #tpu.memory_space<semaphore_mem>>
      %dma_start3A_318 = tpu.memref_squeeze %dma_start3A_317 : memref<1x!tpu.dma_semaphore, #tpu.memory_space<semaphore_mem>> -> memref<!tpu.dma_semaphore, #tpu.memory_space<semaphore_mem>>
      tpu.enqueue_indirect_dma source(%dma_start3A_310 : memref<128x128xf32, #tpu.memory_space<vmem>>) target(%dma_start3A_316 : memref<10240x128xf32, #tpu.memory_space<vmem_shared>>) offsets(%dma_start3A_313 : memref<128xi32, #tpu.memory_space<vmem>>) semaphore(%dma_start3A_318 : memref<!tpu.dma_semaphore, #tpu.memory_space<semaphore_mem>>) {add = true}
      %scan3A_319 = arith.constant 0 : i32
      scf.yield %scan3A_319 : i32
    }
    %scan3A_85 = arith.constant 40 : i32
    %dma_wait3A = arith.constant 0 : i32
    %dma_wait3A_86 = arith.constant 0 : i32
    %dma_wait3A_87 = arith.constant 0 : i32
    %dma_wait3A_88 = arith.constant 0 : i32
    %dma_wait3A_89 = tpu.memref_slice %arg7[%dma_wait3A, %dma_wait3A_87, %dma_wait3A_88] : memref<2x128x128xf32, #tpu.memory_space<vmem>> -> memref<1x128x128xf32, #tpu.memory_space<vmem>>
    %dma_wait3A_90 = tpu.memref_squeeze %dma_wait3A_89 : memref<1x128x128xf32, #tpu.memory_space<vmem>> -> memref<128x128xf32, #tpu.memory_space<vmem>>
    %dma_wait3A_91 = arith.constant 0 : i32
    %dma_wait3A_92 = arith.constant 0 : i32
    %dma_wait3A_93 = tpu.memref_slice %arg9[%dma_wait3A_91, %dma_wait3A_92] : memref<10240x128xf32, #tpu.memory_space<vmem_shared>> -> memref<128x128xf32, #tpu.memory_space<vmem_shared>>
    %dma_wait3A_94 = tpu.memref_slice %arg12[%dma_wait3A_86] : memref<2x!tpu.dma_semaphore, #tpu.memory_space<semaphore_mem>> -> memref<1x!tpu.dma_semaphore, #tpu.memory_space<semaphore_mem>>
    %dma_wait3A_95 = tpu.memref_squeeze %dma_wait3A_94 : memref<1x!tpu.dma_semaphore, #tpu.memory_space<semaphore_mem>> -> memref<!tpu.dma_semaphore, #tpu.memory_space<semaphore_mem>>
    %dma_wait3A_96 = arith.constant 0 : i32
    %dma_wait3A_97 = arith.constant 0 : i32
    %dma_wait3A_98 = tpu.memref_slice %arg9[%dma_wait3A_96, %dma_wait3A_97] : memref<10240x128xf32, #tpu.memory_space<vmem_shared>> -> memref<128x128xf32, #tpu.memory_space<vmem_shared>>
    %dma_wait3A_99 = arith.constant 0 : i32
    %dma_wait3A_100 = arith.constant 0 : i32
    %dma_wait3A_101 = tpu.memref_slice %arg7[%dma_wait3A, %dma_wait3A_99, %dma_wait3A_100] : memref<2x128x128xf32, #tpu.memory_space<vmem>> -> memref<1x128x128xf32, #tpu.memory_space<vmem>>
    %dma_wait3A_102 = tpu.memref_squeeze %dma_wait3A_101 : memref<1x128x128xf32, #tpu.memory_space<vmem>> -> memref<128x128xf32, #tpu.memory_space<vmem>>
    tpu.wait_dma2 semaphore(%dma_wait3A_95 : memref<!tpu.dma_semaphore, #tpu.memory_space<semaphore_mem>>) src(%dma_wait3A_102 : memref<128x128xf32, #tpu.memory_space<vmem>>) dst(%dma_wait3A_98 : memref<128x128xf32, #tpu.memory_space<vmem_shared>>)
    %dma_wait3A_103 = arith.constant 1 : i32
    %dma_wait3A_104 = arith.constant 1 : i32
    %dma_wait3A_105 = arith.constant 0 : i32
    %dma_wait3A_106 = arith.constant 0 : i32
    %dma_wait3A_107 = tpu.memref_slice %arg7[%dma_wait3A_103, %dma_wait3A_105, %dma_wait3A_106] : memref<2x128x128xf32, #tpu.memory_space<vmem>> -> memref<1x128x128xf32, #tpu.memory_space<vmem>>
    %dma_wait3A_108 = tpu.memref_squeeze %dma_wait3A_107 : memref<1x128x128xf32, #tpu.memory_space<vmem>> -> memref<128x128xf32, #tpu.memory_space<vmem>>
    %dma_wait3A_109 = arith.constant 0 : i32
    %dma_wait3A_110 = arith.constant 0 : i32
    %dma_wait3A_111 = tpu.memref_slice %arg9[%dma_wait3A_109, %dma_wait3A_110] : memref<10240x128xf32, #tpu.memory_space<vmem_shared>> -> memref<128x128xf32, #tpu.memory_space<vmem_shared>>
    %dma_wait3A_112 = tpu.memref_slice %arg12[%dma_wait3A_104] : memref<2x!tpu.dma_semaphore, #tpu.memory_space<semaphore_mem>> -> memref<1x!tpu.dma_semaphore, #tpu.memory_space<semaphore_mem>>
    %dma_wait3A_113 = tpu.memref_squeeze %dma_wait3A_112 : memref<1x!tpu.dma_semaphore, #tpu.memory_space<semaphore_mem>> -> memref<!tpu.dma_semaphore, #tpu.memory_space<semaphore_mem>>
    %dma_wait3A_114 = arith.constant 0 : i32
    %dma_wait3A_115 = arith.constant 0 : i32
    %dma_wait3A_116 = tpu.memref_slice %arg9[%dma_wait3A_114, %dma_wait3A_115] : memref<10240x128xf32, #tpu.memory_space<vmem_shared>> -> memref<128x128xf32, #tpu.memory_space<vmem_shared>>
    %dma_wait3A_117 = arith.constant 0 : i32
    %dma_wait3A_118 = arith.constant 0 : i32
    %dma_wait3A_119 = tpu.memref_slice %arg7[%dma_wait3A_103, %dma_wait3A_117, %dma_wait3A_118] : memref<2x128x128xf32, #tpu.memory_space<vmem>> -> memref<1x128x128xf32, #tpu.memory_space<vmem>>
    %dma_wait3A_120 = tpu.memref_squeeze %dma_wait3A_119 : memref<1x128x128xf32, #tpu.memory_space<vmem>> -> memref<128x128xf32, #tpu.memory_space<vmem>>
    tpu.wait_dma2 semaphore(%dma_wait3A_113 : memref<!tpu.dma_semaphore, #tpu.memory_space<semaphore_mem>>) src(%dma_wait3A_120 : memref<128x128xf32, #tpu.memory_space<vmem>>) dst(%dma_wait3A_116 : memref<128x128xf32, #tpu.memory_space<vmem_shared>>)
    %barrier3A_121 = arith.constant 0 : index
    tpu.barrier barrier_id(%barrier3A_121)
    %mul3A_122 = arith.constant 640 : i32
    %mul3A_123 = arith.muli %arg1, %mul3A_122 : i32
    %mul3A_124 = arith.constant 640 : i32
    %mul3A_125 = arith.muli %arg1, %mul3A_124 : i32
    "tpu.region"() ({
      %run_scoped3A = tpu.sem_alloc : memref<!tpu.dma_semaphore, #tpu.memory_space<semaphore_mem>>
      %dma_start3A_126 = arith.constant 0 : i32
      %dma_start3A_127 = tpu.memref_slice %arg5[%arg0, %mul3A_125, %dma_start3A_126] : memref<2x10240x128xf32, #tpu.memory_space<hbm>> -> memref<1x640x128xf32, #tpu.memory_space<hbm>>
      %dma_start3A_128 = tpu.memref_squeeze %dma_start3A_127 : memref<1x640x128xf32, #tpu.memory_space<hbm>> -> memref<640x128xf32, #tpu.memory_space<hbm>>
      %dma_start3A_129 = arith.constant 0 : i32
      %dma_start3A_130 = tpu.memref_slice %arg9[%mul3A_123, %dma_start3A_129] : memref<10240x128xf32, #tpu.memory_space<vmem_shared>> -> memref<640x128xf32, #tpu.memory_space<vmem_shared>>
      tpu.enqueue_dma source(%dma_start3A_130 : memref<640x128xf32, #tpu.memory_space<vmem_shared>>) target(%dma_start3A_128 : memref<640x128xf32, #tpu.memory_space<hbm>>) target_semaphore(%run_scoped3A : memref<!tpu.dma_semaphore, #tpu.memory_space<semaphore_mem>>)
      %dma_wait3A_131 = arith.constant 0 : i32
      %dma_wait3A_132 = tpu.memref_slice %arg5[%arg0, %mul3A_125, %dma_wait3A_131] : memref<2x10240x128xf32, #tpu.memory_space<hbm>> -> memref<1x640x128xf32, #tpu.memory_space<hbm>>
      %dma_wait3A_133 = tpu.memref_squeeze %dma_wait3A_132 : memref<1x640x128xf32, #tpu.memory_space<hbm>> -> memref<640x128xf32, #tpu.memory_space<hbm>>
      %dma_wait3A_134 = arith.constant 0 : i32
      %dma_wait3A_135 = tpu.memref_slice %arg9[%mul3A_123, %dma_wait3A_134] : memref<10240x128xf32, #tpu.memory_space<vmem_shared>> -> memref<640x128xf32, #tpu.memory_space<vmem_shared>>
      tpu.wait_dma2 semaphore(%run_scoped3A : memref<!tpu.dma_semaphore, #tpu.memory_space<semaphore_mem>>) src(%dma_wait3A_135 : memref<640x128xf32, #tpu.memory_space<vmem_shared>>) dst(%dma_wait3A_133 : memref<640x128xf32, #tpu.memory_space<hbm>>)
      tpu.yield
    }) : () -> ()
    return
  }
}

module attributes {stable_mosaic.version = 14 : i64} {
  func.func @_tc1_body(%arg0: i32, %arg1: memref<512x128xf32, #tpu.memory_space<vmem>>, %arg2: memref<128x128xf32, #tpu.memory_space<vmem>>, %arg3: memref<2x512xf32, #tpu.memory_space<vmem>>, %arg4: memref<512x128xf32, #tpu.memory_space<vmem>>, %arg5: memref<512x128xf32, #tpu.memory_space<vmem>>) attributes {dimension_semantics = [#tpu.dimension_semantics<arbitrary>], iteration_bounds = array<i64: 20>, scalar_prefetch = 0 : i64, scratch_operands = 0 : i64, tpu.core_type = #tpu.core_type<tc>, window_params = [{transform_indices = @transform_0, window_bounds = array<i64: 512, 128>}, {pipeline_mode = #tpu.pipeline_mode<synchronous>, transform_indices = @transform_1, window_bounds = array<i64: 128, 128>}, {transform_indices = @transform_2, window_bounds = array<i64: 2, 512>}, {transform_indices = @transform_3, window_bounds = array<i64: 512, 128>}, {transform_indices = @transform_4, window_bounds = array<i64: 512, 128>}]} {
    %get3A = arith.constant 0 : index
    %get3A_0 = arith.constant 0 : index
    %get3A_1 = vector.load %arg3[%get3A, %get3A_0] : memref<2x512xf32, #tpu.memory_space<vmem>>, vector<1x512xf32>
    %get3A_2 = vector.shape_cast %get3A_1 : vector<1x512xf32> to vector<512xf32>
    %get3A_3 = arith.constant 1 : index
    %get3A_4 = arith.constant 0 : index
    %get3A_5 = vector.load %arg3[%get3A_3, %get3A_4] : memref<2x512xf32, #tpu.memory_space<vmem>>, vector<1x512xf32>
    %get3A_6 = vector.shape_cast %get3A_5 : vector<1x512xf32> to vector<512xf32>
    %add3A = arith.addf %get3A_2, %get3A_6 : vector<512xf32>
    %add3A_7 = arith.constant 1.000000e+00 : f32
    %add3A_8 = vector.broadcast %add3A_7 : f32 to vector<512xf32>
    %add3A_9 = arith.addf %add3A, %add3A_8 : vector<512xf32>
    %rsqrt3A = math.rsqrt %add3A_9 : vector<512xf32>
    %get3A_10 = arith.constant 0 : index
    %get3A_11 = arith.constant 0 : index
    %get3A_12 = vector.load %arg1[%get3A_10, %get3A_11] : memref<512x128xf32, #tpu.memory_space<vmem>>, vector<512x128xf32>
    %get3A_13 = arith.constant 0 : index
    %get3A_14 = arith.constant 0 : index
    %get3A_15 = vector.load %arg2[%get3A_13, %get3A_14] : memref<128x128xf32, #tpu.memory_space<vmem>>, vector<128x128xf32>
    %dot_general3A = arith.constant dense<0.000000e+00> : vector<512x128xf32>
    %dot_general3A_16 = tpu.matmul %get3A_12, %get3A_15, %dot_general3A {dimension_numbers = #tpu.dot_dimension_numbers<[1], [0], [0], [1], [0, 0, 1, 1], [], []>, transpose_lhs_hint = false} : vector<512x128xf32>, vector<128x128xf32>, vector<512x128xf32> -> vector<512x128xf32>
    %broadcast_in_dim3A = vector.shape_cast %rsqrt3A : vector<512xf32> to vector<512x1xf32>
    %mul3A = vector.broadcast %broadcast_in_dim3A : vector<512x1xf32> to vector<512x128xf32>
    %mul3A_17 = arith.mulf %dot_general3A_16, %mul3A : vector<512x128xf32>
    %swap3A = arith.constant 0 : index
    %swap3A_18 = arith.constant 0 : index
    %swap3A_19 = vector.load %arg4[%swap3A, %swap3A_18] : memref<512x128xf32, #tpu.memory_space<vmem>>, vector<512x128xf32>
    tpu.vector_store %arg4[%swap3A, %swap3A_18], %mul3A_17 {strides = array<i32>} : memref<512x128xf32, #tpu.memory_space<vmem>>, vector<512x128xf32>,
    %broadcast_in_dim3A_20 = vector.shape_cast %rsqrt3A : vector<512xf32> to vector<512x1xf32>
    %broadcast_in_dim3A_21 = vector.shape_cast %broadcast_in_dim3A_20 : vector<512x1xf32> to vector<512x1xf32>
    %broadcast_in_dim3A_22 = vector.broadcast %broadcast_in_dim3A_21 : vector<512x1xf32> to vector<512x128xf32>
    %swap3A_23 = arith.constant 0 : index
    %swap3A_24 = arith.constant 0 : index
    %swap3A_25 = vector.load %arg5[%swap3A_23, %swap3A_24] : memref<512x128xf32, #tpu.memory_space<vmem>>, vector<512x128xf32>
    tpu.vector_store %arg5[%swap3A_23, %swap3A_24], %broadcast_in_dim3A_22 {strides = array<i32>} : memref<512x128xf32, #tpu.memory_space<vmem>>, vector<512x128xf32>,
    return
  }
  func.func @transform_0(%arg0: i32) -> (i32, i32) {
    %c0_i32 = arith.constant 0 : i32
    %c0_i32_0 = arith.constant 0 : i32
    return %arg0, %c0_i32 : i32, i32
  }
  func.func @transform_1(%arg0: i32) -> (i32, i32) {
    %c0_i32 = arith.constant 0 : i32
    %c0_i32_0 = arith.constant 0 : i32
    %c0_i32_1 = arith.constant 0 : i32
    return %c0_i32, %c0_i32_0 : i32, i32
  }
  func.func @transform_2(%arg0: i32) -> (i32, i32) {
    %c0_i32 = arith.constant 0 : i32
    %c0_i32_0 = arith.constant 0 : i32
    return %c0_i32, %arg0 : i32, i32
  }
  func.func @transform_3(%arg0: i32) -> (i32, i32) {
    %c0_i32 = arith.constant 0 : i32
    %c0_i32_0 = arith.constant 0 : i32
    return %arg0, %c0_i32 : i32, i32
  }
  func.func @transform_4(%arg0: i32) -> (i32, i32) {
    %c0_i32 = arith.constant 0 : i32
    %c0_i32_0 = arith.constant 0 : i32
    return %arg0, %c0_i32 : i32, i32
  }
}

module attributes {stable_mosaic.version = 14 : i64} {
  func.func @_tc2_body(%arg0: i32, %arg1: memref<512x128xf32, #tpu.memory_space<vmem>>, %arg2: memref<512x128xf32, #tpu.memory_space<vmem>>, %arg3: memref<512x128xf32, #tpu.memory_space<vmem>>, %arg4: memref<512x128xf32, #tpu.memory_space<vmem>>, %arg5: memref<1x128xf32, #tpu.memory_space<vmem>>, %arg6: memref<128x128xf32, #tpu.memory_space<vmem>>, %arg7: memref<512x128xf32, #tpu.memory_space<vmem>>) attributes {dimension_semantics = [#tpu.dimension_semantics<arbitrary>], iteration_bounds = array<i64: 20>, scalar_prefetch = 0 : i64, scratch_operands = 0 : i64, tpu.core_type = #tpu.core_type<tc>, window_params = [{transform_indices = @transform_0, window_bounds = array<i64: 512, 128>}, {transform_indices = @transform_1, window_bounds = array<i64: 512, 128>}, {transform_indices = @transform_2, window_bounds = array<i64: 512, 128>}, {transform_indices = @transform_3, window_bounds = array<i64: 512, 128>}, {pipeline_mode = #tpu.pipeline_mode<synchronous>, transform_indices = @transform_4, window_bounds = array<i64: 1, 128>}, {pipeline_mode = #tpu.pipeline_mode<synchronous>, transform_indices = @transform_5, window_bounds = array<i64: 128, 128>}, {transform_indices = @transform_6, window_bounds = array<i64: 512, 128>}]} {
    %get3A = arith.constant 0 : index
    %get3A_0 = arith.constant 0 : index
    %get3A_1 = vector.load %arg1[%get3A, %get3A_0] : memref<512x128xf32, #tpu.memory_space<vmem>>, vector<512x128xf32>
    %get3A_2 = arith.constant 0 : index
    %get3A_3 = arith.constant 0 : index
    %get3A_4 = vector.load %arg2[%get3A_2, %get3A_3] : memref<512x128xf32, #tpu.memory_space<vmem>>, vector<512x128xf32>
    %add3A = arith.addf %get3A_1, %get3A_4 : vector<512x128xf32>
    %get3A_5 = arith.constant 0 : index
    %get3A_6 = arith.constant 0 : index
    %get3A_7 = vector.load %arg3[%get3A_5, %get3A_6] : memref<512x128xf32, #tpu.memory_space<vmem>>, vector<512x128xf32>
    %add3A_8 = arith.addf %add3A, %get3A_7 : vector<512x128xf32>
    %get3A_9 = arith.constant 0 : index
    %get3A_10 = arith.constant 0 : index
    %get3A_11 = vector.load %arg4[%get3A_9, %get3A_10] : memref<512x128xf32, #tpu.memory_space<vmem>>, vector<512x128xf32>
    %mul3A = arith.mulf %add3A_8, %get3A_11 : vector<512x128xf32>
    %get3A_12 = arith.constant 0 : index
    %get3A_13 = arith.constant 0 : index
    %get3A_14 = vector.load %arg5[%get3A_12, %get3A_13] : memref<1x128xf32, #tpu.memory_space<vmem>>, vector<1x128xf32>
    %add3A_15 = vector.broadcast %get3A_14 : vector<1x128xf32> to vector<512x128xf32>
    %add3A_16 = arith.addf %mul3A, %add3A_15 : vector<512x128xf32>
    %max3A = arith.constant 0.000000e+00 : f32
    %max3A_17 = vector.broadcast %max3A : f32 to vector<512x128xf32>
    %max3A_18 = arith.maximumf %add3A_16, %max3A_17 : vector<512x128xf32>
    %get3A_19 = arith.constant 0 : index
    %get3A_20 = arith.constant 0 : index
    %get3A_21 = vector.load %arg6[%get3A_19, %get3A_20] : memref<128x128xf32, #tpu.memory_space<vmem>>, vector<128x128xf32>
    %dot_general3A = arith.constant dense<0.000000e+00> : vector<512x128xf32>
    %dot_general3A_22 = tpu.matmul %max3A_18, %get3A_21, %dot_general3A {dimension_numbers = #tpu.dot_dimension_numbers<[1], [0], [0], [1], [0, 0, 1, 1], [], []>, transpose_lhs_hint = false} : vector<512x128xf32>, vector<128x128xf32>, vector<512x128xf32> -> vector<512x128xf32>
    %get3A_23 = arith.constant 0 : index
    %get3A_24 = arith.constant 0 : index
    %get3A_25 = vector.load %arg4[%get3A_23, %get3A_24] : memref<512x128xf32, #tpu.memory_space<vmem>>, vector<512x128xf32>
    %mul3A_26 = arith.mulf %dot_general3A_22, %get3A_25 : vector<512x128xf32>
    %swap3A = arith.constant 0 : index
    %swap3A_27 = arith.constant 0 : index
    %swap3A_28 = vector.load %arg7[%swap3A, %swap3A_27] : memref<512x128xf32, #tpu.memory_space<vmem>>, vector<512x128xf32>
    tpu.vector_store %arg7[%swap3A, %swap3A_27], %mul3A_26 {strides = array<i32>} : memref<512x128xf32, #tpu.memory_space<vmem>>, vector<512x128xf32>,
    return
  }
  func.func @transform_0(%arg0: i32) -> (i32, i32) {
    %c0_i32 = arith.constant 0 : i32
    %c0_i32_0 = arith.constant 0 : i32
    return %arg0, %c0_i32 : i32, i32
  }
  func.func @transform_1(%arg0: i32) -> (i32, i32) {
    %c0_i32 = arith.constant 0 : i32
    %c0_i32_0 = arith.constant 0 : i32
    return %arg0, %c0_i32 : i32, i32
  }
  func.func @transform_2(%arg0: i32) -> (i32, i32) {
    %c0_i32 = arith.constant 0 : i32
    %c0_i32_0 = arith.constant 0 : i32
    return %arg0, %c0_i32 : i32, i32
  }
  func.func @transform_3(%arg0: i32) -> (i32, i32) {
    %c0_i32 = arith.constant 0 : i32
    %c0_i32_0 = arith.constant 0 : i32
    return %arg0, %c0_i32 : i32, i32
  }
  func.func @transform_4(%arg0: i32) -> (i32, i32) {
    %c0_i32 = arith.constant 0 : i32
    %c0_i32_0 = arith.constant 0 : i32
    %c0_i32_1 = arith.constant 0 : i32
    return %c0_i32, %c0_i32_0 : i32, i32
  }
  func.func @transform_5(%arg0: i32) -> (i32, i32) {
    %c0_i32 = arith.constant 0 : i32
    %c0_i32_0 = arith.constant 0 : i32
    %c0_i32_1 = arith.constant 0 : i32
    return %c0_i32, %c0_i32_0 : i32, i32
  }
  func.func @transform_6(%arg0: i32) -> (i32, i32) {
    %c0_i32 = arith.constant 0 : i32
    %c0_i32_0 = arith.constant 0 : i32
    return %arg0, %c0_i32 : i32, i32
  }
}

module attributes {stable_mosaic.version = 14 : i64} {
  func.func @_tc3_body(%arg0: i32, %arg1: memref<512x128xf32, #tpu.memory_space<vmem>>, %arg2: memref<512x128xf32, #tpu.memory_space<vmem>>, %arg3: memref<512x128xf32, #tpu.memory_space<vmem>>, %arg4: memref<512x128xf32, #tpu.memory_space<vmem>>, %arg5: memref<1x128xf32, #tpu.memory_space<vmem>>, %arg6: memref<512x128xf32, #tpu.memory_space<vmem>>) attributes {dimension_semantics = [#tpu.dimension_semantics<arbitrary>], iteration_bounds = array<i64: 20>, scalar_prefetch = 0 : i64, scratch_operands = 0 : i64, tpu.core_type = #tpu.core_type<tc>, window_params = [{transform_indices = @transform_0, window_bounds = array<i64: 512, 128>}, {transform_indices = @transform_1, window_bounds = array<i64: 512, 128>}, {transform_indices = @transform_2, window_bounds = array<i64: 512, 128>}, {transform_indices = @transform_3, window_bounds = array<i64: 512, 128>}, {pipeline_mode = #tpu.pipeline_mode<synchronous>, transform_indices = @transform_4, window_bounds = array<i64: 1, 128>}, {transform_indices = @transform_5, window_bounds = array<i64: 512, 128>}]} {
    %get3A = arith.constant 0 : index
    %get3A_0 = arith.constant 0 : index
    %get3A_1 = vector.load %arg1[%get3A, %get3A_0] : memref<512x128xf32, #tpu.memory_space<vmem>>, vector<512x128xf32>
    %get3A_2 = arith.constant 0 : index
    %get3A_3 = arith.constant 0 : index
    %get3A_4 = vector.load %arg2[%get3A_2, %get3A_3] : memref<512x128xf32, #tpu.memory_space<vmem>>, vector<512x128xf32>
    %add3A = arith.addf %get3A_1, %get3A_4 : vector<512x128xf32>
    %get3A_5 = arith.constant 0 : index
    %get3A_6 = arith.constant 0 : index
    %get3A_7 = vector.load %arg3[%get3A_5, %get3A_6] : memref<512x128xf32, #tpu.memory_space<vmem>>, vector<512x128xf32>
    %add3A_8 = arith.addf %add3A, %get3A_7 : vector<512x128xf32>
    %get3A_9 = arith.constant 0 : index
    %get3A_10 = arith.constant 0 : index
    %get3A_11 = vector.load %arg4[%get3A_9, %get3A_10] : memref<512x128xf32, #tpu.memory_space<vmem>>, vector<512x128xf32>
    %mul3A = arith.mulf %add3A_8, %get3A_11 : vector<512x128xf32>
    %get3A_12 = arith.constant 0 : index
    %get3A_13 = arith.constant 0 : index
    %get3A_14 = vector.load %arg5[%get3A_12, %get3A_13] : memref<1x128xf32, #tpu.memory_space<vmem>>, vector<1x128xf32>
    %add3A_15 = vector.broadcast %get3A_14 : vector<1x128xf32> to vector<512x128xf32>
    %add3A_16 = arith.addf %mul3A, %add3A_15 : vector<512x128xf32>
    %swap3A = arith.constant 0 : index
    %swap3A_17 = arith.constant 0 : index
    %swap3A_18 = vector.load %arg6[%swap3A, %swap3A_17] : memref<512x128xf32, #tpu.memory_space<vmem>>, vector<512x128xf32>
    tpu.vector_store %arg6[%swap3A, %swap3A_17], %add3A_16 {strides = array<i32>} : memref<512x128xf32, #tpu.memory_space<vmem>>, vector<512x128xf32>,
    return
  }
  func.func @transform_0(%arg0: i32) -> (i32, i32) {
    %c0_i32 = arith.constant 0 : i32
    %c0_i32_0 = arith.constant 0 : i32
    return %arg0, %c0_i32 : i32, i32
  }
  func.func @transform_1(%arg0: i32) -> (i32, i32) {
    %c0_i32 = arith.constant 0 : i32
    %c0_i32_0 = arith.constant 0 : i32
    return %arg0, %c0_i32 : i32, i32
  }
  func.func @transform_2(%arg0: i32) -> (i32, i32) {
    %c0_i32 = arith.constant 0 : i32
    %c0_i32_0 = arith.constant 0 : i32
    return %arg0, %c0_i32 : i32, i32
  }
  func.func @transform_3(%arg0: i32) -> (i32, i32) {
    %c0_i32 = arith.constant 0 : i32
    %c0_i32_0 = arith.constant 0 : i32
    return %arg0, %c0_i32 : i32, i32
  }
  func.func @transform_4(%arg0: i32) -> (i32, i32) {
    %c0_i32 = arith.constant 0 : i32
    %c0_i32_0 = arith.constant 0 : i32
    %c0_i32_1 = arith.constant 0 : i32
    return %c0_i32, %c0_i32_0 : i32, i32
  }
  func.func @transform_5(%arg0: i32) -> (i32, i32) {
    %c0_i32 = arith.constant 0 : i32
    %c0_i32_0 = arith.constant 0 : i32
    return %arg0, %c0_i32 : i32, i32
  }
}

</mosaic_0001>

<sc_bundles>
// kernel: kernel.11.cloned.1.call-start
scs
__scs_entry_jumppad:
0x0: {  	(pc) =	sbr.rel $0x88, $3  }
0x1: {  	(tag) =	ssettag $0x0;
	lr =	simm.s32 $0x1  }
0x2: {  	[smem:$0x3F9B] =	sst lr;
	_ =	strace $0xD0000000  }
0x3: {  	_ = 	snop  }
0x4: {  	_ = 	snop  }
0x5: {  	_ = 	snop  }
0x6: {  	_ = 	snop  }
0x7: {  	_ = 	snop  }
__scs_overlays_trampoline_lowered:
0x8: {  	[smem:$0x3FAA] =	sst s0  }
0x9: {  	[smem:$0x3FAB] =	sst s1  }
0xa: {  	[smem:$0x3FAC] =	sst s2  }
0xb: {  	[smem:$0x3FAD] =	sst s3  }
0xc: {  	[smem:$0x3FAE] =	sst s4  }
0xd: {  	[smem:$0x3FAF] =	sst s5  }
0xe: {  	[smem:$0x3FB0] =	sst s6  }
0xf: {  	[smem:$0x3FB1] =	sst s7  }
0x10: {  	[smem:$0x3FB2] =	sst s8  }
0x11: {  	[smem:$0x3FB3] =	sst s9;
	s0 =	simm.s32 @!p0 $0x0  }
0x12: {  	s1 =	sld [smem:$0x3F99];
	s0 =	simm.s32 @p0 $0x1  }
0x13: {  	[smem:$0x3FB4] =	sst s0;
	s0 =	simm.s32 @!p1 $0x0  }
0x14: {  	s2 =	sld [smem:$0x3F98];
	s0 =	simm.s32 @p1 $0x1  }
0x15: {  	[smem:$0x3FB5] =	sst s0;
	s0 =	simm.s32 @!p2 $0x0  }
0x16: {  	s3 =	sld [smem:$0x3FDB];
	s0 =	simm.s32 @p2 $0x1  }
0x17: {  	s4 =	simm.s32 $0x1BF5;
	[smem:$0x3FB7] =	sst s0  }
0x18: {  	s0 =	sld [smem:$0x3F9A];
	_ =	swait.ge [sflag:s4], $0x0  }
0x19: {  	s7 =	sld [smem:$0x3F9B]  }
0x1a: {  	s8 =	sadd.s32 $0xFFFFE003, lr  }
0x1b: {  	s9 =	sadd.s32 $0xFFFFFEF7, lr;
	s5 =	simm.s32 $0xFFFFFFFF;
	p2 =	slt.u32 s8, $0xFFFFF086  }
0x1c: {  	p1 =	slt.u32 s9, $0xF7A;
	s5 =	simm.s32 @!p2 $0x0  }
0x1d: {  	s5 =	simm.s32 @p1 $0x1;
	p0 =	seq.s32 s7, s2  }
0x1e: {  	s7 =	smul.u32 @!p0 $0xF7A, s2;
	p2 =	seq.s32 @!p0 s5, $0x0  }
0x1f: {  	s9 =	smul.u32 $0xF7A, s1;
	s8 =	simm.s32 @!p0 $0x1BF5;
	p2 =	por !p2, p0  }
0x20: {  	[sflag:s8] =	ssyncset.s32 @!p0 $0xFFFFF086;
	s6 =	sadd.s32 @!p0 s3, s7;
	s7 =	simm.s32 @!p0 $0x108  }
0x21: {  	s3 =	sadd.s32 s3, s9;
	s6 =	sadd.s32 @!p0 $0x88, s6;
	s7 =	simm.s32 @p2 $0x1082  }
0x22: {  	[simem:s7], [sflag:s8] =	dma.local @!p0 [hbm:s6], $0xF7A  }
0x23: {  	s9 =	sor.u32 $0xD0000000, s2;
	s6 =	simm.s32 $0x108;
	_ =	swait.ge @!p0 [sflag:s8], $0x0  }
0x24: {  	s3 =	sadd.s32 $0x88, s3;
	s6 =	simm.s32 @!p1 $0x1082;
	[sflag:s4] =	ssyncset.s32 $0xFFFFF086  }
0x25: {  	[simem:s6], [sflag:s4] =	dma.local [hbm:s3], $0xF7A  }
0x26: {  	[smem:$0x3F9B] =	sst s1;
	(tag) =	ssettag s2;
	_ =	strace s9  }
0x27: {  	s1 =	sld [smem:$0x3FAB]  }
0x28: {  	s2 =	sld [smem:$0x3FAC]  }
0x29: {  	s4 =	sld [smem:$0x3FAE]  }
0x2a: {  	p0 =	seq.s32 s5, $0x0;
	s5 =	sld [smem:$0x3FAF]  }
0x2b: {  	s6 =	sld [smem:$0x3FB0]  }
0x2c: {  	s7 =	sld [smem:$0x3FB1]  }
0x2d: {  	s3 =	simm.s32 $0x108;
	s8 =	sld [smem:$0x3FB2]  }
0x2e: {  	s3 =	simm.s32 @!p0 $0x1082;
	s9 =	sld [smem:$0x3FB3]  }
0x2f: {  	lr =	sadd.s32 s0, s3;
	s0 =	sld [smem:$0x3FAA]  }
0x30: {  	s3 =	sld [smem:$0x3FAD]  }
0x31: {  	[smem:$0x3FB6] =	sst s10  }
0x32: {  	s10 =	sld [smem:$0x3FB4];
	_ =	sdelay $0x3  }
0x33: {  	p0 =	seq.s32 s10, $0x1;
	s10 =	sld [smem:$0x3FB6];
	_ =	sdelay $0x3  }
0x34: {  	[smem:$0x3FB6] =	sst s10  }
0x35: {  	s10 =	sld [smem:$0x3FB5];
	_ =	sdelay $0x3  }
0x36: {  	p1 =	seq.s32 s10, $0x1;
	s10 =	sld [smem:$0x3FB6];
	_ =	sdelay $0x3  }
0x37: {  	[smem:$0x3FB6] =	sst s10  }
0x38: {  	s10 =	sld [smem:$0x3FB7]  }
0x39: {  	_ = 	snop;
	(pc) =	sbr.ind lr, $3  }
0x3a: {  	_ = 	snop  }
0x3b: {  	_ = 	snop  }
0x3c: {  	p2 =	seq.s32 s10, $0x1;
	s10 =	sld [smem:$0x3FB6]  }
0x3d: {  	_ =	shalt  }
0x3e: {  	_ =	shalt  }
0x3f: {  	_ =	shalt  }
0x40: {  	_ =	shalt  }
0x41: {  	_ =	shalt  }
0x42: {  	_ =	shalt  }
0x43: {  	_ =	shalt  }
0x44: {  	_ =	shalt  }
0x45: {  	_ =	shalt  }
0x46: {  	_ =	shalt  }
0x47: {  	_ =	shalt  }
0x48: {  	_ =	shalt  }
0x49: {  	_ =	shalt  }
0x4a: {  	_ =	shalt  }
0x4b: {  	_ =	shalt  }
0x4c: {  	_ =	shalt  }
0x4d: {  	_ =	shalt  }
0x4e: {  	_ =	shalt  }
0x4f: {  	_ =	shalt  }
0x50: {  	_ =	shalt  }
0x51: {  	_ =	shalt  }
0x52: {  	_ =	shalt  }
0x53: {  	_ =	shalt  }
0x54: {  	_ =	shalt  }
0x55: {  	_ =	shalt  }
0x56: {  	_ =	shalt  }
0x57: {  	_ =	shalt  }
0x58: {  	_ =	shalt  }
0x59: {  	_ =	shalt  }
0x5a: {  	_ =	shalt  }
0x5b: {  	_ =	shalt  }
0x5c: {  	_ =	shalt  }
0x5d: {  	_ =	shalt  }
0x5e: {  	_ =	shalt  }
0x5f: {  	_ =	shalt  }
0x60: {  	_ =	shalt  }
0x61: {  	_ =	shalt  }
0x62: {  	_ =	shalt  }
0x63: {  	_ =	shalt  }
0x64: {  	_ =	shalt  }
0x65: {  	_ =	shalt  }
0x66: {  	_ =	shalt  }
0x67: {  	_ =	shalt  }
0x68: {  	_ =	shalt  }
0x69: {  	_ =	shalt  }
0x6a: {  	_ =	shalt  }
0x6b: {  	_ =	shalt  }
0x6c: {  	_ =	shalt  }
0x6d: {  	_ =	shalt  }
0x6e: {  	_ =	shalt  }
0x6f: {  	_ =	shalt  }
0x70: {  	_ =	shalt  }
0x71: {  	_ =	shalt  }
0x72: {  	_ =	shalt  }
0x73: {  	_ =	shalt  }
0x74: {  	_ =	shalt  }
0x75: {  	_ =	shalt  }
0x76: {  	_ =	shalt  }
0x77: {  	_ =	shalt  }
0x78: {  	_ =	shalt  }
0x79: {  	_ =	shalt  }
0x7a: {  	_ =	shalt  }
0x7b: {  	_ =	shalt  }
0x7c: {  	_ =	shalt  }
0x7d: {  	_ =	shalt  }
0x7e: {  	_ =	shalt  }
0x7f: {  	_ =	shalt  }
0x80: {  	_ =	shalt  }
0x81: {  	_ =	shalt  }
0x82: {  	_ =	shalt  }
0x83: {  	_ =	shalt  }
0x84: {  	_ =	shalt  }
0x85: {  	_ =	shalt  }
0x86: {  	_ =	shalt  }
0x87: {  	_ =	shalt  }
.Lfunc_end0:
.L_simem_size_0:
called_computation.1_lowered:
.L_overlay_start_0:
0x88: {  	s2 =	sld [smem:$0x3FD9]  }
0x89: {  	s3 =	sld [smem:$0x3FFE];
	_ =	sdelay $0x1  }
0x8a: {  	s1 =	srdreg.scid  }
0x8b: {  	s0 =	sand.u32 $0x1, s1  }
0x8c: {  	s17 =	sshll.u32 s0, $0xA;
	s2 =	sadd.s32 s3, s2  }
0x8d: {  	s2 =	sadd.s32 s2, s17  }
0x8e: {  	[smem:$0x3FC2] =	sst s2  }
0x8f: {  	_ = 	snop  }
0x90: {  	s2 =	sld [smem:$0x3FD0];
	(tm) =	ssettm $0x1  }
0x91: {  	s18 =	sld [smem:$0x3FFB];
	_ =	sdelay $0x3  }
0x92: {  	_ =	strace s18  }
0x93: {  	s3 =	sld [smem:$0x3FFC];
	_ =	sdelay $0x3  }
0x94: {  	_ =	strace s3  }
0x95: {  	s3 =	sld [smem:$0x3FFD];
	_ =	sdelay $0x3  }
0x96: {  	_ =	strace s3  }
0x97: {  	_ =	strace $0x8FFFFFFF  }
0x98: {  	s19 =	sld [smem:$0x3FDB];
	_ =	sdelay $0x1  }
0x99: {  	s4 =	simm.s32 $_scs_section_size  }
0x9a: {  	s5 =	simm.s32 $_size__tile_overlayer_lowered;
	s6 =	simm.s32 $_tile_overlayer_lowered  }
0x9b: {  	s22 =	simm.s32 $0x1BFF;
	s21 =	sshll.u32 s6, $0x1;
	s3 =	sadd.s32 s4, s19  }
0x9c: {  	s7 =	simm.s32 $0x0;
	s20 =	sshll.u32 s5, $0x1;
	s5 =	sadd.s32 s21, s3  }
0x9d: {  	[timem:s7], [sflag:s22] =	dma.local [hbm:s5], s20  }
0x9e: {  	_ =	swait.ge [sflag:s22], s20  }
0x9f: {  	s4 =	ssub.s32 $0x0, s20;
	[sflag:s22] =	ssyncset.done $0x0  }
0xa0: {  	[sflag:s22] =	ssyncadd.s32 s4;
	_ =	sdelay $0x1  }
0xa1: {  	s23 =	simm.s32 $0x1B8B  }
0xa2: {  	_ =	swait.ge [sflag:s23], $0x1  }
0xa3: {  	[sflag:s23] =	ssyncset.done $0x0  }
0xa4: {  	s25 =	simm.s32 $0x1B8E;
	s24 =	sld [smem:$0x3FFE];
	[sflag:s23] =	ssyncadd.s32 $0xFFFFFFFF  }
0xa5: {  	s26 =	simm.s32 $execute0_lowered;
	[smem:$0x3FD2] =	sst s25  }
0xa6: {  	s5 =	sshll.u32 s26, $0x1;
	_ =	strace $0x80000049;
	[dreg:$0x1] =	wrdreg $0xFFFFFFFF  }
0xa7: {  	s28 =	simm.s32 $_size_execute0_lowered;
	s3 =	sadd.s32 s3, s5;
	[dreg:$0x0] =	wrdreg $0x0  }
0xa8: {  	s5 =	sshll.u32 s28, $0x1;
	[dreg:$0x2] =	wrdreg s3  }
0xa9: {  	[dreg:$0x3] =	wrdreg s5  }
0xaa: {  	[dreg:$0x4] =	wrdreg $0xC0  }
0xab: {  	_ =	task [dreg:s7], $0x5FFFF  }
0xac: {  	[dreg:$0x1] =	wrdreg $0xFFFFFFFF  }
0xad: {  	[dreg:$0x0] =	wrdreg $0x60  }
0xae: {  	[dreg:$0x2] =	wrdreg s24  }
0xaf: {  	[dreg:$0x3] =	wrdreg s2  }
0xb0: {  	[dreg:$0x4] =	wrdreg $0x8C000  }
0xb1: {  	[dreg:$0x5] =	wrdreg $0x9  }
0xb2: {  	_ =	task.clear_ibuf [dreg:s7], $0x6FFFF;
	_ =	strace $0x90000049  }
0xb3: {  	s29 =	simm.s32 $0x9;
	_ =	strace $0x8000004B  }
0xb4: {  	_ =	swait.ge [sflag:s29], $0x1  }
0xb5: {  	[sflag:s29] =	ssyncadd.s32 $0xFFFFFFFF  }
0xb6: {  	_ =	strace $0x9000004B  }
0xb7: {  	_ =	sfence  }
0xb8: {  	s30 =	sld [smem:$0x0];
	_ =	sdelay $0x2  }
0xb9: {  	s31 =	sshll.u32 s1, $0xD;
	s1 =	sshrl.u32 s1, $0x2  }
0xba: {  	s3 =	sand.u32 $0x4000, s31;
	s1 =	sadd.s32 s1, s30  }
0xbb: {  	s0 =	sor.u32 s3, s0;
	s1 =	sshll.u32 s1, $0x11  }
0xbc: {  	s0 =	sor.u32 s1, s0  }
0xbd: {  	s0 =	sadd.s32 $0x8F2B, s0  }
0xbe: {  	[sflag:s0] =	ssyncadd.remote.s32 $0x1  }
0xbf: {  	_ =	sfence.sel $0xFFFF  }
0xc0: {  	[dreg:$0x0] =	wrdreg $0xFFFFFFFF;
	(pc) =	sbr.abs _section_cstart, $3  }
0xc1: {  	[dreg:$0x1] =	wrdreg $0xFFFFFFFF  }
0xc2: {  	_ =	task.clear_ibuf [dreg:s7], $0x2FFFF;
	_ =	strace $0x9FFFFFFF  }
0xc3: {  	(tm) =	ssettm $0x7FFFFFFF  }
tec
execute0_lowered:
.L_overlay_start_1:
0x0: {  	(tag) =	ssettag $0x1  }
0x1: {  	s0 =	rddreg [dreg:$0x0]  }
0x2: {  	s1 =	rddreg [dreg:$0x1]  }
0x3: {  	s2 =	rddreg [dreg:$0x2];
	s3 =	srdreg.scid  }
0x4: {  	s4 =	simm.s32 $0x0;
	s12 =	stileid.u32;
	s28 =	simm.s32 $0x400  }
0x5: {  	s29 =	simm.s32 $0x3;
	s30 =	simm.s32 $0x2;
	s7 =	smul.u32 $0x14000, s12  }
0x6: {  	s31 =	simm.s32 $0x180;
	s3 =	sand.u32 $0x1, s3;
	s10 =	smul.u32 $0x50000, s12  }
0x7: {  	[smem:$0x7FF] =	sst s4;
	s8 =	sshll.u32 s12, $0x1;
	s21 =	smul.u32 $0x5000, s12  }
0x8: {  	s5 =	sadd.s32 $0xD400, s0;
	s12 =	simm.s32 $0x0;
	s6 =	smul.u32 $0x140000, s3  }
0x9: {  	_ =	strace $0x8000004A;
	s13 =	sor.u32 s3, s8;
	s9 =	ssub.s32 $0x2, s3  }
0xa: {  	s3 =	smul.u32 $0x2800, s3;
	s15 =	sshrl.u32 s9, $0x1;
	s19 =	sshrl.u32 s10, $0x2  }
0xb: {  	s10 =	simm.s32 $0x6;
	s6 =	sadd.s32 s7, s6;
	s7 =	smul.u32 $0x2800, s13  }
0xc: {  	s8 =	ssub.s32 s9, s15;
	s3 =	sadd.s32 s3, s21;
	s14 =	sshrl.u32 s6, $0x3  }
0xd: {  	s6 =	sadd.s32 $0x3400, s0;
	s22 =	smax.u32 s8, $0x1;
	s26 =	sor.u32 $0x280, s3  }
0xe: {  	s3 =	sor.u32 $0x200, s3;
	s8 =	simm.s32 $0x1;
	s0 =	sadd.s32 s14, s0  }
0xf: {  	s16 =	sshrl.u32 s7, $0x3;
	s20 =	sor.u32 $0x100, s7;
	s7 =	sor.u32 $0x180, s7  }
0x10: {  	[dreg:$0x9] =	wrdreg s22;
	s22 =	simm.s32 $0x300;
	s11 =	sadd.s32 s1, s16  }
0x11: {  	s17 =	sadd.s32 s6, s16;
	s9 =	sor.u32 $0x10, s16;
	[dreg:$0x4] =	wrdreg s11  }
0x12: {  	s0 =	sadd.s32 $0x5D400, s0;
	s25 =	sshrl.u32 s7, $0x3;
	[dreg:$0x5] =	wrdreg s17  }
0x13: {  	s18 =	sadd.s32 s1, s9;
	s9 =	sadd.s32 s6, s9;
	[dreg:$0x8] =	wrdreg s0  }
0x14: {  	s11 =	sadd.s32 s19, s2;
	s7 =	sadd.s32 s1, s25;
	[dreg:$0x6] =	wrdreg s18  }
0x15: {  	s0 =	sadd.s32 s6, s25;
	s19 =	sshrl.u32 s3, $0x3;
	[dreg:$0x7] =	wrdreg s9  }
0x16: {  	s17 =	simm.s32 $0x200;
	s25 =	simm.s32 $0x80;
	[dreg:$0xc] =	wrdreg s7  }
0x17: {  	s3 =	simm.s32 $0x4400;
	s9 =	sshrl.u32 s20, $0x3;
	[dreg:$0xd] =	wrdreg s0  }
0x18: {  	s18 =	sshrl.u32 s26, $0x3;
	s20 =	simm.s32 $0x100;
	s26 =	simm.s32 $0x280  }
0x19: {  	s0 =	simm.s32 $0x380;
	s7 =	simm.s32 $0x4;
	s23 =	sadd.s32 s1, s9  }
0x1a: {  	s24 =	sadd.s32 s6, s9;
	s9 =	simm.s32 $0x5;
	[dreg:$0xa] =	wrdreg s23  }
0x1b: {  	v0 =	vimm.f32 $0.0e+00;
	[dreg:$0xb] =	wrdreg s24;
	s23 =	simm.s32 $0x8400;
	s24 =	simm.s32 $0x7  }
.LBB2_1:
0x1c: {  	s13 =	rddreg [dreg:$0x4]  }
0x1d: {  	[tilespmem:s4], [sflag:$0x1] =	stream.linear.gather [hbm4b:s13+s4], $0x80, $0x38;
	[tilespmem:$0x1CC00] =	vst v63  }
0x1e: {  	s15 =	rddreg [dreg:$0x5]  }
0x1f: {  	[tilespmem:s17], [sflag:$0x1] =	stream.linear.gather [hbm4b:s15+s4], $0x80, $0x38;
	[tilespmem:$0x1CC00] =	vst v63  }
0x20: {  	s16 =	rddreg [dreg:$0x6]  }
0x21: {  	[tilespmem:s20], [sflag:$0x2] =	stream.linear.gather [hbm4b:s16+s4], $0x80, $0x38;
	[tilespmem:$0x1CC00] =	vst v63  }
0x22: {  	s21 =	rddreg [dreg:$0x7];
	s14 =	simm.s32 $0x0;
	s13 =	simm.s32 $0x0  }
0x23: {  	[tilespmem:s22], [sflag:$0x2] =	stream.linear.gather [hbm4b:s21+s4], $0x80, $0x38;
	[tilespmem:$0x1CC00] =	vst v63  }
.LBB2_2:
0x24: {  	p0 =	sne.s32 s14, $0x1FC0  }
.Ltmp0:
0x25: {  	_ = 	snop;
	(pc) =	sbr.rel @p0 .LBB2_2-.Ltmp0, $4  }
0x26: {  	s15 =	sand.u32 $0x1E00, s14  }
0x27: {  	s16 =	sand.u32 $0x70, s13;
	s15 =	sshrl.u32 s15, $0x2  }
0x28: {  	s15 =	sor.u32 s16, s15  }
0x29: {  	s13 =	sadd.s32 $0x10, s13;
	s14 =	sadd.s32 $0x40, s14;
	[tilespmem:s15+$0x8400] =	vst v0  }
0x2a: {  	s13 =	sadd.s32 $0x0, s11  }
0x2b: {  	[spmem:s13] =	stream.linear.scatter [tilespmem:s23], [sflag:$0x7], $0x800, $0x38;
	[tilespmem:$0x1CC00] =	vst v63  }
0x2c: {  	s13 =	simm.s32 $0x2000;
	_ =	swait.ge [sflag:s24], $0x800  }
.LBB2_4:
0x2d: {  	s14 =	sshra.s32 s13, $0x2;
	[sflag:s24] =	ssyncset.done $0x0;
	p0 =	sne.s32 s13, $0x4E000  }
.Ltmp1:
0x2e: {  	s14 =	sadd.s32 s14, s11;
	[sflag:s24] =	ssyncadd.s32 $0xFFFFF800;
	(pc) =	sbr.rel @p0 .LBB2_4-.Ltmp1, $3  }
0x2f: {  	[spmem:s14] =	stream.linear.scatter [tilespmem:s23], [sflag:$0x7], $0x800, $0x38;
	[tilespmem:$0x1CC00] =	vst v63  }
0x30: {  	s13 =	sadd.s32 $0x2000, s13;
	_ =	sdelay $0x1  }
0x31: {  	_ =	swait.ge [sflag:s24], $0x800  }
0x32: {  	[sflag:s24] =	ssyncset.done $0x0  }
0x33: {  	[sflag:s24] =	ssyncadd.s32 $0xFFFFF800  }
0x34: {  	s13 =	simm.s32 $0x1;
	[bflag:$0x0] =	sbarrier.arrive $0xFFFF  }
0x35: {  	_ =	swait.ge [sflag:s13], $0x80  }
0x36: {  	[sflag:s13] =	ssyncset.done $0x0  }
0x37: {  	[sflag:s13] =	ssyncadd.s32 $0xFFFFFF80  }
0x38: {  	_ =	swait.ge [sflag:s13], $0x80  }
0x39: {  	[sflag:s13] =	ssyncset.done $0x0  }
0x3a: {  	s21 =	rddreg [dreg:$0xa];
	[sflag:s13] =	ssyncadd.s32 $0xFFFFFF80  }
0x3b: {  	[tilespmem:s25], [sflag:$0x1] =	stream.linear.gather [hbm4b:s21+s4], $0x80, $0x38;
	[tilespmem:$0x1CC00] =	vst v63  }
0x3c: {  	s14 =	rddreg [dreg:$0xb]  }
0x3d: {  	[tilespmem:s26], [sflag:$0x1] =	stream.linear.gather [hbm4b:s14+s4], $0x80, $0x38;
	[tilespmem:$0x1CC00] =	vst v63  }
0x3e: {  	_ = 	snop  }
0x3f: {  	[tilespmem:s28], [sflag:$0x3] =	stream.indirect.gather [hbm4b:s5+s25], $0x80, s4, s25, $0xb8;
	[tilespmem:$0x1CC00] =	vst v63  }
0x40: {  	_ =	swait.ge [sflag:s29], $0x4000  }
0x41: {  	[sflag:s29] =	ssyncset.done $0x0  }
0x42: {  	[sflag:s29] =	ssyncadd.s32 $0xFFFFC000  }
0x43: {  	[spmem:s2] =	stream.indirect.scatter.add.f32 [tilespmem:s28], [sflag:$0x5], $0x80, s17, s25, $0xb8;
	[tilespmem:$0x1CC00] =	vst v63  }
0x44: {  	_ =	swait.ge [sflag:s30], $0x80  }
0x45: {  	[sflag:s30] =	ssyncset.done $0x0  }
0x46: {  	[sflag:s30] =	ssyncadd.s32 $0xFFFFFF80  }
0x47: {  	_ =	swait.ge [sflag:s30], $0x80  }
0x48: {  	[sflag:s30] =	ssyncset.done $0x0  }
0x49: {  	s15 =	rddreg [dreg:$0xc];
	[sflag:s30] =	ssyncadd.s32 $0xFFFFFF80  }
0x4a: {  	[tilespmem:s31], [sflag:$0x2] =	stream.linear.gather [hbm4b:s15+s4], $0x80, $0x38;
	[tilespmem:$0x1CC00] =	vst v63  }
0x4b: {  	s16 =	rddreg [dreg:$0xd]  }
0x4c: {  	[tilespmem:s0], [sflag:$0x2] =	stream.linear.gather [hbm4b:s16+s4], $0x80, $0x38;
	[tilespmem:$0x1CC00] =	vst v63  }
0x4d: {  	_ = 	snop  }
0x4e: {  	[tilespmem:s3], [sflag:$0x4] =	stream.indirect.gather [hbm4b:s5+s25], $0x80, s20, s25, $0xb8;
	[tilespmem:$0x1CC00] =	vst v63  }
0x4f: {  	_ =	swait.ge [sflag:s7], $0x4000  }
0x50: {  	[sflag:s7] =	ssyncset.done $0x0  }
0x51: {  	[sflag:s7] =	ssyncadd.s32 $0xFFFFC000  }
0x52: {  	[spmem:s2] =	stream.indirect.scatter.add.f32 [tilespmem:s3], [sflag:$0x6], $0x80, s22, s25, $0xb8;
	[tilespmem:$0x1CC00] =	vst v63  }
0x53: {  	_ =	swait.ge [sflag:s8], $0x80  }
0x54: {  	[sflag:s8] =	ssyncset.done $0x0  }
0x55: {  	[sflag:s8] =	ssyncadd.s32 $0xFFFFFF80  }
0x56: {  	_ =	swait.ge [sflag:s8], $0x80  }
0x57: {  	[sflag:s8] =	ssyncset.done $0x0  }
0x58: {  	[sflag:s8] =	ssyncadd.s32 $0xFFFFFF80  }
0x59: {  	s17 =	simm.s32 $0x80;
	_ =	swait.ge [sflag:s9], $0x4000  }
0x5a: {  	s15 =	sand.u32 $0x80, s17;
	[sflag:s9] =	ssyncset.done $0x0  }
0x5b: {  	s14 =	sadd.s32 s1, s19;
	s13 =	sxor.u32 $0x80, s15;
	[sflag:s9] =	ssyncadd.s32 $0xFFFFC000  }
0x5c: {  	[tilespmem:s13], [sflag:$0x1] =	stream.linear.gather [hbm4b:s14+s4], $0x80, $0x38;
	[tilespmem:$0x1CC00] =	vst v63  }
0x5d: {  	s16 =	sadd.s32 s6, s19;
	s20 =	sor.u32 $0x200, s13  }
0x5e: {  	[tilespmem:s20], [sflag:$0x1] =	stream.linear.gather [hbm4b:s16+s4], $0x80, $0x38;
	[tilespmem:$0x1CC00] =	vst v63  }
0x5f: {  	_ = 	snop  }
0x60: {  	[tilespmem:s28], [sflag:$0x3] =	stream.indirect.gather [hbm4b:s5+s25], $0x80, s15, s25, $0xb8;
	[tilespmem:$0x1CC00] =	vst v63  }
0x61: {  	_ =	swait.ge [sflag:s29], $0x4000  }
0x62: {  	[sflag:s29] =	ssyncset.done $0x0  }
0x63: {  	s21 =	sor.u32 $0x200, s15;
	[sflag:s29] =	ssyncadd.s32 $0xFFFFC000  }
0x64: {  	[spmem:s2] =	stream.indirect.scatter.add.f32 [tilespmem:s28], [sflag:$0x5], $0x80, s21, s25, $0xb8;
	[tilespmem:$0x1CC00] =	vst v63  }
0x65: {  	_ =	swait.ge [sflag:s30], $0x80  }
0x66: {  	[sflag:s30] =	ssyncset.done $0x0  }
0x67: {  	[sflag:s30] =	ssyncadd.s32 $0xFFFFFF80  }
0x68: {  	_ =	swait.ge [sflag:s30], $0x80  }
0x69: {  	[sflag:s30] =	ssyncset.done $0x0  }
0x6a: {  	[sflag:s30] =	ssyncadd.s32 $0xFFFFFF80  }
0x6b: {  	_ =	swait.ge [sflag:s10], $0x4000  }
0x6c: {  	[sflag:s10] =	ssyncset.done $0x0  }
0x6d: {  	s17 =	sadd.s32 s1, s18;
	s16 =	sor.u32 $0x100, s13;
	[sflag:s10] =	ssyncadd.s32 $0xFFFFC000  }
0x6e: {  	[tilespmem:s16], [sflag:$0x2] =	stream.linear.gather [hbm4b:s17+s4], $0x80, $0x38;
	[tilespmem:$0x1CC00] =	vst v63  }
0x6f: {  	s13 =	sor.u32 $0x300, s13;
	s20 =	sadd.s32 s6, s18  }
0x70: {  	[tilespmem:s13], [sflag:$0x2] =	stream.linear.gather [hbm4b:s20+s4], $0x80, $0x38;
	[tilespmem:$0x1CC00] =	vst v63  }
0x71: {  	s21 =	sor.u32 $0x100, s15  }
0x72: {  	[tilespmem:s3], [sflag:$0x4] =	stream.indirect.gather [hbm4b:s5+s25], $0x80, s21, s25, $0xb8;
	[tilespmem:$0x1CC00] =	vst v63  }
0x73: {  	_ =	swait.ge [sflag:s7], $0x4000  }
0x74: {  	s14 =	sadd.s32 $0x20, s1;
	s16 =	sor.u32 $0x300, s15;
	[sflag:s7] =	ssyncset.done $0x0  }
0x75: {  	s15 =	sadd.s32 $0x20, s6;
	s13 =	simm.s32 $0x2;
	[sflag:s7] =	ssyncadd.s32 $0xFFFFC000  }
.LBB2_6:
0x76: {  	[spmem:s2] =	stream.indirect.scatter.add.f32 [tilespmem:s3], [sflag:$0x6], $0x80, s16, s25, $0xb8;
	[tilespmem:$0x1CC00] =	vst v63  }
0x77: {  	s16 =	smov.u32 s13  }
0x78: {  	p0 =	sne.s32 s13, $0x26;
	s13 =	sadd.s32 $0x1, s13;
	_ =	swait.ge [sflag:s8], $0x80  }
0x79: {  	[sflag:s8] =	ssyncset.done $0x0  }
0x7a: {  	[sflag:s8] =	ssyncadd.s32 $0xFFFFFF80  }
0x7b: {  	_ =	swait.ge [sflag:s8], $0x80  }
0x7c: {  	[sflag:s8] =	ssyncset.done $0x0  }
0x7d: {  	[sflag:s8] =	ssyncadd.s32 $0xFFFFFF80  }
0x7e: {  	s16 =	sshll.u32 s16, $0x7;
	_ =	swait.ge [sflag:s9], $0x4000  }
0x7f: {  	s16 =	sand.u32 $0x80, s16;
	[sflag:s9] =	ssyncset.done $0x0  }
0x80: {  	s21 =	sadd.s32 s14, s19;
	s20 =	sxor.u32 $0x80, s16;
	[sflag:s9] =	ssyncadd.s32 $0xFFFFC000  }
0x81: {  	[tilespmem:s20], [sflag:$0x1] =	stream.linear.gather [hbm4b:s21+s4], $0x80, $0x38;
	[tilespmem:$0x1CC00] =	vst v63  }
0x82: {  	s17 =	sadd.s32 s15, s19;
	s21 =	sor.u32 $0x200, s20  }
0x83: {  	[tilespmem:s21], [sflag:$0x1] =	stream.linear.gather [hbm4b:s17+s4], $0x80, $0x38;
	[tilespmem:$0x1CC00] =	vst v63  }
0x84: {  	_ = 	snop  }
0x85: {  	[tilespmem:s28], [sflag:$0x3] =	stream.indirect.gather [hbm4b:s5+s25], $0x80, s16, s25, $0xb8;
	[tilespmem:$0x1CC00] =	vst v63  }
0x86: {  	_ =	swait.ge [sflag:s29], $0x4000  }
0x87: {  	[sflag:s29] =	ssyncset.done $0x0  }
0x88: {  	s17 =	sor.u32 $0x200, s16;
	[sflag:s29] =	ssyncadd.s32 $0xFFFFC000  }
0x89: {  	[spmem:s2] =	stream.indirect.scatter.add.f32 [tilespmem:s28], [sflag:$0x5], $0x80, s17, s25, $0xb8;
	[tilespmem:$0x1CC00] =	vst v63  }
0x8a: {  	_ =	swait.ge [sflag:s30], $0x80  }
0x8b: {  	[sflag:s30] =	ssyncset.done $0x0  }
0x8c: {  	[sflag:s30] =	ssyncadd.s32 $0xFFFFFF80  }
0x8d: {  	_ =	swait.ge [sflag:s30], $0x80  }
0x8e: {  	[sflag:s30] =	ssyncset.done $0x0  }
0x8f: {  	[sflag:s30] =	ssyncadd.s32 $0xFFFFFF80  }
0x90: {  	_ =	swait.ge [sflag:s10], $0x4000  }
0x91: {  	[sflag:s10] =	ssyncset.done $0x0  }
0x92: {  	s21 =	sadd.s32 s14, s18;
	s17 =	sor.u32 $0x100, s20;
	[sflag:s10] =	ssyncadd.s32 $0xFFFFC000  }
0x93: {  	[tilespmem:s17], [sflag:$0x2] =	stream.linear.gather [hbm4b:s21+s4], $0x80, $0x38;
	[tilespmem:$0x1CC00] =	vst v63  }
0x94: {  	s17 =	sor.u32 $0x300, s20;
	s20 =	sadd.s32 s15, s18  }
0x95: {  	[tilespmem:s17], [sflag:$0x2] =	stream.linear.gather [hbm4b:s20+s4], $0x80, $0x38;
	[tilespmem:$0x1CC00] =	vst v63  }
.Ltmp2:
0x96: {  	s17 =	sor.u32 $0x100, s16;
	(pc) =	sbr.rel @p0 .LBB2_6-.Ltmp2, $4  }
0x97: {  	[tilespmem:s3], [sflag:$0x4] =	stream.indirect.gather [hbm4b:s5+s25], $0x80, s17, s25, $0xb8;
	[tilespmem:$0x1CC00] =	vst v63  }
0x98: {  	_ =	swait.ge [sflag:s7], $0x4000  }
0x99: {  	s14 =	sadd.s32 $0x20, s14;
	[sflag:s7] =	ssyncset.done $0x0  }
0x9a: {  	s15 =	sadd.s32 $0x20, s15;
	s16 =	sor.u32 $0x300, s16;
	[sflag:s7] =	ssyncadd.s32 $0xFFFFC000  }
0x9b: {  	[spmem:s2] =	stream.indirect.scatter.add.f32 [tilespmem:s3], [sflag:$0x6], $0x80, s16, s25, $0xb8;
	[tilespmem:$0x1CC00] =	vst v63  }
0x9c: {  	_ =	swait.ge [sflag:s8], $0x80  }
0x9d: {  	[sflag:s8] =	ssyncset.done $0x0  }
0x9e: {  	[sflag:s8] =	ssyncadd.s32 $0xFFFFFF80  }
0x9f: {  	_ =	swait.ge [sflag:s8], $0x80  }
0xa0: {  	[sflag:s8] =	ssyncset.done $0x0  }
0xa1: {  	[sflag:s8] =	ssyncadd.s32 $0xFFFFFF80  }
0xa2: {  	_ =	swait.ge [sflag:s9], $0x4000  }
0xa3: {  	[sflag:s9] =	ssyncset.done $0x0  }
0xa4: {  	[sflag:s9] =	ssyncadd.s32 $0xFFFFC000  }
0xa5: {  	[tilespmem:s28], [sflag:$0x3] =	stream.indirect.gather [hbm4b:s5+s25], $0x80, s25, s25, $0xb8;
	[tilespmem:$0x1CC00] =	vst v63  }
0xa6: {  	_ =	swait.ge [sflag:s29], $0x4000  }
0xa7: {  	[sflag:s29] =	ssyncset.done $0x0  }
0xa8: {  	[sflag:s29] =	ssyncadd.s32 $0xFFFFC000  }
0xa9: {  	[spmem:s2] =	stream.indirect.scatter.add.f32 [tilespmem:s28], [sflag:$0x5], $0x80, s26, s25, $0xb8;
	[tilespmem:$0x1CC00] =	vst v63  }
0xaa: {  	_ =	swait.ge [sflag:s30], $0x80  }
0xab: {  	[sflag:s30] =	ssyncset.done $0x0  }
0xac: {  	[sflag:s30] =	ssyncadd.s32 $0xFFFFFF80  }
0xad: {  	_ =	swait.ge [sflag:s30], $0x80  }
0xae: {  	[sflag:s30] =	ssyncset.done $0x0  }
0xaf: {  	[sflag:s30] =	ssyncadd.s32 $0xFFFFFF80  }
0xb0: {  	_ =	swait.ge [sflag:s10], $0x4000  }
0xb1: {  	[sflag:s10] =	ssyncset.done $0x0  }
0xb2: {  	[sflag:s10] =	ssyncadd.s32 $0xFFFFC000  }
0xb3: {  	[tilespmem:s3], [sflag:$0x4] =	stream.indirect.gather [hbm4b:s5+s25], $0x80, s31, s25, $0xb8;
	[tilespmem:$0x1CC00] =	vst v63  }
0xb4: {  	_ =	swait.ge [sflag:s7], $0x4000  }
0xb5: {  	[sflag:s7] =	ssyncset.done $0x0  }
0xb6: {  	[sflag:s7] =	ssyncadd.s32 $0xFFFFC000  }
0xb7: {  	[spmem:s2] =	stream.indirect.scatter.add.f32 [tilespmem:s3], [sflag:$0x6], $0x80, s0, s25, $0xb8;
	[tilespmem:$0x1CC00] =	vst v63  }
0xb8: {  	_ =	swait.ge [sflag:s9], $0x4000  }
0xb9: {  	[sflag:s9] =	ssyncset.done $0x0  }
0xba: {  	[sflag:s9] =	ssyncadd.s32 $0xFFFFC000  }
0xbb: {  	_ =	swait.ge [sflag:s10], $0x4000  }
0xbc: {  	[sflag:s10] =	ssyncset.done $0x0  }
0xbd: {  	s13 =	stileid.u32;
	[sflag:s10] =	ssyncadd.s32 $0xFFFFC000  }
0xbe: {  	s13 =	sshll.u32 s13, $0x6;
	[bflag:$0x0] =	sbarrier.arrive $0xFFFF  }
0xbf: {  	s14 =	sshrl.u32 s11, $0x3;
	s13 =	sor.u32 $0x1C07, s13;
	s15 =	rddreg [dreg:$0x8]  }
0xc0: {  	[hbm:s15], [sflag:s13] =	dma.local [spmem:s14], $0x2800  }
0xc1: {  	_ =	swait.ge [sflag:s24], $0x2800  }
0xc2: {  	s12 =	sadd.s32 $0x1, s12;
	s21 =	rddreg [dreg:$0x9]  }
0xc3: {  	p0 =	sne.s32 s12, s21  }
.Ltmp3:
0xc4: {  	_ = 	snop;
	(pc) =	sbr.rel @p0 .LBB2_1-.Ltmp3, $3  }
0xc5: {  	_ =	sdelay $0x1  }
0xc6: {  	[sflag:s24] =	ssyncset.done $0x0  }
0xc7: {  	s17 =	simm.s32 $0x200;
	s20 =	simm.s32 $0x100;
	[sflag:s24] =	ssyncadd.s32 $0xFFFFD800  }
0xc8: {  	_ =	sfence.sel $0x180000  }
0xc9: {  	[bflag:$0x0] =	sbarrier.arrive $0xFFFF  }
0xca: {  	_ =	strace $0x9000004A  }
0xcb: {  	s0 =	stileid.u32;
	[bflag:$0x2] =	sbarrier.arrive $0xFFFF  }
0xcc: {  	p0 =	sne.s32 s0, $0x0;
	s0 =	rddreg [dreg:$0x3]  }
0xcd: {  	s0 =	sadd.s32 @!p0 $0x100000, s0  }
0xce: {  	[sflag:s0] =	ssyncadd.tile.s32 @!p0 $0x1;
	_ =	shalt  }
.Lfunc_end2:
_tile_overlayer_lowered:
.L_overlay_start_2:
0xcf: {  	(tag) =	ssettag $0x2  }
0xd0: {  	s0 =	rddreg [dreg:$0x0];
	s2 =	stileid.u32  }
0xd1: {  	s1 =	rddreg [dreg:$0x1];
	p0 =	sne.s32 s2, $0x0  }
0xd2: {  	s3 =	rddreg [dreg:$0x2];
	[bflag:$0x3] =	sbarrier.arrive $0xFFFF;
	s2 =	simm.s32 @!p0 $0x1C07  }
0xd3: {  	[timem:s3], [sflag:s2] =	dma.local @!p0 [hbm:s0], s1  }
0xd4: {  	s0 =	simm.s32 @!p0 $0x7  }
0xd5: {  	_ =	swait.ge @!p0 [sflag:s0], s1  }
0xd6: {  	s1 =	ssub.s32 @!p0 $0x0, s1;
	[sflag:s0] =	ssyncset.done @!p0 $0x0  }
0xd7: {  	[sflag:s0] =	ssyncadd.s32 @!p0 s1  }
0xd8: {  	[bflag:$0x3] =	sbarrier.arrive $0xFFFF  }
0xd9: {  	_ =	shalt  }

// kernel: kernel.14.cloned.1.call-start
scs
__scs_entry_jumppad:
0x0: {  	(pc) =	sbr.rel $0x88, $3  }
0x1: {  	(tag) =	ssettag $0x0;
	lr =	simm.s32 $0x1  }
0x2: {  	[smem:$0x3F9B] =	sst lr;
	_ =	strace $0xD0000000  }
0x3: {  	_ = 	snop  }
0x4: {  	_ = 	snop  }
0x5: {  	_ = 	snop  }
0x6: {  	_ = 	snop  }
0x7: {  	_ = 	snop  }
__scs_overlays_trampoline_lowered:
0x8: {  	[smem:$0x3FAA] =	sst s0  }
0x9: {  	[smem:$0x3FAB] =	sst s1  }
0xa: {  	[smem:$0x3FAC] =	sst s2  }
0xb: {  	[smem:$0x3FAD] =	sst s3  }
0xc: {  	[smem:$0x3FAE] =	sst s4  }
0xd: {  	[smem:$0x3FAF] =	sst s5  }
0xe: {  	[smem:$0x3FB0] =	sst s6  }
0xf: {  	[smem:$0x3FB1] =	sst s7  }
0x10: {  	[smem:$0x3FB2] =	sst s8  }
0x11: {  	[smem:$0x3FB3] =	sst s9;
	s0 =	simm.s32 @!p0 $0x0  }
0x12: {  	s1 =	sld [smem:$0x3F99];
	s0 =	simm.s32 @p0 $0x1  }
0x13: {  	[smem:$0x3FB4] =	sst s0;
	s0 =	simm.s32 @!p1 $0x0  }
0x14: {  	s2 =	sld [smem:$0x3F98];
	s0 =	simm.s32 @p1 $0x1  }
0x15: {  	[smem:$0x3FB5] =	sst s0;
	s0 =	simm.s32 @!p2 $0x0  }
0x16: {  	s3 =	sld [smem:$0x3FDB];
	s0 =	simm.s32 @p2 $0x1  }
0x17: {  	s4 =	simm.s32 $0x1BF5;
	[smem:$0x3FB7] =	sst s0  }
0x18: {  	s0 =	sld [smem:$0x3F9A];
	_ =	swait.ge [sflag:s4], $0x0  }
0x19: {  	s7 =	sld [smem:$0x3F9B]  }
0x1a: {  	s8 =	sadd.s32 $0xFFFFE003, lr  }
0x1b: {  	s9 =	sadd.s32 $0xFFFFFEF7, lr;
	s5 =	simm.s32 $0xFFFFFFFF;
	p2 =	slt.u32 s8, $0xFFFFF086  }
0x1c: {  	p1 =	slt.u32 s9, $0xF7A;
	s5 =	simm.s32 @!p2 $0x0  }
0x1d: {  	s5 =	simm.s32 @p1 $0x1;
	p0 =	seq.s32 s7, s2  }
0x1e: {  	s7 =	smul.u32 @!p0 $0xF7A, s2;
	p2 =	seq.s32 @!p0 s5, $0x0  }
0x1f: {  	s9 =	smul.u32 $0xF7A, s1;
	s8 =	simm.s32 @!p0 $0x1BF5;
	p2 =	por !p2, p0  }
0x20: {  	[sflag:s8] =	ssyncset.s32 @!p0 $0xFFFFF086;
	s6 =	sadd.s32 @!p0 s3, s7;
	s7 =	simm.s32 @!p0 $0x108  }
0x21: {  	s3 =	sadd.s32 s3, s9;
	s6 =	sadd.s32 @!p0 $0x88, s6;
	s7 =	simm.s32 @p2 $0x1082  }
0x22: {  	[simem:s7], [sflag:s8] =	dma.local @!p0 [hbm:s6], $0xF7A  }
0x23: {  	s9 =	sor.u32 $0xD0000000, s2;
	s6 =	simm.s32 $0x108;
	_ =	swait.ge @!p0 [sflag:s8], $0x0  }
0x24: {  	s3 =	sadd.s32 $0x88, s3;
	s6 =	simm.s32 @!p1 $0x1082;
	[sflag:s4] =	ssyncset.s32 $0xFFFFF086  }
0x25: {  	[simem:s6], [sflag:s4] =	dma.local [hbm:s3], $0xF7A  }
0x26: {  	[smem:$0x3F9B] =	sst s1;
	(tag) =	ssettag s2;
	_ =	strace s9  }
0x27: {  	s1 =	sld [smem:$0x3FAB]  }
0x28: {  	s2 =	sld [smem:$0x3FAC]  }
0x29: {  	s4 =	sld [smem:$0x3FAE]  }
0x2a: {  	p0 =	seq.s32 s5, $0x0;
	s5 =	sld [smem:$0x3FAF]  }
0x2b: {  	s6 =	sld [smem:$0x3FB0]  }
0x2c: {  	s7 =	sld [smem:$0x3FB1]  }
0x2d: {  	s3 =	simm.s32 $0x108;
	s8 =	sld [smem:$0x3FB2]  }
0x2e: {  	s3 =	simm.s32 @!p0 $0x1082;
	s9 =	sld [smem:$0x3FB3]  }
0x2f: {  	lr =	sadd.s32 s0, s3;
	s0 =	sld [smem:$0x3FAA]  }
0x30: {  	s3 =	sld [smem:$0x3FAD]  }
0x31: {  	[smem:$0x3FB6] =	sst s10  }
0x32: {  	s10 =	sld [smem:$0x3FB4];
	_ =	sdelay $0x3  }
0x33: {  	p0 =	seq.s32 s10, $0x1;
	s10 =	sld [smem:$0x3FB6];
	_ =	sdelay $0x3  }
0x34: {  	[smem:$0x3FB6] =	sst s10  }
0x35: {  	s10 =	sld [smem:$0x3FB5];
	_ =	sdelay $0x3  }
0x36: {  	p1 =	seq.s32 s10, $0x1;
	s10 =	sld [smem:$0x3FB6];
	_ =	sdelay $0x3  }
0x37: {  	[smem:$0x3FB6] =	sst s10  }
0x38: {  	s10 =	sld [smem:$0x3FB7]  }
0x39: {  	_ = 	snop;
	(pc) =	sbr.ind lr, $3  }
0x3a: {  	_ = 	snop  }
0x3b: {  	_ = 	snop  }
0x3c: {  	p2 =	seq.s32 s10, $0x1;
	s10 =	sld [smem:$0x3FB6]  }
0x3d: {  	_ =	shalt  }
0x3e: {  	_ =	shalt  }
0x3f: {  	_ =	shalt  }
0x40: {  	_ =	shalt  }
0x41: {  	_ =	shalt  }
0x42: {  	_ =	shalt  }
0x43: {  	_ =	shalt  }
0x44: {  	_ =	shalt  }
0x45: {  	_ =	shalt  }
0x46: {  	_ =	shalt  }
0x47: {  	_ =	shalt  }
0x48: {  	_ =	shalt  }
0x49: {  	_ =	shalt  }
0x4a: {  	_ =	shalt  }
0x4b: {  	_ =	shalt  }
0x4c: {  	_ =	shalt  }
0x4d: {  	_ =	shalt  }
0x4e: {  	_ =	shalt  }
0x4f: {  	_ =	shalt  }
0x50: {  	_ =	shalt  }
0x51: {  	_ =	shalt  }
0x52: {  	_ =	shalt  }
0x53: {  	_ =	shalt  }
0x54: {  	_ =	shalt  }
0x55: {  	_ =	shalt  }
0x56: {  	_ =	shalt  }
0x57: {  	_ =	shalt  }
0x58: {  	_ =	shalt  }
0x59: {  	_ =	shalt  }
0x5a: {  	_ =	shalt  }
0x5b: {  	_ =	shalt  }
0x5c: {  	_ =	shalt  }
0x5d: {  	_ =	shalt  }
0x5e: {  	_ =	shalt  }
0x5f: {  	_ =	shalt  }
0x60: {  	_ =	shalt  }
0x61: {  	_ =	shalt  }
0x62: {  	_ =	shalt  }
0x63: {  	_ =	shalt  }
0x64: {  	_ =	shalt  }
0x65: {  	_ =	shalt  }
0x66: {  	_ =	shalt  }
0x67: {  	_ =	shalt  }
0x68: {  	_ =	shalt  }
0x69: {  	_ =	shalt  }
0x6a: {  	_ =	shalt  }
0x6b: {  	_ =	shalt  }
0x6c: {  	_ =	shalt  }
0x6d: {  	_ =	shalt  }
0x6e: {  	_ =	shalt  }
0x6f: {  	_ =	shalt  }
0x70: {  	_ =	shalt  }
0x71: {  	_ =	shalt  }
0x72: {  	_ =	shalt  }
0x73: {  	_ =	shalt  }
0x74: {  	_ =	shalt  }
0x75: {  	_ =	shalt  }
0x76: {  	_ =	shalt  }
0x77: {  	_ =	shalt  }
0x78: {  	_ =	shalt  }
0x79: {  	_ =	shalt  }
0x7a: {  	_ =	shalt  }
0x7b: {  	_ =	shalt  }
0x7c: {  	_ =	shalt  }
0x7d: {  	_ =	shalt  }
0x7e: {  	_ =	shalt  }
0x7f: {  	_ =	shalt  }
0x80: {  	_ =	shalt  }
0x81: {  	_ =	shalt  }
0x82: {  	_ =	shalt  }
0x83: {  	_ =	shalt  }
0x84: {  	_ =	shalt  }
0x85: {  	_ =	shalt  }
0x86: {  	_ =	shalt  }
0x87: {  	_ =	shalt  }
.Lfunc_end0:
.L_simem_size_0:
called_computation.2_lowered:
.L_overlay_start_0:
0x88: {  	s2 =	sld [smem:$0x3FD9]  }
0x89: {  	s3 =	sld [smem:$0x3FFE];
	_ =	sdelay $0x1  }
0x8a: {  	s1 =	srdreg.scid  }
0x8b: {  	s0 =	sand.u32 $0x1, s1  }
0x8c: {  	s17 =	sshll.u32 s0, $0xA;
	s2 =	sadd.s32 s3, s2  }
0x8d: {  	s2 =	sadd.s32 s2, s17  }
0x8e: {  	[smem:$0x3FC2] =	sst s2  }
0x8f: {  	_ = 	snop  }
0x90: {  	s2 =	sld [smem:$0x3FD0];
	(tm) =	ssettm $0x1  }
0x91: {  	s18 =	sld [smem:$0x3FFB];
	_ =	sdelay $0x3  }
0x92: {  	_ =	strace s18  }
0x93: {  	s3 =	sld [smem:$0x3FFC];
	_ =	sdelay $0x3  }
0x94: {  	_ =	strace s3  }
0x95: {  	s3 =	sld [smem:$0x3FFD];
	_ =	sdelay $0x3  }
0x96: {  	_ =	strace s3  }
0x97: {  	_ =	strace $0x8FFFFFFF  }
0x98: {  	s19 =	sld [smem:$0x3FDB];
	_ =	sdelay $0x1  }
0x99: {  	s4 =	simm.s32 $_scs_section_size  }
0x9a: {  	s5 =	simm.s32 $_size__tile_overlayer_lowered;
	s6 =	simm.s32 $_tile_overlayer_lowered  }
0x9b: {  	s22 =	simm.s32 $0x1BFF;
	s21 =	sshll.u32 s6, $0x1;
	s3 =	sadd.s32 s4, s19  }
0x9c: {  	s7 =	simm.s32 $0x0;
	s20 =	sshll.u32 s5, $0x1;
	s5 =	sadd.s32 s21, s3  }
0x9d: {  	[timem:s7], [sflag:s22] =	dma.local [hbm:s5], s20  }
0x9e: {  	_ =	swait.ge [sflag:s22], s20  }
0x9f: {  	s4 =	ssub.s32 $0x0, s20;
	[sflag:s22] =	ssyncset.done $0x0  }
0xa0: {  	[sflag:s22] =	ssyncadd.s32 s4;
	_ =	sdelay $0x1  }
0xa1: {  	s23 =	simm.s32 $0x1B8B  }
0xa2: {  	_ =	swait.ge [sflag:s23], $0x1  }
0xa3: {  	[sflag:s23] =	ssyncset.done $0x0  }
0xa4: {  	s25 =	simm.s32 $0x1B8E;
	s24 =	sld [smem:$0x3FFE];
	[sflag:s23] =	ssyncadd.s32 $0xFFFFFFFF  }
0xa5: {  	s26 =	simm.s32 $execute0_lowered;
	[smem:$0x3FD2] =	sst s25  }
0xa6: {  	s5 =	sshll.u32 s26, $0x1;
	_ =	strace $0x8000004C;
	[dreg:$0x1] =	wrdreg $0xFFFFFFFF  }
0xa7: {  	s28 =	simm.s32 $_size_execute0_lowered;
	s3 =	sadd.s32 s3, s5;
	[dreg:$0x0] =	wrdreg $0x0  }
0xa8: {  	s5 =	sshll.u32 s28, $0x1;
	[dreg:$0x2] =	wrdreg s3  }
0xa9: {  	[dreg:$0x3] =	wrdreg s5  }
0xaa: {  	[dreg:$0x4] =	wrdreg $0xC0  }
0xab: {  	_ =	task [dreg:s7], $0x5FFFF  }
0xac: {  	[dreg:$0x1] =	wrdreg $0xFFFFFFFF  }
0xad: {  	[dreg:$0x0] =	wrdreg $0x60  }
0xae: {  	[dreg:$0x2] =	wrdreg s24  }
0xaf: {  	[dreg:$0x3] =	wrdreg s2  }
0xb0: {  	[dreg:$0x4] =	wrdreg $0x8C000  }
0xb1: {  	[dreg:$0x5] =	wrdreg $0x9  }
0xb2: {  	_ =	task.clear_ibuf [dreg:s7], $0x6FFFF;
	_ =	strace $0x9000004C  }
0xb3: {  	s29 =	simm.s32 $0x9;
	_ =	strace $0x8000004E  }
0xb4: {  	_ =	swait.ge [sflag:s29], $0x1  }
0xb5: {  	[sflag:s29] =	ssyncadd.s32 $0xFFFFFFFF  }
0xb6: {  	_ =	strace $0x9000004E  }
0xb7: {  	_ =	sfence  }
0xb8: {  	s30 =	sld [smem:$0x0];
	_ =	sdelay $0x2  }
0xb9: {  	s31 =	sshll.u32 s1, $0xD;
	s1 =	sshrl.u32 s1, $0x2  }
0xba: {  	s3 =	sand.u32 $0x4000, s31;
	s1 =	sadd.s32 s1, s30  }
0xbb: {  	s0 =	sor.u32 s3, s0;
	s1 =	sshll.u32 s1, $0x11  }
0xbc: {  	s0 =	sor.u32 s1, s0  }
0xbd: {  	s0 =	sadd.s32 $0x8F2B, s0  }
0xbe: {  	[sflag:s0] =	ssyncadd.remote.s32 $0x1  }
0xbf: {  	_ =	sfence.sel $0xFFFF  }
0xc0: {  	[dreg:$0x0] =	wrdreg $0xFFFFFFFF;
	(pc) =	sbr.abs _section_cstart, $3  }
0xc1: {  	[dreg:$0x1] =	wrdreg $0xFFFFFFFF  }
0xc2: {  	_ =	task.clear_ibuf [dreg:s7], $0x2FFFF;
	_ =	strace $0x9FFFFFFF  }
0xc3: {  	(tm) =	ssettm $0x7FFFFFFF  }
tec
execute0_lowered:
.L_overlay_start_1:
0x0: {  	(tag) =	ssettag $0x1  }
0x1: {  	s0 =	rddreg [dreg:$0x0]  }
0x2: {  	s1 =	rddreg [dreg:$0x1]  }
0x3: {  	s2 =	rddreg [dreg:$0x2];
	s3 =	srdreg.scid  }
0x4: {  	s4 =	simm.s32 $0x0;
	s12 =	stileid.u32;
	s28 =	simm.s32 $0x400  }
0x5: {  	s29 =	simm.s32 $0x3;
	s30 =	simm.s32 $0x2;
	s7 =	smul.u32 $0x14000, s12  }
0x6: {  	s31 =	simm.s32 $0x180;
	s3 =	sand.u32 $0x1, s3;
	s10 =	smul.u32 $0x50000, s12  }
0x7: {  	[smem:$0x7FF] =	sst s4;
	s8 =	sshll.u32 s12, $0x1;
	s21 =	smul.u32 $0x5000, s12  }
0x8: {  	s5 =	sadd.s32 $0xD400, s0;
	s12 =	simm.s32 $0x0;
	s6 =	smul.u32 $0x140000, s3  }
0x9: {  	_ =	strace $0x8000004D;
	s13 =	sor.u32 s3, s8;
	s9 =	ssub.s32 $0x2, s3  }
0xa: {  	s3 =	smul.u32 $0x2800, s3;
	s15 =	sshrl.u32 s9, $0x1;
	s19 =	sshrl.u32 s10, $0x2  }
0xb: {  	s10 =	simm.s32 $0x6;
	s6 =	sadd.s32 s7, s6;
	s7 =	smul.u32 $0x2800, s13  }
0xc: {  	s8 =	ssub.s32 s9, s15;
	s3 =	sadd.s32 s3, s21;
	s14 =	sshrl.u32 s6, $0x3  }
0xd: {  	s6 =	sadd.s32 $0x3400, s0;
	s22 =	smax.u32 s8, $0x1;
	s26 =	sor.u32 $0x280, s3  }
0xe: {  	s3 =	sor.u32 $0x200, s3;
	s8 =	simm.s32 $0x1;
	s0 =	sadd.s32 s14, s0  }
0xf: {  	s16 =	sshrl.u32 s7, $0x3;
	s20 =	sor.u32 $0x100, s7;
	s7 =	sor.u32 $0x180, s7  }
0x10: {  	[dreg:$0x9] =	wrdreg s22;
	s22 =	simm.s32 $0x300;
	s11 =	sadd.s32 s1, s16  }
0x11: {  	s17 =	sadd.s32 s6, s16;
	s9 =	sor.u32 $0x10, s16;
	[dreg:$0x4] =	wrdreg s11  }
0x12: {  	s0 =	sadd.s32 $0x5D400, s0;
	s25 =	sshrl.u32 s7, $0x3;
	[dreg:$0x5] =	wrdreg s17  }
0x13: {  	s18 =	sadd.s32 s1, s9;
	s9 =	sadd.s32 s6, s9;
	[dreg:$0x8] =	wrdreg s0  }
0x14: {  	s11 =	sadd.s32 s19, s2;
	s7 =	sadd.s32 s1, s25;
	[dreg:$0x6] =	wrdreg s18  }
0x15: {  	s0 =	sadd.s32 s6, s25;
	s19 =	sshrl.u32 s3, $0x3;
	[dreg:$0x7] =	wrdreg s9  }
0x16: {  	s17 =	simm.s32 $0x200;
	s25 =	simm.s32 $0x80;
	[dreg:$0xc] =	wrdreg s7  }
0x17: {  	s3 =	simm.s32 $0x4400;
	s9 =	sshrl.u32 s20, $0x3;
	[dreg:$0xd] =	wrdreg s0  }
0x18: {  	s18 =	sshrl.u32 s26, $0x3;
	s20 =	simm.s32 $0x100;
	s26 =	simm.s32 $0x280  }
0x19: {  	s0 =	simm.s32 $0x380;
	s7 =	simm.s32 $0x4;
	s23 =	sadd.s32 s1, s9  }
0x1a: {  	s24 =	sadd.s32 s6, s9;
	s9 =	simm.s32 $0x5;
	[dreg:$0xa] =	wrdreg s23  }
0x1b: {  	v0 =	vimm.f32 $0.0e+00;
	[dreg:$0xb] =	wrdreg s24;
	s23 =	simm.s32 $0x8400;
	s24 =	simm.s32 $0x7  }
.LBB2_1:
0x1c: {  	s13 =	rddreg [dreg:$0x4]  }
0x1d: {  	[tilespmem:s4], [sflag:$0x1] =	stream.linear.gather [hbm4b:s13+s4], $0x80, $0x38;
	[tilespmem:$0x1CC00] =	vst v63  }
0x1e: {  	s15 =	rddreg [dreg:$0x5]  }
0x1f: {  	[tilespmem:s17], [sflag:$0x1] =	stream.linear.gather [hbm4b:s15+s4], $0x80, $0x38;
	[tilespmem:$0x1CC00] =	vst v63  }
0x20: {  	s16 =	rddreg [dreg:$0x6]  }
0x21: {  	[tilespmem:s20], [sflag:$0x2] =	stream.linear.gather [hbm4b:s16+s4], $0x80, $0x38;
	[tilespmem:$0x1CC00] =	vst v63  }
0x22: {  	s21 =	rddreg [dreg:$0x7];
	s14 =	simm.s32 $0x0;
	s13 =	simm.s32 $0x0  }
0x23: {  	[tilespmem:s22], [sflag:$0x2] =	stream.linear.gather [hbm4b:s21+s4], $0x80, $0x38;
	[tilespmem:$0x1CC00] =	vst v63  }
.LBB2_2:
0x24: {  	p0 =	sne.s32 s14, $0x1FC0  }
.Ltmp0:
0x25: {  	_ = 	snop;
	(pc) =	sbr.rel @p0 .LBB2_2-.Ltmp0, $4  }
0x26: {  	s15 =	sand.u32 $0x1E00, s14  }
0x27: {  	s16 =	sand.u32 $0x70, s13;
	s15 =	sshrl.u32 s15, $0x2  }
0x28: {  	s15 =	sor.u32 s16, s15  }
0x29: {  	s13 =	sadd.s32 $0x10, s13;
	s14 =	sadd.s32 $0x40, s14;
	[tilespmem:s15+$0x8400] =	vst v0  }
0x2a: {  	s13 =	sadd.s32 $0x0, s11  }
0x2b: {  	[spmem:s13] =	stream.linear.scatter [tilespmem:s23], [sflag:$0x7], $0x800, $0x38;
	[tilespmem:$0x1CC00] =	vst v63  }
0x2c: {  	s13 =	simm.s32 $0x2000;
	_ =	swait.ge [sflag:s24], $0x800  }
.LBB2_4:
0x2d: {  	s14 =	sshra.s32 s13, $0x2;
	[sflag:s24] =	ssyncset.done $0x0;
	p0 =	sne.s32 s13, $0x4E000  }
.Ltmp1:
0x2e: {  	s14 =	sadd.s32 s14, s11;
	[sflag:s24] =	ssyncadd.s32 $0xFFFFF800;
	(pc) =	sbr.rel @p0 .LBB2_4-.Ltmp1, $3  }
0x2f: {  	[spmem:s14] =	stream.linear.scatter [tilespmem:s23], [sflag:$0x7], $0x800, $0x38;
	[tilespmem:$0x1CC00] =	vst v63  }
0x30: {  	s13 =	sadd.s32 $0x2000, s13;
	_ =	sdelay $0x1  }
0x31: {  	_ =	swait.ge [sflag:s24], $0x800  }
0x32: {  	[sflag:s24] =	ssyncset.done $0x0  }
0x33: {  	[sflag:s24] =	ssyncadd.s32 $0xFFFFF800  }
0x34: {  	s13 =	simm.s32 $0x1;
	[bflag:$0x0] =	sbarrier.arrive $0xFFFF  }
0x35: {  	_ =	swait.ge [sflag:s13], $0x80  }
0x36: {  	[sflag:s13] =	ssyncset.done $0x0  }
0x37: {  	[sflag:s13] =	ssyncadd.s32 $0xFFFFFF80  }
0x38: {  	_ =	swait.ge [sflag:s13], $0x80  }
0x39: {  	[sflag:s13] =	ssyncset.done $0x0  }
0x3a: {  	s21 =	rddreg [dreg:$0xa];
	[sflag:s13] =	ssyncadd.s32 $0xFFFFFF80  }
0x3b: {  	[tilespmem:s25], [sflag:$0x1] =	stream.linear.gather [hbm4b:s21+s4], $0x80, $0x38;
	[tilespmem:$0x1CC00] =	vst v63  }
0x3c: {  	s14 =	rddreg [dreg:$0xb]  }
0x3d: {  	[tilespmem:s26], [sflag:$0x1] =	stream.linear.gather [hbm4b:s14+s4], $0x80, $0x38;
	[tilespmem:$0x1CC00] =	vst v63  }
0x3e: {  	_ = 	snop  }
0x3f: {  	[tilespmem:s28], [sflag:$0x3] =	stream.indirect.gather [hbm4b:s5+s25], $0x80, s4, s25, $0xb8;
	[tilespmem:$0x1CC00] =	vst v63  }
0x40: {  	_ =	swait.ge [sflag:s29], $0x4000  }
0x41: {  	[sflag:s29] =	ssyncset.done $0x0  }
0x42: {  	[sflag:s29] =	ssyncadd.s32 $0xFFFFC000  }
0x43: {  	[spmem:s2] =	stream.indirect.scatter.add.f32 [tilespmem:s28], [sflag:$0x5], $0x80, s17, s25, $0xb8;
	[tilespmem:$0x1CC00] =	vst v63  }
0x44: {  	_ =	swait.ge [sflag:s30], $0x80  }
0x45: {  	[sflag:s30] =	ssyncset.done $0x0  }
0x46: {  	[sflag:s30] =	ssyncadd.s32 $0xFFFFFF80  }
0x47: {  	_ =	swait.ge [sflag:s30], $0x80  }
0x48: {  	[sflag:s30] =	ssyncset.done $0x0  }
0x49: {  	s15 =	rddreg [dreg:$0xc];
	[sflag:s30] =	ssyncadd.s32 $0xFFFFFF80  }
0x4a: {  	[tilespmem:s31], [sflag:$0x2] =	stream.linear.gather [hbm4b:s15+s4], $0x80, $0x38;
	[tilespmem:$0x1CC00] =	vst v63  }
0x4b: {  	s16 =	rddreg [dreg:$0xd]  }
0x4c: {  	[tilespmem:s0], [sflag:$0x2] =	stream.linear.gather [hbm4b:s16+s4], $0x80, $0x38;
	[tilespmem:$0x1CC00] =	vst v63  }
0x4d: {  	_ = 	snop  }
0x4e: {  	[tilespmem:s3], [sflag:$0x4] =	stream.indirect.gather [hbm4b:s5+s25], $0x80, s20, s25, $0xb8;
	[tilespmem:$0x1CC00] =	vst v63  }
0x4f: {  	_ =	swait.ge [sflag:s7], $0x4000  }
0x50: {  	[sflag:s7] =	ssyncset.done $0x0  }
0x51: {  	[sflag:s7] =	ssyncadd.s32 $0xFFFFC000  }
0x52: {  	[spmem:s2] =	stream.indirect.scatter.add.f32 [tilespmem:s3], [sflag:$0x6], $0x80, s22, s25, $0xb8;
	[tilespmem:$0x1CC00] =	vst v63  }
0x53: {  	_ =	swait.ge [sflag:s8], $0x80  }
0x54: {  	[sflag:s8] =	ssyncset.done $0x0  }
0x55: {  	[sflag:s8] =	ssyncadd.s32 $0xFFFFFF80  }
0x56: {  	_ =	swait.ge [sflag:s8], $0x80  }
0x57: {  	[sflag:s8] =	ssyncset.done $0x0  }
0x58: {  	[sflag:s8] =	ssyncadd.s32 $0xFFFFFF80  }
0x59: {  	s17 =	simm.s32 $0x80;
	_ =	swait.ge [sflag:s9], $0x4000  }
0x5a: {  	s15 =	sand.u32 $0x80, s17;
	[sflag:s9] =	ssyncset.done $0x0  }
0x5b: {  	s14 =	sadd.s32 s1, s19;
	s13 =	sxor.u32 $0x80, s15;
	[sflag:s9] =	ssyncadd.s32 $0xFFFFC000  }
0x5c: {  	[tilespmem:s13], [sflag:$0x1] =	stream.linear.gather [hbm4b:s14+s4], $0x80, $0x38;
	[tilespmem:$0x1CC00] =	vst v63  }
0x5d: {  	s16 =	sadd.s32 s6, s19;
	s20 =	sor.u32 $0x200, s13  }
0x5e: {  	[tilespmem:s20], [sflag:$0x1] =	stream.linear.gather [hbm4b:s16+s4], $0x80, $0x38;
	[tilespmem:$0x1CC00] =	vst v63  }
0x5f: {  	_ = 	snop  }
0x60: {  	[tilespmem:s28], [sflag:$0x3] =	stream.indirect.gather [hbm4b:s5+s25], $0x80, s15, s25, $0xb8;
	[tilespmem:$0x1CC00] =	vst v63  }
0x61: {  	_ =	swait.ge [sflag:s29], $0x4000  }
0x62: {  	[sflag:s29] =	ssyncset.done $0x0  }
0x63: {  	s21 =	sor.u32 $0x200, s15;
	[sflag:s29] =	ssyncadd.s32 $0xFFFFC000  }
0x64: {  	[spmem:s2] =	stream.indirect.scatter.add.f32 [tilespmem:s28], [sflag:$0x5], $0x80, s21, s25, $0xb8;
	[tilespmem:$0x1CC00] =	vst v63  }
0x65: {  	_ =	swait.ge [sflag:s30], $0x80  }
0x66: {  	[sflag:s30] =	ssyncset.done $0x0  }
0x67: {  	[sflag:s30] =	ssyncadd.s32 $0xFFFFFF80  }
0x68: {  	_ =	swait.ge [sflag:s30], $0x80  }
0x69: {  	[sflag:s30] =	ssyncset.done $0x0  }
0x6a: {  	[sflag:s30] =	ssyncadd.s32 $0xFFFFFF80  }
0x6b: {  	_ =	swait.ge [sflag:s10], $0x4000  }
0x6c: {  	[sflag:s10] =	ssyncset.done $0x0  }
0x6d: {  	s17 =	sadd.s32 s1, s18;
	s16 =	sor.u32 $0x100, s13;
	[sflag:s10] =	ssyncadd.s32 $0xFFFFC000  }
0x6e: {  	[tilespmem:s16], [sflag:$0x2] =	stream.linear.gather [hbm4b:s17+s4], $0x80, $0x38;
	[tilespmem:$0x1CC00] =	vst v63  }
0x6f: {  	s13 =	sor.u32 $0x300, s13;
	s20 =	sadd.s32 s6, s18  }
0x70: {  	[tilespmem:s13], [sflag:$0x2] =	stream.linear.gather [hbm4b:s20+s4], $0x80, $0x38;
	[tilespmem:$0x1CC00] =	vst v63  }
0x71: {  	s21 =	sor.u32 $0x100, s15  }
0x72: {  	[tilespmem:s3], [sflag:$0x4] =	stream.indirect.gather [hbm4b:s5+s25], $0x80, s21, s25, $0xb8;
	[tilespmem:$0x1CC00] =	vst v63  }
0x73: {  	_ =	swait.ge [sflag:s7], $0x4000  }
0x74: {  	s14 =	sadd.s32 $0x20, s1;
	s16 =	sor.u32 $0x300, s15;
	[sflag:s7] =	ssyncset.done $0x0  }
0x75: {  	s15 =	sadd.s32 $0x20, s6;
	s13 =	simm.s32 $0x2;
	[sflag:s7] =	ssyncadd.s32 $0xFFFFC000  }
.LBB2_6:
0x76: {  	[spmem:s2] =	stream.indirect.scatter.add.f32 [tilespmem:s3], [sflag:$0x6], $0x80, s16, s25, $0xb8;
	[tilespmem:$0x1CC00] =	vst v63  }
0x77: {  	s16 =	smov.u32 s13  }
0x78: {  	p0 =	sne.s32 s13, $0x26;
	s13 =	sadd.s32 $0x1, s13;
	_ =	swait.ge [sflag:s8], $0x80  }
0x79: {  	[sflag:s8] =	ssyncset.done $0x0  }
0x7a: {  	[sflag:s8] =	ssyncadd.s32 $0xFFFFFF80  }
0x7b: {  	_ =	swait.ge [sflag:s8], $0x80  }
0x7c: {  	[sflag:s8] =	ssyncset.done $0x0  }
0x7d: {  	[sflag:s8] =	ssyncadd.s32 $0xFFFFFF80  }
0x7e: {  	s16 =	sshll.u32 s16, $0x7;
	_ =	swait.ge [sflag:s9], $0x4000  }
0x7f: {  	s16 =	sand.u32 $0x80, s16;
	[sflag:s9] =	ssyncset.done $0x0  }
0x80: {  	s21 =	sadd.s32 s14, s19;
	s20 =	sxor.u32 $0x80, s16;
	[sflag:s9] =	ssyncadd.s32 $0xFFFFC000  }
0x81: {  	[tilespmem:s20], [sflag:$0x1] =	stream.linear.gather [hbm4b:s21+s4], $0x80, $0x38;
	[tilespmem:$0x1CC00] =	vst v63  }
0x82: {  	s17 =	sadd.s32 s15, s19;
	s21 =	sor.u32 $0x200, s20  }
0x83: {  	[tilespmem:s21], [sflag:$0x1] =	stream.linear.gather [hbm4b:s17+s4], $0x80, $0x38;
	[tilespmem:$0x1CC00] =	vst v63  }
0x84: {  	_ = 	snop  }
0x85: {  	[tilespmem:s28], [sflag:$0x3] =	stream.indirect.gather [hbm4b:s5+s25], $0x80, s16, s25, $0xb8;
	[tilespmem:$0x1CC00] =	vst v63  }
0x86: {  	_ =	swait.ge [sflag:s29], $0x4000  }
0x87: {  	[sflag:s29] =	ssyncset.done $0x0  }
0x88: {  	s17 =	sor.u32 $0x200, s16;
	[sflag:s29] =	ssyncadd.s32 $0xFFFFC000  }
0x89: {  	[spmem:s2] =	stream.indirect.scatter.add.f32 [tilespmem:s28], [sflag:$0x5], $0x80, s17, s25, $0xb8;
	[tilespmem:$0x1CC00] =	vst v63  }
0x8a: {  	_ =	swait.ge [sflag:s30], $0x80  }
0x8b: {  	[sflag:s30] =	ssyncset.done $0x0  }
0x8c: {  	[sflag:s30] =	ssyncadd.s32 $0xFFFFFF80  }
0x8d: {  	_ =	swait.ge [sflag:s30], $0x80  }
0x8e: {  	[sflag:s30] =	ssyncset.done $0x0  }
0x8f: {  	[sflag:s30] =	ssyncadd.s32 $0xFFFFFF80  }
0x90: {  	_ =	swait.ge [sflag:s10], $0x4000  }
0x91: {  	[sflag:s10] =	ssyncset.done $0x0  }
0x92: {  	s21 =	sadd.s32 s14, s18;
	s17 =	sor.u32 $0x100, s20;
	[sflag:s10] =	ssyncadd.s32 $0xFFFFC000  }
0x93: {  	[tilespmem:s17], [sflag:$0x2] =	stream.linear.gather [hbm4b:s21+s4], $0x80, $0x38;
	[tilespmem:$0x1CC00] =	vst v63  }
0x94: {  	s17 =	sor.u32 $0x300, s20;
	s20 =	sadd.s32 s15, s18  }
0x95: {  	[tilespmem:s17], [sflag:$0x2] =	stream.linear.gather [hbm4b:s20+s4], $0x80, $0x38;
	[tilespmem:$0x1CC00] =	vst v63  }
.Ltmp2:
0x96: {  	s17 =	sor.u32 $0x100, s16;
	(pc) =	sbr.rel @p0 .LBB2_6-.Ltmp2, $4  }
0x97: {  	[tilespmem:s3], [sflag:$0x4] =	stream.indirect.gather [hbm4b:s5+s25], $0x80, s17, s25, $0xb8;
	[tilespmem:$0x1CC00] =	vst v63  }
0x98: {  	_ =	swait.ge [sflag:s7], $0x4000  }
0x99: {  	s14 =	sadd.s32 $0x20, s14;
	[sflag:s7] =	ssyncset.done $0x0  }
0x9a: {  	s15 =	sadd.s32 $0x20, s15;
	s16 =	sor.u32 $0x300, s16;
	[sflag:s7] =	ssyncadd.s32 $0xFFFFC000  }
0x9b: {  	[spmem:s2] =	stream.indirect.scatter.add.f32 [tilespmem:s3], [sflag:$0x6], $0x80, s16, s25, $0xb8;
	[tilespmem:$0x1CC00] =	vst v63  }
0x9c: {  	_ =	swait.ge [sflag:s8], $0x80  }
0x9d: {  	[sflag:s8] =	ssyncset.done $0x0  }
0x9e: {  	[sflag:s8] =	ssyncadd.s32 $0xFFFFFF80  }
0x9f: {  	_ =	swait.ge [sflag:s8], $0x80  }
0xa0: {  	[sflag:s8] =	ssyncset.done $0x0  }
0xa1: {  	[sflag:s8] =	ssyncadd.s32 $0xFFFFFF80  }
0xa2: {  	_ =	swait.ge [sflag:s9], $0x4000  }
0xa3: {  	[sflag:s9] =	ssyncset.done $0x0  }
0xa4: {  	[sflag:s9] =	ssyncadd.s32 $0xFFFFC000  }
0xa5: {  	[tilespmem:s28], [sflag:$0x3] =	stream.indirect.gather [hbm4b:s5+s25], $0x80, s25, s25, $0xb8;
	[tilespmem:$0x1CC00] =	vst v63  }
0xa6: {  	_ =	swait.ge [sflag:s29], $0x4000  }
0xa7: {  	[sflag:s29] =	ssyncset.done $0x0  }
0xa8: {  	[sflag:s29] =	ssyncadd.s32 $0xFFFFC000  }
0xa9: {  	[spmem:s2] =	stream.indirect.scatter.add.f32 [tilespmem:s28], [sflag:$0x5], $0x80, s26, s25, $0xb8;
	[tilespmem:$0x1CC00] =	vst v63  }
0xaa: {  	_ =	swait.ge [sflag:s30], $0x80  }
0xab: {  	[sflag:s30] =	ssyncset.done $0x0  }
0xac: {  	[sflag:s30] =	ssyncadd.s32 $0xFFFFFF80  }
0xad: {  	_ =	swait.ge [sflag:s30], $0x80  }
0xae: {  	[sflag:s30] =	ssyncset.done $0x0  }
0xaf: {  	[sflag:s30] =	ssyncadd.s32 $0xFFFFFF80  }
0xb0: {  	_ =	swait.ge [sflag:s10], $0x4000  }
0xb1: {  	[sflag:s10] =	ssyncset.done $0x0  }
0xb2: {  	[sflag:s10] =	ssyncadd.s32 $0xFFFFC000  }
0xb3: {  	[tilespmem:s3], [sflag:$0x4] =	stream.indirect.gather [hbm4b:s5+s25], $0x80, s31, s25, $0xb8;
	[tilespmem:$0x1CC00] =	vst v63  }
0xb4: {  	_ =	swait.ge [sflag:s7], $0x4000  }
0xb5: {  	[sflag:s7] =	ssyncset.done $0x0  }
0xb6: {  	[sflag:s7] =	ssyncadd.s32 $0xFFFFC000  }
0xb7: {  	[spmem:s2] =	stream.indirect.scatter.add.f32 [tilespmem:s3], [sflag:$0x6], $0x80, s0, s25, $0xb8;
	[tilespmem:$0x1CC00] =	vst v63  }
0xb8: {  	_ =	swait.ge [sflag:s9], $0x4000  }
0xb9: {  	[sflag:s9] =	ssyncset.done $0x0  }
0xba: {  	[sflag:s9] =	ssyncadd.s32 $0xFFFFC000  }
0xbb: {  	_ =	swait.ge [sflag:s10], $0x4000  }
0xbc: {  	[sflag:s10] =	ssyncset.done $0x0  }
0xbd: {  	s13 =	stileid.u32;
	[sflag:s10] =	ssyncadd.s32 $0xFFFFC000  }
0xbe: {  	s13 =	sshll.u32 s13, $0x6;
	[bflag:$0x0] =	sbarrier.arrive $0xFFFF  }
0xbf: {  	s14 =	sshrl.u32 s11, $0x3;
	s13 =	sor.u32 $0x1C07, s13;
	s15 =	rddreg [dreg:$0x8]  }
0xc0: {  	[hbm:s15], [sflag:s13] =	dma.local [spmem:s14], $0x2800  }
0xc1: {  	_ =	swait.ge [sflag:s24], $0x2800  }
0xc2: {  	s12 =	sadd.s32 $0x1, s12;
	s21 =	rddreg [dreg:$0x9]  }
0xc3: {  	p0 =	sne.s32 s12, s21  }
.Ltmp3:
0xc4: {  	_ = 	snop;
	(pc) =	sbr.rel @p0 .LBB2_1-.Ltmp3, $3  }
0xc5: {  	_ =	sdelay $0x1  }
0xc6: {  	[sflag:s24] =	ssyncset.done $0x0  }
0xc7: {  	s17 =	simm.s32 $0x200;
	s20 =	simm.s32 $0x100;
	[sflag:s24] =	ssyncadd.s32 $0xFFFFD800  }
0xc8: {  	_ =	sfence.sel $0x180000  }
0xc9: {  	[bflag:$0x0] =	sbarrier.arrive $0xFFFF  }
0xca: {  	_ =	strace $0x9000004D  }
0xcb: {  	s0 =	stileid.u32;
	[bflag:$0x2] =	sbarrier.arrive $0xFFFF  }
0xcc: {  	p0 =	sne.s32 s0, $0x0;
	s0 =	rddreg [dreg:$0x3]  }
0xcd: {  	s0 =	sadd.s32 @!p0 $0x100000, s0  }
0xce: {  	[sflag:s0] =	ssyncadd.tile.s32 @!p0 $0x1;
	_ =	shalt  }
.Lfunc_end2:
_tile_overlayer_lowered:
.L_overlay_start_2:
0xcf: {  	(tag) =	ssettag $0x2  }
0xd0: {  	s0 =	rddreg [dreg:$0x0];
	s2 =	stileid.u32  }
0xd1: {  	s1 =	rddreg [dreg:$0x1];
	p0 =	sne.s32 s2, $0x0  }
0xd2: {  	s3 =	rddreg [dreg:$0x2];
	[bflag:$0x3] =	sbarrier.arrive $0xFFFF;
	s2 =	simm.s32 @!p0 $0x1C07  }
0xd3: {  	[timem:s3], [sflag:s2] =	dma.local @!p0 [hbm:s0], s1  }
0xd4: {  	s0 =	simm.s32 @!p0 $0x7  }
0xd5: {  	_ =	swait.ge @!p0 [sflag:s0], s1  }
0xd6: {  	s1 =	ssub.s32 @!p0 $0x0, s1;
	[sflag:s0] =	ssyncset.done @!p0 $0x0  }
0xd7: {  	[sflag:s0] =	ssyncadd.s32 @!p0 s1  }
0xd8: {  	[bflag:$0x3] =	sbarrier.arrive $0xFFFF  }
0xd9: {  	_ =	shalt  }

// kernel: kernel.8.cloned.1.call-start
scs
__scs_entry_jumppad:
0x0: {  	(pc) =	sbr.rel $0x88, $3  }
0x1: {  	(tag) =	ssettag $0x0;
	lr =	simm.s32 $0x1  }
0x2: {  	[smem:$0x3F9B] =	sst lr;
	_ =	strace $0xD0000000  }
0x3: {  	_ = 	snop  }
0x4: {  	_ = 	snop  }
0x5: {  	_ = 	snop  }
0x6: {  	_ = 	snop  }
0x7: {  	_ = 	snop  }
__scs_overlays_trampoline_lowered:
0x8: {  	[smem:$0x3FAA] =	sst s0  }
0x9: {  	[smem:$0x3FAB] =	sst s1  }
0xa: {  	[smem:$0x3FAC] =	sst s2  }
0xb: {  	[smem:$0x3FAD] =	sst s3  }
0xc: {  	[smem:$0x3FAE] =	sst s4  }
0xd: {  	[smem:$0x3FAF] =	sst s5  }
0xe: {  	[smem:$0x3FB0] =	sst s6  }
0xf: {  	[smem:$0x3FB1] =	sst s7  }
0x10: {  	[smem:$0x3FB2] =	sst s8  }
0x11: {  	[smem:$0x3FB3] =	sst s9;
	s0 =	simm.s32 @!p0 $0x0  }
0x12: {  	s1 =	sld [smem:$0x3F99];
	s0 =	simm.s32 @p0 $0x1  }
0x13: {  	[smem:$0x3FB4] =	sst s0;
	s0 =	simm.s32 @!p1 $0x0  }
0x14: {  	s2 =	sld [smem:$0x3F98];
	s0 =	simm.s32 @p1 $0x1  }
0x15: {  	[smem:$0x3FB5] =	sst s0;
	s0 =	simm.s32 @!p2 $0x0  }
0x16: {  	s3 =	sld [smem:$0x3FDB];
	s0 =	simm.s32 @p2 $0x1  }
0x17: {  	s4 =	simm.s32 $0x1BF5;
	[smem:$0x3FB7] =	sst s0  }
0x18: {  	s0 =	sld [smem:$0x3F9A];
	_ =	swait.ge [sflag:s4], $0x0  }
0x19: {  	s7 =	sld [smem:$0x3F9B]  }
0x1a: {  	s8 =	sadd.s32 $0xFFFFE003, lr  }
0x1b: {  	s9 =	sadd.s32 $0xFFFFFEF7, lr;
	s5 =	simm.s32 $0xFFFFFFFF;
	p2 =	slt.u32 s8, $0xFFFFF086  }
0x1c: {  	p1 =	slt.u32 s9, $0xF7A;
	s5 =	simm.s32 @!p2 $0x0  }
0x1d: {  	s5 =	simm.s32 @p1 $0x1;
	p0 =	seq.s32 s7, s2  }
0x1e: {  	s7 =	smul.u32 @!p0 $0xF7A, s2;
	p2 =	seq.s32 @!p0 s5, $0x0  }
0x1f: {  	s9 =	smul.u32 $0xF7A, s1;
	s8 =	simm.s32 @!p0 $0x1BF5;
	p2 =	por !p2, p0  }
0x20: {  	[sflag:s8] =	ssyncset.s32 @!p0 $0xFFFFF086;
	s6 =	sadd.s32 @!p0 s3, s7;
	s7 =	simm.s32 @!p0 $0x108  }
0x21: {  	s3 =	sadd.s32 s3, s9;
	s6 =	sadd.s32 @!p0 $0x88, s6;
	s7 =	simm.s32 @p2 $0x1082  }
0x22: {  	[simem:s7], [sflag:s8] =	dma.local @!p0 [hbm:s6], $0xF7A  }
0x23: {  	s9 =	sor.u32 $0xD0000000, s2;
	s6 =	simm.s32 $0x108;
	_ =	swait.ge @!p0 [sflag:s8], $0x0  }
0x24: {  	s3 =	sadd.s32 $0x88, s3;
	s6 =	simm.s32 @!p1 $0x1082;
	[sflag:s4] =	ssyncset.s32 $0xFFFFF086  }
0x25: {  	[simem:s6], [sflag:s4] =	dma.local [hbm:s3], $0xF7A  }
0x26: {  	[smem:$0x3F9B] =	sst s1;
	(tag) =	ssettag s2;
	_ =	strace s9  }
0x27: {  	s1 =	sld [smem:$0x3FAB]  }
0x28: {  	s2 =	sld [smem:$0x3FAC]  }
0x29: {  	s4 =	sld [smem:$0x3FAE]  }
0x2a: {  	p0 =	seq.s32 s5, $0x0;
	s5 =	sld [smem:$0x3FAF]  }
0x2b: {  	s6 =	sld [smem:$0x3FB0]  }
0x2c: {  	s7 =	sld [smem:$0x3FB1]  }
0x2d: {  	s3 =	simm.s32 $0x108;
	s8 =	sld [smem:$0x3FB2]  }
0x2e: {  	s3 =	simm.s32 @!p0 $0x1082;
	s9 =	sld [smem:$0x3FB3]  }
0x2f: {  	lr =	sadd.s32 s0, s3;
	s0 =	sld [smem:$0x3FAA]  }
0x30: {  	s3 =	sld [smem:$0x3FAD]  }
0x31: {  	[smem:$0x3FB6] =	sst s10  }
0x32: {  	s10 =	sld [smem:$0x3FB4];
	_ =	sdelay $0x3  }
0x33: {  	p0 =	seq.s32 s10, $0x1;
	s10 =	sld [smem:$0x3FB6];
	_ =	sdelay $0x3  }
0x34: {  	[smem:$0x3FB6] =	sst s10  }
0x35: {  	s10 =	sld [smem:$0x3FB5];
	_ =	sdelay $0x3  }
0x36: {  	p1 =	seq.s32 s10, $0x1;
	s10 =	sld [smem:$0x3FB6];
	_ =	sdelay $0x3  }
0x37: {  	[smem:$0x3FB6] =	sst s10  }
0x38: {  	s10 =	sld [smem:$0x3FB7]  }
0x39: {  	_ = 	snop;
	(pc) =	sbr.ind lr, $3  }
0x3a: {  	_ = 	snop  }
0x3b: {  	_ = 	snop  }
0x3c: {  	p2 =	seq.s32 s10, $0x1;
	s10 =	sld [smem:$0x3FB6]  }
0x3d: {  	_ =	shalt  }
0x3e: {  	_ =	shalt  }
0x3f: {  	_ =	shalt  }
0x40: {  	_ =	shalt  }
0x41: {  	_ =	shalt  }
0x42: {  	_ =	shalt  }
0x43: {  	_ =	shalt  }
0x44: {  	_ =	shalt  }
0x45: {  	_ =	shalt  }
0x46: {  	_ =	shalt  }
0x47: {  	_ =	shalt  }
0x48: {  	_ =	shalt  }
0x49: {  	_ =	shalt  }
0x4a: {  	_ =	shalt  }
0x4b: {  	_ =	shalt  }
0x4c: {  	_ =	shalt  }
0x4d: {  	_ =	shalt  }
0x4e: {  	_ =	shalt  }
0x4f: {  	_ =	shalt  }
0x50: {  	_ =	shalt  }
0x51: {  	_ =	shalt  }
0x52: {  	_ =	shalt  }
0x53: {  	_ =	shalt  }
0x54: {  	_ =	shalt  }
0x55: {  	_ =	shalt  }
0x56: {  	_ =	shalt  }
0x57: {  	_ =	shalt  }
0x58: {  	_ =	shalt  }
0x59: {  	_ =	shalt  }
0x5a: {  	_ =	shalt  }
0x5b: {  	_ =	shalt  }
0x5c: {  	_ =	shalt  }
0x5d: {  	_ =	shalt  }
0x5e: {  	_ =	shalt  }
0x5f: {  	_ =	shalt  }
0x60: {  	_ =	shalt  }
0x61: {  	_ =	shalt  }
0x62: {  	_ =	shalt  }
0x63: {  	_ =	shalt  }
0x64: {  	_ =	shalt  }
0x65: {  	_ =	shalt  }
0x66: {  	_ =	shalt  }
0x67: {  	_ =	shalt  }
0x68: {  	_ =	shalt  }
0x69: {  	_ =	shalt  }
0x6a: {  	_ =	shalt  }
0x6b: {  	_ =	shalt  }
0x6c: {  	_ =	shalt  }
0x6d: {  	_ =	shalt  }
0x6e: {  	_ =	shalt  }
0x6f: {  	_ =	shalt  }
0x70: {  	_ =	shalt  }
0x71: {  	_ =	shalt  }
0x72: {  	_ =	shalt  }
0x73: {  	_ =	shalt  }
0x74: {  	_ =	shalt  }
0x75: {  	_ =	shalt  }
0x76: {  	_ =	shalt  }
0x77: {  	_ =	shalt  }
0x78: {  	_ =	shalt  }
0x79: {  	_ =	shalt  }
0x7a: {  	_ =	shalt  }
0x7b: {  	_ =	shalt  }
0x7c: {  	_ =	shalt  }
0x7d: {  	_ =	shalt  }
0x7e: {  	_ =	shalt  }
0x7f: {  	_ =	shalt  }
0x80: {  	_ =	shalt  }
0x81: {  	_ =	shalt  }
0x82: {  	_ =	shalt  }
0x83: {  	_ =	shalt  }
0x84: {  	_ =	shalt  }
0x85: {  	_ =	shalt  }
0x86: {  	_ =	shalt  }
0x87: {  	_ =	shalt  }
.Lfunc_end0:
.L_simem_size_0:
called_computation_lowered:
.L_overlay_start_0:
0x88: {  	s2 =	sld [smem:$0x3FD9]  }
0x89: {  	s3 =	sld [smem:$0x3FFE];
	_ =	sdelay $0x1  }
0x8a: {  	s1 =	srdreg.scid  }
0x8b: {  	s0 =	sand.u32 $0x1, s1  }
0x8c: {  	s16 =	sshll.u32 s0, $0xA;
	s2 =	sadd.s32 s3, s2  }
0x8d: {  	s2 =	sadd.s32 s2, s16  }
0x8e: {  	[smem:$0x3FC2] =	sst s2  }
0x8f: {  	_ = 	snop  }
0x90: {  	(tm) =	ssettm $0x1  }
0x91: {  	s17 =	sld [smem:$0x3FFB];
	_ =	sdelay $0x3  }
0x92: {  	_ =	strace s17  }
0x93: {  	s2 =	sld [smem:$0x3FFC];
	_ =	sdelay $0x3  }
0x94: {  	_ =	strace s2  }
0x95: {  	s2 =	sld [smem:$0x3FFD];
	_ =	sdelay $0x3  }
0x96: {  	_ =	strace s2  }
0x97: {  	_ =	strace $0x8FFFFFFF  }
0x98: {  	s18 =	sld [smem:$0x3FDB];
	_ =	sdelay $0x1  }
0x99: {  	s19 =	simm.s32 $_scs_section_size  }
0x9a: {  	s4 =	simm.s32 $_size__tile_overlayer_lowered;
	s5 =	simm.s32 $_tile_overlayer_lowered  }
0x9b: {  	s22 =	simm.s32 $0x1BFF;
	s21 =	sshll.u32 s5, $0x1;
	s2 =	sadd.s32 s19, s18  }
0x9c: {  	s6 =	simm.s32 $0x0;
	s20 =	sshll.u32 s4, $0x1;
	s4 =	sadd.s32 s21, s2  }
0x9d: {  	[timem:s6], [sflag:s22] =	dma.local [hbm:s4], s20  }
0x9e: {  	_ =	swait.ge [sflag:s22], s20  }
0x9f: {  	s3 =	ssub.s32 $0x0, s20;
	[sflag:s22] =	ssyncset.done $0x0  }
0xa0: {  	[sflag:s22] =	ssyncadd.s32 s3;
	_ =	sdelay $0x1  }
0xa1: {  	s23 =	simm.s32 $0x1B8B  }
0xa2: {  	_ =	swait.ge [sflag:s23], $0x1  }
0xa3: {  	[sflag:s23] =	ssyncset.done $0x0  }
0xa4: {  	s25 =	simm.s32 $0x1B8E;
	s24 =	sld [smem:$0x3FFE];
	[sflag:s23] =	ssyncadd.s32 $0xFFFFFFFF  }
0xa5: {  	s26 =	simm.s32 $execute0_lowered;
	[smem:$0x3FD2] =	sst s25  }
0xa6: {  	s4 =	sshll.u32 s26, $0x1;
	_ =	strace $0x80000046;
	[dreg:$0x1] =	wrdreg $0xFFFFFFFF  }
0xa7: {  	s28 =	simm.s32 $_size_execute0_lowered;
	s2 =	sadd.s32 s2, s4;
	[dreg:$0x0] =	wrdreg $0x0  }
0xa8: {  	s4 =	sshll.u32 s28, $0x1;
	[dreg:$0x2] =	wrdreg s2  }
0xa9: {  	[dreg:$0x3] =	wrdreg s4  }
0xaa: {  	[dreg:$0x4] =	wrdreg $0xC0  }
0xab: {  	_ =	task [dreg:s6], $0x5FFFF  }
0xac: {  	[dreg:$0x1] =	wrdreg $0xFFFFFFFF  }
0xad: {  	[dreg:$0x0] =	wrdreg $0x60  }
0xae: {  	[dreg:$0x2] =	wrdreg s24  }
0xaf: {  	[dreg:$0x3] =	wrdreg $0x2B000  }
0xb0: {  	[dreg:$0x4] =	wrdreg $0x9  }
0xb1: {  	_ =	task.clear_ibuf [dreg:s6], $0x5FFFF;
	_ =	strace $0x90000046  }
0xb2: {  	s29 =	simm.s32 $0x9;
	_ =	strace $0x80000048  }
0xb3: {  	_ =	swait.ge [sflag:s29], $0x1  }
0xb4: {  	[sflag:s29] =	ssyncadd.s32 $0xFFFFFFFF  }
0xb5: {  	_ =	strace $0x90000048  }
0xb6: {  	_ =	sfence  }
0xb7: {  	s30 =	sld [smem:$0x0];
	_ =	sdelay $0x2  }
0xb8: {  	s31 =	sshll.u32 s1, $0xD;
	s1 =	sshrl.u32 s1, $0x2  }
0xb9: {  	s3 =	sand.u32 $0x4000, s31;
	s1 =	sadd.s32 s1, s30  }
0xba: {  	s0 =	sor.u32 s3, s0;
	s1 =	sshll.u32 s1, $0x11  }
0xbb: {  	s0 =	sor.u32 s1, s0  }
0xbc: {  	s0 =	sadd.s32 $0x8F2B, s0  }
0xbd: {  	[sflag:s0] =	ssyncadd.remote.s32 $0x1  }
0xbe: {  	_ =	sfence.sel $0xFFFF  }
0xbf: {  	[dreg:$0x0] =	wrdreg $0xFFFFFFFF;
	(pc) =	sbr.abs _section_cstart, $3  }
0xc0: {  	[dreg:$0x1] =	wrdreg $0xFFFFFFFF  }
0xc1: {  	_ =	task.clear_ibuf [dreg:s6], $0x2FFFF;
	_ =	strace $0x9FFFFFFF  }
0xc2: {  	(tm) =	ssettm $0x7FFFFFFF  }
0xc3: {  	_ =	shalt  }
tec
execute0_lowered:
.L_overlay_start_1:
0x0: {  	(tag) =	ssettag $0x1  }
0x1: {  	s4 =	rddreg [dreg:$0x0]  }
0x2: {  	s2 =	rddreg [dreg:$0x1]  }
0x3: {  	s0 =	rddreg [dreg:$0x2]  }
0x4: {  	s3 =	simm.s32 $0x0;
	s5 =	srdreg.scid;
	s1 =	stileid.u32  }
0x5: {  	s10 =	simm.s32 $0x1;
	s11 =	simm.s32 $0x80;
	s12 =	simm.s32 $0x2800  }
0x6: {  	s13 =	simm.s32 $0x2;
	s16 =	simm.s32 $0x20;
	s17 =	simm.s32 $0x10  }
0x7: {  	s18 =	simm.s32 $0x0;
	s5 =	sand.u32 $0x1, s5;
	s7 =	smul.u32 $0x500, s1  }
0x8: {  	s6 =	sshll.u32 s1, $0x1;
	[smem:$0x7FF] =	sst s3;
	s29 =	smul.u32 $0xA00, s1  }
0x9: {  	s14 =	sshll.u32 s1, $0x6;
	s6 =	sor.u32 s5, s6;
	s8 =	sshll.u32 s5, $0x7  }
0xa: {  	_ =	strace $0x80000047;
	s5 =	ssub.s32 $0x2, s5;
	s14 =	sor.u32 $0x1C03, s14  }
0xb: {  	s6 =	smul.u32 $0x500, s6;
	s7 =	sor.u32 s8, s7;
	s30 =	sshrl.u32 s5, $0x1  }
0xc: {  	s31 =	sshrl.u32 s29, $0x2;
	s8 =	simm.s32 $0x2880;
	s7 =	sshrl.u32 s7, $0x3  }
0xd: {  	s9 =	ssub.s32 s5, s30;
	s5 =	sadd.s32 s31, s2;
	s6 =	sadd.s32 s6, s4  }
0xe: {  	s7 =	sadd.s32 s7, s4;
	s15 =	sshrl.u32 s5, $0x3;
	s4 =	sadd.s32 $0x3400, s6  }
0xf: {  	v0 =	vimm.f32 $1.000000000e+00;
	v1 =	vimm.f32 $0.0e+00;
	s6 =	sadd.s32 $0xD400, s7;
	s7 =	smax.u32 s9, $0x1;
	s9 =	simm.s32 $0x3  }
.LBB2_1:
0x10: {  	[tilespmem:s3], [sflag:$0x1] =	stream.linear.gather [hbm4b:s4+s3], $0x2800, $0x38;
	[tilespmem:$0x2D80] =	vst v63  }
0x11: {  	[tilespmem:$0x2800] =	vst v0  }
0x12: {  	[tilespmem:$0x2810] =	vst v0  }
0x13: {  	[tilespmem:$0x2820] =	vst v0  }
0x14: {  	[tilespmem:$0x2830] =	vst v0  }
0x15: {  	[tilespmem:$0x2840] =	vst v0  }
0x16: {  	[tilespmem:$0x2850] =	vst v0  }
0x17: {  	[tilespmem:$0x2860] =	vst v0  }
0x18: {  	[tilespmem:$0x2870] =	vst v0  }
0x19: {  	[tilespmem:$0x2880] =	vst v1  }
0x1a: {  	[tilespmem:$0x2890] =	vst v1  }
0x1b: {  	[tilespmem:$0x28A0] =	vst v1  }
0x1c: {  	[tilespmem:$0x28B0] =	vst v1  }
0x1d: {  	[tilespmem:$0x28C0] =	vst v1  }
0x1e: {  	[tilespmem:$0x28D0] =	vst v1  }
0x1f: {  	[tilespmem:$0x28E0] =	vst v1  }
0x20: {  	[tilespmem:$0x28F0] =	vst v1  }
0x21: {  	[tilespmem:$0x2900] =	vst v1  }
0x22: {  	[tilespmem:$0x2910] =	vst v1  }
0x23: {  	[tilespmem:$0x2920] =	vst v1  }
0x24: {  	[tilespmem:$0x2930] =	vst v1  }
0x25: {  	[tilespmem:$0x2940] =	vst v1  }
0x26: {  	[tilespmem:$0x2950] =	vst v1  }
0x27: {  	[tilespmem:$0x2960] =	vst v1  }
0x28: {  	[tilespmem:$0x2970] =	vst v1  }
0x29: {  	[tilespmem:$0x2980] =	vst v1  }
0x2a: {  	[tilespmem:$0x2990] =	vst v1  }
0x2b: {  	[tilespmem:$0x29A0] =	vst v1  }
0x2c: {  	[tilespmem:$0x29B0] =	vst v1  }
0x2d: {  	[tilespmem:$0x29C0] =	vst v1  }
0x2e: {  	[tilespmem:$0x29D0] =	vst v1  }
0x2f: {  	[tilespmem:$0x29E0] =	vst v1  }
0x30: {  	[tilespmem:$0x29F0] =	vst v1  }
0x31: {  	[tilespmem:$0x2A00] =	vst v1  }
0x32: {  	[tilespmem:$0x2A10] =	vst v1  }
0x33: {  	[tilespmem:$0x2A20] =	vst v1  }
0x34: {  	[tilespmem:$0x2A30] =	vst v1  }
0x35: {  	[tilespmem:$0x2A40] =	vst v1  }
0x36: {  	[tilespmem:$0x2A50] =	vst v1  }
0x37: {  	[tilespmem:$0x2A60] =	vst v1  }
0x38: {  	[tilespmem:$0x2A70] =	vst v1  }
0x39: {  	[tilespmem:$0x2A80] =	vst v1  }
0x3a: {  	[tilespmem:$0x2A90] =	vst v1  }
0x3b: {  	[tilespmem:$0x2AA0] =	vst v1  }
0x3c: {  	[tilespmem:$0x2AB0] =	vst v1  }
0x3d: {  	[tilespmem:$0x2AC0] =	vst v1  }
0x3e: {  	[tilespmem:$0x2AD0] =	vst v1  }
0x3f: {  	[tilespmem:$0x2AE0] =	vst v1  }
0x40: {  	[tilespmem:$0x2AF0] =	vst v1  }
0x41: {  	[spmem:s5] =	stream.linear.scatter [tilespmem:s8], [sflag:$0x3], $0x280, $0x38;
	[tilespmem:$0x2D80] =	vst v63  }
0x42: {  	_ =	swait.ge [sflag:s9], $0x280  }
0x43: {  	[sflag:s9] =	ssyncset.done $0x0  }
0x44: {  	[sflag:s9] =	ssyncadd.s32 $0xFFFFFD80  }
0x45: {  	_ =	swait.ge [sflag:s10], $0x2800  }
0x46: {  	[sflag:s10] =	ssyncset.done $0x0  }
0x47: {  	p0 =	por $0x1, $0x1;
	[sflag:s10] =	ssyncadd.s32 $0xFFFFD800  }
0x48: {  	s21 =	simm.s32 @!p0 $0x2;
	[bflag:$0x0] =	sbarrier.arrive $0xFFFF  }
0x49: {  	[spmem:s2] =	stream.indirect.scatter.add.f32 [tilespmem:s12], [sflag:$0x2], $0x1, s3, s11, $0xb8;
	[tilespmem:$0x2D80] =	vst v63  }
0x4a: {  	_ =	swait.ge @!p0 [sflag:s21], $0x80  }
0x4b: {  	s19 =	simm.s32 $0x1;
	s20 =	simm.s32 $0x0;
	[sflag:s21] =	ssyncset.done @!p0 $0x0  }
.LBB2_2:
0x4c: {  	[sflag:s21] =	ssyncadd.s32 @!p0 $0xFFFFFF80  }
0x4d: {  	s20 =	sadd.s32 $0x80, s20;
	s21 =	smov.u32 s19;
	s19 =	sadd.s32 $0x1, s19  }
0x4e: {  	p1 =	sne.s32 s19, $0x50  }
0x4f: {  	[spmem:s2] =	stream.indirect.scatter.add.f32 [tilespmem:s12], [sflag:$0x2], $0x1, s20, s11, $0xb8;
	[tilespmem:$0x2D80] =	vst v63  }
.Ltmp0:
0x50: {  	_ = 	snop;
	(pc) =	sbr.rel @p1 .LBB2_2-.Ltmp0, $4  }
0x51: {  	p0 =	slt.u32 s21, $0x8  }
0x52: {  	s21 =	simm.s32 @!p0 $0x2  }
0x53: {  	_ =	swait.ge @!p0 [sflag:s21], $0x80  }
0x54: {  	[sflag:s21] =	ssyncset.done @!p0 $0x0  }
0x55: {  	[sflag:s21] =	ssyncadd.s32 @!p0 $0xFFFFFF80  }
0x56: {  	_ =	swait.ge [sflag:s13], $0x80  }
0x57: {  	[sflag:s13] =	ssyncset.done $0x0  }
0x58: {  	[sflag:s13] =	ssyncadd.s32 $0xFFFFFF80  }
0x59: {  	_ =	swait.ge [sflag:s13], $0x80  }
0x5a: {  	[sflag:s13] =	ssyncset.done $0x0  }
0x5b: {  	[sflag:s13] =	ssyncadd.s32 $0xFFFFFF80  }
0x5c: {  	_ =	swait.ge [sflag:s13], $0x80  }
0x5d: {  	[sflag:s13] =	ssyncset.done $0x0  }
0x5e: {  	[sflag:s13] =	ssyncadd.s32 $0xFFFFFF80  }
0x5f: {  	_ =	swait.ge [sflag:s13], $0x80  }
0x60: {  	[sflag:s13] =	ssyncset.done $0x0  }
0x61: {  	[sflag:s13] =	ssyncadd.s32 $0xFFFFFF80  }
0x62: {  	_ =	swait.ge [sflag:s13], $0x80  }
0x63: {  	[sflag:s13] =	ssyncset.done $0x0  }
0x64: {  	[sflag:s13] =	ssyncadd.s32 $0xFFFFFF80  }
0x65: {  	_ =	swait.ge [sflag:s13], $0x80  }
0x66: {  	[sflag:s13] =	ssyncset.done $0x0  }
0x67: {  	[sflag:s13] =	ssyncadd.s32 $0xFFFFFF80  }
0x68: {  	_ =	swait.ge [sflag:s13], $0x80  }
0x69: {  	[sflag:s13] =	ssyncset.done $0x0  }
0x6a: {  	[sflag:s13] =	ssyncadd.s32 $0xFFFFFF80  }
0x6b: {  	_ =	swait.ge [sflag:s13], $0x80  }
0x6c: {  	s18 =	sadd.s32 $0x1, s18;
	[sflag:s13] =	ssyncset.done $0x0  }
0x6d: {  	p0 =	sne.s32 s18, s7;
	[sflag:s13] =	ssyncadd.s32 $0xFFFFFF80  }
.Ltmp1:
0x6e: {  	[bflag:$0x0] =	sbarrier.arrive $0xFFFF;
	(pc) =	sbr.rel @p0 .LBB2_1-.Ltmp1, $4  }
0x6f: {  	[hbm:s6@s16], [sflag:s14] =	dma.strided [spmem:s15@s17], $0x50, s10, $0x10   }
0x70: {  	_ =	swait.ge [sflag:s9], $0x50  }
0x71: {  	[sflag:s9] =	ssyncset.done $0x0  }
0x72: {  	[sflag:s9] =	ssyncadd.s32 $0xFFFFFFB0  }
0x73: {  	_ =	sfence.sel $0x180000  }
0x74: {  	[bflag:$0x0] =	sbarrier.arrive $0xFFFF  }
0x75: {  	p0 =	sne.s32 s1, $0x0;
	_ =	strace $0x90000047  }
0x76: {  	s0 =	sadd.s32 @!p0 $0x100000, s0;
	[bflag:$0x2] =	sbarrier.arrive $0xFFFF  }
0x77: {  	[sflag:s0] =	ssyncadd.tile.s32 @!p0 $0x1;
	_ =	shalt  }
.Lfunc_end2:
_tile_overlayer_lowered:
.L_overlay_start_2:
0x78: {  	(tag) =	ssettag $0x2  }
0x79: {  	s0 =	rddreg [dreg:$0x0];
	s2 =	stileid.u32  }
0x7a: {  	s1 =	rddreg [dreg:$0x1];
	p0 =	sne.s32 s2, $0x0  }
0x7b: {  	s3 =	rddreg [dreg:$0x2];
	[bflag:$0x3] =	sbarrier.arrive $0xFFFF;
	s2 =	simm.s32 @!p0 $0x1C03  }
0x7c: {  	[timem:s3], [sflag:s2] =	dma.local @!p0 [hbm:s0], s1  }
0x7d: {  	s0 =	simm.s32 @!p0 $0x3  }
0x7e: {  	_ =	swait.ge @!p0 [sflag:s0], s1  }
0x7f: {  	s1 =	ssub.s32 @!p0 $0x0, s1;
	[sflag:s0] =	ssyncset.done @!p0 $0x0  }
0x80: {  	[sflag:s0] =	ssyncadd.s32 @!p0 s1  }
0x81: {  	[bflag:$0x3] =	sbarrier.arrive $0xFFFF  }
0x82: {  	_ =	shalt  }

</sc_bundles>
